<compile_context>
chip_gen: v7x
topology: tpu7x:2x2x1
jax: 0.10.2.dev20260603
libtpu: 0.0.44.dev20260713+nightly
codegen_flags: <defaults>
</compile_context>

<pallas_src>
import functools

import jax
import jax.numpy as jnp
import numpy as np
from jax import lax
from jax.experimental import pallas as pl
from jax.experimental.pallas import tpu as pltpu
from jax.experimental.pallas import tpu_sc as plsc

N = 10000
E = 320000
D = 128
DE = 16
H = 8
DH = D // H
DFF = 512

TE = 4000
TN = 1000


def _ln(x, g, b, eps=1e-5):
    mu = jnp.mean(x, axis=-1, keepdims=True)
    var = jnp.mean((x - mu) ** 2, axis=-1, keepdims=True)
    return (x - mu) * jax.lax.rsqrt(var + eps) * g + b


def _pre_body(x_ref, wcat_ref, adq_ref, b_ref):
    r = jnp.dot(x_ref[...], wcat_ref[...], preferred_element_type=jnp.float32)
    adq_ref[...] = r[:, :2 * D]
    b_ref[...] = r[:, 2 * D:]


def _pre_call(x, wcat):
    grid = (N // TN,)
    return pl.pallas_call(
        _pre_body,
        grid=grid,
        in_specs=[
            pl.BlockSpec((TN, D), lambda i: (i, 0)),
            pl.BlockSpec((D, 3 * D), lambda i: (0, 0)),
        ],
        out_specs=[
            pl.BlockSpec((TN, 2 * D), lambda i: (i, 0)),
            pl.BlockSpec((TN, D), lambda i: (i, 0)),
        ],
        out_shape=[
            jax.ShapeDtypeStruct((N, 2 * D), jnp.float32),
            jax.ShapeDtypeStruct((N, D), jnp.float32),
        ],
    )(x, wcat)


NC = 2
NS = 16
NW = NC * NS
EPW = E // NW
CG = 80
CHG = EPW // CG
_SC_MESH = dict(core_axis_name="c", subcore_axis_name="s")


def _gather_body(tab_adq, tab_b, dst_hbm, src_hbm, abq_hbm,
                 idxd_all, idxs_all, adqv0, bv0, adqv1, bv1,
                 sga0, sgb0, so0, sga1, sgb1, so1):
    wid = lax.axis_index("s") * NC + lax.axis_index("c")
    base = wid * EPW
    bufs = ((adqv0, bv0, sga0, sgb0, so0),
            (adqv1, bv1, sga1, sgb1, so1))

    pltpu.sync_copy(dst_hbm.at[pl.ds(base, EPW)], idxd_all)
    pltpu.sync_copy(src_hbm.at[pl.ds(base, EPW)], idxs_all)

    def fire(c, buf):
        adqv, bv, sga, sgb, _ = buf
        loc = c * CG
        pltpu.async_copy(tab_adq.at[idxd_all.at[pl.ds(loc, CG)]], adqv, sga)
        pltpu.async_copy(tab_b.at[idxs_all.at[pl.ds(loc, CG)]], bv, sgb)

    def wait_gather(buf):
        adqv, bv, sga, sgb, _ = buf
        pltpu.make_async_copy(tab_adq.at[idxd_all.at[pl.ds(0, CG)]], adqv, sga).wait()
        pltpu.make_async_copy(tab_b.at[idxs_all.at[pl.ds(0, CG)]], bv, sgb).wait()

    def process(c, buf):
        adqv, bv, _, _, so = buf

        def row(i, carry2):
            for j in range(D // 16):
                sl = pl.ds(j * 16, 16)
                adqv[i, sl] = adqv[i, sl] + bv[i, sl]
            return carry2

        lax.fori_loop(0, CG, row, 0, unroll=2)
        pltpu.async_copy(adqv, abq_hbm.at[pl.ds(base + c * CG, CG)], so)

    def wait_out(buf):
        adqv, _, _, _, so = buf
        pltpu.make_async_copy(adqv, abq_hbm.at[pl.ds(base, CG)], so).wait()

    fire(0, bufs[0])

    def step(c, carry):
        for b in range(2):

            @pl.when(c % 2 == b)
            def _():
                buf = bufs[b]
                nbuf = bufs[1 - b]

                @pl.when(c >= 1)
                def _():
                    wait_out(nbuf)

                @pl.when(c + 1 < CHG)
                def _():
                    fire(c + 1, nbuf)

                wait_gather(buf)
                process(c, buf)

        return carry

    lax.fori_loop(0, CHG, step, 0)
    wait_out(bufs[(CHG - 1) % 2])


def _gather_call(tab_adq, tab_b, dst_idx, src_idx):
    mesh = plsc.VectorSubcoreMesh(**_SC_MESH)
    f = functools.partial(
        pl.kernel, mesh=mesh,
        out_type=jax.ShapeDtypeStruct((E, 2 * D), jnp.float32),
        scratch_types=[
            pltpu.VMEM((EPW,), jnp.int32),
            pltpu.VMEM((EPW,), jnp.int32),
            pltpu.VMEM((CG, 2 * D), jnp.float32),
            pltpu.VMEM((CG, D), jnp.float32),
            pltpu.VMEM((CG, 2 * D), jnp.float32),
            pltpu.VMEM((CG, D), jnp.float32),
            pltpu.SemaphoreType.DMA,
            pltpu.SemaphoreType.DMA,
            pltpu.SemaphoreType.DMA,
            pltpu.SemaphoreType.DMA,
            pltpu.SemaphoreType.DMA,
            pltpu.SemaphoreType.DMA,
        ],
    )(_gather_body)
    return f(tab_adq, tab_b, dst_idx, src_idx)


CS = 80
NP = 10240
NPS = NP // NS
ZR = 128


def _make_scatter_body(ncols):
    CHS = EPW // CS

    def body(w_hbm, dst_hbm, z_hbm, s_out,
             idx0, wv0, idx1, wv1, zv, s_sh, sl0, sl1, ss0, ss1):
        cid = lax.axis_index("c")
        sid = lax.axis_index("s")
        wid = sid * NC + cid
        base = wid * EPW
        bufs = ((idx0, wv0, sl0, ss0), (idx1, wv1, sl1, ss1))

        pltpu.sync_copy(z_hbm, zv)
        for t in range(NPS // ZR):
            pltpu.sync_copy(zv, s_sh.at[pl.ds(sid * NPS + t * ZR, ZR)])
        plsc.subcore_barrier()

        def fire_load(c, buf):
            idxv, wv, sl, _ = buf
            off = base + c * CS
            pltpu.async_copy(dst_hbm.at[pl.ds(off, CS)], idxv, sl)
            pltpu.async_copy(w_hbm.at[pl.ds(off, CS)], wv, sl)

        def wait_load(buf):
            idxv, wv, sl, _ = buf
            pltpu.make_async_copy(dst_hbm.at[pl.ds(0, CS)], idxv, sl).wait()
            pltpu.make_async_copy(w_hbm.at[pl.ds(0, CS)], wv, sl).wait()

        def fire_scatter(buf):
            idxv, wv, _, ss = buf
            pltpu.async_copy(wv, s_sh.at[idxv], ss, add=True)

        def wait_scatter(buf):
            idxv, wv, _, ss = buf
            pltpu.make_async_copy(wv, s_sh.at[idxv], ss).wait()

        fire_load(0, bufs[0])

        def step(c, carry):
            for b in range(2):

                @pl.when(c % 2 == b)
                def _():
                    buf = bufs[b]
                    nbuf = bufs[1 - b]

                    @pl.when(c >= 1)
                    def _():
                        wait_scatter(nbuf)

                    @pl.when(c + 1 < CHS)
                    def _():
                        fire_load(c + 1, nbuf)

                    wait_load(buf)
                    fire_scatter(buf)

            return carry

        lax.fori_loop(0, CHS, step, 0)
        wait_scatter(bufs[(CHS - 1) % 2])
        plsc.subcore_barrier()
        row = sid * NPS
        orow = cid * NP + row
        pltpu.sync_copy(s_sh.at[pl.ds(row, NPS)], s_out.at[pl.ds(orow, NPS)])

    return body


def _scatter_call(vals, dst_idx, zrows, ncols):
    mesh = plsc.VectorSubcoreMesh(**_SC_MESH)
    f = functools.partial(
        pl.kernel, mesh=mesh,
        out_type=jax.ShapeDtypeStruct((2 * NP, ncols), jnp.float32),
        scratch_types=[
            pltpu.VMEM((CS,), jnp.int32),
            pltpu.VMEM((CS, ncols), jnp.float32),
            pltpu.VMEM((CS,), jnp.int32),
            pltpu.VMEM((CS, ncols), jnp.float32),
            pltpu.VMEM((ZR, ncols), jnp.float32),
            pltpu.VMEM_SHARED((NP, ncols), jnp.float32),
            pltpu.SemaphoreType.DMA,
            pltpu.SemaphoreType.DMA,
            pltpu.SemaphoreType.DMA,
            pltpu.SemaphoreType.DMA,
        ],
    )(_make_scatter_body(ncols))
    return f(vals, dst_idx, zrows)


def _edge_body(abq_ref, ea_ref, wme_ref, bmem_ref, gmem_ref, bemem_ref,
               weu_ref, beu_ref, geu_ref, beeu_ref, gen_ref, been_ref,
               wk_ref, wv_ref, rt_ref, rb_ref,
               w_ref, p_ref, eau_ref):
    abq = abq_ref[...]
    ab = abq[:, :D]
    q = abq[:, D:]
    ea = ea_ref[...]
    memp = ab + jnp.dot(ea, wme_ref[...], preferred_element_type=jnp.float32) + bmem_ref[...]
    mem = jax.nn.relu(_ln(memp, gmem_ref[...], bemem_ref[...]))
    delta = jax.nn.relu(_ln(
        jnp.dot(mem, weu_ref[...], preferred_element_type=jnp.float32) + beu_ref[...],
        geu_ref[...], beeu_ref[...]))
    eau_ref[...] = _ln(ea + delta, gen_ref[...], been_ref[...])
    k = jnp.dot(mem, wk_ref[...], preferred_element_type=jnp.float32)
    v = jnp.dot(mem, wv_ref[...], preferred_element_type=jnp.float32)
    logits = jnp.dot(q * k, rt_ref[...],
                     preferred_element_type=jnp.float32) * (1.0 / np.sqrt(DH))
    p = jnp.exp(logits)
    pb = jnp.dot(p, rb_ref[...], preferred_element_type=jnp.float32)
    w_ref[...] = pb * v
    p_ref[...] = pb


def _edge_call(abq, ea, wme, bmem, gmem, bemem, weu, beu, geu, beeu,
               gen, been, wk, wv, rt, rb):
    grid = (E // TE,)
    edge_spec = pl.BlockSpec((TE, D), lambda i: (i, 0))
    abq_spec = pl.BlockSpec((TE, 2 * D), lambda i: (i, 0))
    ea_spec = pl.BlockSpec((TE, DE), lambda i: (i, 0))

    def _w(shape):
        return pl.BlockSpec(shape, lambda i: tuple(0 for _ in shape))

    return pl.pallas_call(
        _edge_body,
        grid=grid,
        in_specs=[
            abq_spec, ea_spec,
            _w((DE, D)), _w((1, D)), _w((1, D)), _w((1, D)),
            _w((D, DE)), _w((1, DE)), _w((1, DE)), _w((1, DE)),
            _w((1, DE)), _w((1, DE)),
            _w((D, D)), _w((D, D)), _w((D, H)), _w((H, D)),
        ],
        out_specs=[edge_spec, edge_spec, ea_spec],
        out_shape=[
            jax.ShapeDtypeStruct((E, D), jnp.float32),
            jax.ShapeDtypeStruct((E, D), jnp.float32),
            jax.ShapeDtypeStruct((E, DE), jnp.float32),
        ],
    )(abq, ea, wme, bmem, gmem, bemem, weu, beu, geu, beeu, gen, been,
      wk, wv, rt, rb)


def _node_body(x_ref, s0_ref, s1_ref, den0_ref, den1_ref, wo_ref,
               w1_ref, b1_ref, w2_ref, b2_ref, g1_ref, be1_ref, g2_ref,
               be2_ref, out_ref):
    denb = 1.0 / (den0_ref[...] + den1_ref[...] + 1e-16)
    aggr = jnp.dot((s0_ref[...] + s1_ref[...]) * denb, wo_ref[...],
                   preferred_element_type=jnp.float32)
    h1 = _ln(x_ref[...] + aggr, g1_ref[...], be1_ref[...])
    ffn = jnp.dot(
        jax.nn.relu(jnp.dot(h1, w1_ref[...], preferred_element_type=jnp.float32)
                    + b1_ref[...]),
        w2_ref[...], preferred_element_type=jnp.float32) + b2_ref[...]
    out_ref[...] = _ln(h1 + ffn, g2_ref[...], be2_ref[...])


def _node_call(x, s0, s1, den0, den1, wo, w1, b1, w2, b2, g1, be1, g2, be2):
    grid = (N // TN,)

    def _w(shape):
        return pl.BlockSpec(shape, lambda i: tuple(0 for _ in shape))

    return pl.pallas_call(
        _node_body,
        grid=grid,
        in_specs=[
            pl.BlockSpec((TN, D), lambda i: (i, 0)),
            pl.BlockSpec((TN, D), lambda i: (i, 0)),
            pl.BlockSpec((TN, D), lambda i: (i, 0)),
            pl.BlockSpec((TN, D), lambda i: (i, 0)),
            pl.BlockSpec((TN, D), lambda i: (i, 0)),
            _w((D, D)), _w((D, DFF)), _w((1, DFF)),
            _w((DFF, D)), _w((1, D)), _w((1, D)), _w((1, D)),
            _w((1, D)), _w((1, D)),
        ],
        out_specs=pl.BlockSpec((TN, D), lambda i: (i, 0)),
        out_shape=jax.ShapeDtypeStruct((N, D), jnp.float32),
    )(x, s0, s1, den0, den1, wo, w1, b1, w2, b2, g1, be1, g2, be2)


def kernel(x, edge_index, edge_attr, W_mem, b_mem, g_mem, be_mem,
           W_q, W_k, W_v, W_o, W_eu, b_eu, g_eu, be_eu, g_en, be_en,
           W1, b1, W2, b2, g1, be1, g2, be2):
    src_idx = edge_index[0].astype(jnp.int32)
    dst_idx = edge_index[1].astype(jnp.int32)

    rt = np.zeros((D, H), np.float32)
    for h in range(H):
        rt[h * DH:(h + 1) * DH, h] = 1.0
    rt = jnp.asarray(rt)
    rb = jnp.asarray(rt.T.copy())

    wcat = jnp.concatenate([W_mem[:D], W_q, W_mem[D:2 * D]], axis=1)
    tab_adq, tab_b = _pre_call(x, wcat)

    abq = _gather_call(tab_adq, tab_b, dst_idx, src_idx)

    w, p, eau = _edge_call(
        abq, edge_attr, W_mem[2 * D:],
        b_mem.reshape(1, D), g_mem.reshape(1, D), be_mem.reshape(1, D),
        W_eu, b_eu.reshape(1, DE), g_eu.reshape(1, DE), be_eu.reshape(1, DE),
        g_en.reshape(1, DE), be_en.reshape(1, DE),
        W_k, W_v, rt, rb)

    zs = jnp.zeros((ZR, D), jnp.float32)
    s_all = _scatter_call(w, dst_idx, zs, D)
    den_all = _scatter_call(p, dst_idx, zs, D)
    s0 = lax.slice(s_all, (0, 0), (N, D))
    s1 = lax.slice(s_all, (NP, 0), (NP + N, D))
    den0 = lax.slice(den_all, (0, 0), (N, D))
    den1 = lax.slice(den_all, (NP, 0), (NP + N, D))

    out = _node_call(x, s0, s1, den0, den1, W_o, W1, b1.reshape(1, DFF), W2,
                     b2.reshape(1, D), g1.reshape(1, D), be1.reshape(1, D),
                     g2.reshape(1, D), be2.reshape(1, D))
    return (out, eau)

# --- scband reference (transcript-rebuilt; emitter-appended) ---
"""Pipeline reference for scband-simpl-55722905698630 (READ-ONLY COPY).

The authoritative reference and input builder live on the scoring server;
editing this copy changes nothing except your own understanding.
"""

import jax, jax.numpy as jnp
import numpy as np

N = 10000
E = 320000
D = 128
DE = 16
H = 8
DH = D // H
DFF = 512


def layer_norm(x, g, b, eps=1e-5):
    mu = jnp.mean(x, axis=-1, keepdims=True)
    var = jnp.mean((x - mu) ** 2, axis=-1, keepdims=True)
    return (x - mu) / jnp.sqrt(var + eps) * g + b


def setup_inputs(seed: int = 0) -> dict:
    key = jax.random.key(seed)
    ks = jax.random.split(key, 24)
    s = 0.02
    inp = {}
    inp['x'] = jax.random.normal(ks[0], (N, D), dtype=jnp.float32)
    inp['edge_index'] = jax.random.randint(ks[1], (2, E), 0, N, dtype=jnp.int32).astype(jnp.int64)
    inp['edge_attr'] = jax.random.normal(ks[2], (E, DE), dtype=jnp.float32)
    # memory_proj: Linear(2*D+DE -> D) + LayerNorm(D)
    inp['W_mem'] = jax.random.normal(ks[3], (2 * D + DE, D), dtype=jnp.float32) * s
    inp['b_mem'] = jnp.zeros((D,), dtype=jnp.float32)
    inp['g_mem'] = jnp.ones((D,), dtype=jnp.float32)
    inp['be_mem'] = jnp.zeros((D,), dtype=jnp.float32)
    # attention projections (no bias)
    inp['W_q'] = jax.random.normal(ks[4], (D, D), dtype=jnp.float32) * s
    inp['W_k'] = jax.random.normal(ks[5], (D, D), dtype=jnp.float32) * s
    inp['W_v'] = jax.random.normal(ks[6], (D, D), dtype=jnp.float32) * s
    inp['W_o'] = jax.random.normal(ks[7], (D, D), dtype=jnp.float32) * s
    # edge update block: Linear(D -> DE) + LayerNorm(DE); edge_norm LayerNorm(DE)
    inp['W_eu'] = jax.random.normal(ks[8], (D, DE), dtype=jnp.float32) * s
    inp['b_eu'] = jnp.zeros((DE,), dtype=jnp.float32)
    inp['g_eu'] = jnp.ones((DE,), dtype=jnp.float32)
    inp['be_eu'] = jnp.zeros((DE,), dtype=jnp.float32)
    inp['g_en'] = jnp.ones((DE,), dtype=jnp.float32)
    inp['be_en'] = jnp.zeros((DE,), dtype=jnp.float32)
    # ffn: Linear(D->DFF), ReLU, Linear(DFF->D)
    inp['W1'] = jax.random.normal(ks[9], (D, DFF), dtype=jnp.float32) * s
    inp['b1'] = jnp.zeros((DFF,), dtype=jnp.float32)
    inp['W2'] = jax.random.normal(ks[10], (DFF, D), dtype=jnp.float32) * s
    inp['b2'] = jnp.zeros((D,), dtype=jnp.float32)
    # norm1 / norm2
    inp['g1'] = jnp.ones((D,), dtype=jnp.float32)
    inp['be1'] = jnp.zeros((D,), dtype=jnp.float32)
    inp['g2'] = jnp.ones((D,), dtype=jnp.float32)
    inp['be2'] = jnp.zeros((D,), dtype=jnp.float32)
    return inp


def reference(x, edge_index, edge_attr, W_mem, b_mem, g_mem, be_mem,
              W_q, W_k, W_v, W_o, W_eu, b_eu, g_eu, be_eu, g_en, be_en,
              W1, b1, W2, b2, g1, be1, g2, be2):
    src_idx = edge_index[0]
    dst_idx = edge_index[1]
    src = jnp.take(x, src_idx, axis=0)
    dst = jnp.take(x, dst_idx, axis=0)
    # build_mem
    mem = jnp.concatenate([dst, src, edge_attr], axis=-1) @ W_mem + b_mem
    mem = jax.nn.relu(layer_norm(mem, g_mem, be_mem))
    delta = jax.nn.relu(layer_norm(mem @ W_eu + b_eu, g_eu, be_eu))
    edge_attr_u = layer_norm(edge_attr + delta, g_en, be_en)
    # message: per-edge attention over dst segments
    q = (dst @ W_q).reshape(E, H, DH)
    k = (mem @ W_k).reshape(E, H, DH)
    v = (mem @ W_v).reshape(E, H, DH)
    logits = jnp.sum(q * k, axis=-1) / jnp.sqrt(jnp.float32(DH))  # [E, H]
    seg_max = jax.ops.segment_max(logits, dst_idx, num_segments=N)
    seg_max = jnp.where(jnp.isfinite(seg_max), seg_max, 0.0)
    num = jnp.exp(logits - seg_max[dst_idx])
    den = jax.ops.segment_sum(num, dst_idx, num_segments=N)[dst_idx] + 1e-16
    attn = num / den
    msg = (attn[..., None] * v).reshape(E, D) @ W_o
    # aggregate (add) + update (dropout=0 -> identity)
    aggr = jax.ops.segment_sum(msg, dst_idx, num_segments=N)
    # residual + norms + ffn
    h = layer_norm(x + aggr, g1, be1)
    ffn = jax.nn.relu(h @ W1 + b1) @ W2 + b2
    out = layer_norm(h + ffn, g2, be2)
    return (out, edge_attr_u)

if __name__ == "__main__":
    import jax
    _d = setup_inputs()
    print(jax.jit(kernel)(*tuple(_d.values())))

</pallas_src>

<mosaic_0001>
#map = affine_map<(d0, d1) -> (0, 0)>
#map1 = affine_map<(d0, d1) -> (0)>
module attributes {stable_mosaic.version = 14 : i64} {
  func.func @body(%arg0: i32, %arg1: i32, %arg2: memref<320000x128xf32, #tpu.memory_space<hbm>>, %arg3: memref<320000xi32, #tpu.memory_space<hbm>>, %arg4: memref<128x128xf32, #tpu.memory_space<hbm>>, %arg5: memref<20480x128xf32, #tpu.memory_space<hbm>>, %arg6: memref<80xi32, #tpu.memory_space<vmem>>, %arg7: memref<80x128xf32, #tpu.memory_space<vmem>>, %arg8: memref<80xi32, #tpu.memory_space<vmem>>, %arg9: memref<80x128xf32, #tpu.memory_space<vmem>>, %arg10: memref<128x128xf32, #tpu.memory_space<vmem>>, %arg11: memref<10240x128xf32, #tpu.memory_space<vmem_shared>>, %arg12: memref<!tpu.dma_semaphore, #tpu.memory_space<semaphore_mem>>, %arg13: memref<!tpu.dma_semaphore, #tpu.memory_space<semaphore_mem>>, %arg14: memref<!tpu.dma_semaphore, #tpu.memory_space<semaphore_mem>>, %arg15: memref<!tpu.dma_semaphore, #tpu.memory_space<semaphore_mem>>) attributes {dimension_semantics = [#tpu.dimension_semantics<core_parallel>, #tpu.dimension_semantics<subcore_parallel>], iteration_bounds = array<i64: 2, 16>, scalar_prefetch = 0 : i64, scratch_operands = 10 : i64, tpu.core_type = #tpu.core_type<sc_vector_subcore>, window_params = [{transform_indices = #map}, {transform_indices = #map1}, {transform_indices = #map}, {transform_indices = #map}]} {
    %mul3A = arith.constant 2 : i32
    %mul3A_0 = arith.muli %arg1, %mul3A : i32
    %add3A = arith.addi %mul3A_0, %arg0 : i32
    %mul3A_1 = arith.constant 10000 : i32
    %mul3A_2 = arith.muli %add3A, %mul3A_1 : i32
    "tpu.region"() ({
      %run_scoped3A = tpu.sem_alloc : memref<!tpu.dma_semaphore, #tpu.memory_space<semaphore_mem>>
      tpu.enqueue_dma source(%arg4 : memref<128x128xf32, #tpu.memory_space<hbm>>) target(%arg10 : memref<128x128xf32, #tpu.memory_space<vmem>>) target_semaphore(%run_scoped3A : memref<!tpu.dma_semaphore, #tpu.memory_space<semaphore_mem>>)
      tpu.wait_dma2 semaphore(%run_scoped3A : memref<!tpu.dma_semaphore, #tpu.memory_space<semaphore_mem>>) src(%arg4 : memref<128x128xf32, #tpu.memory_space<hbm>>) dst(%arg10 : memref<128x128xf32, #tpu.memory_space<vmem>>)
      tpu.yield
    }) : () -> ()
    %mul3A_3 = arith.constant 640 : i32
    %mul3A_4 = arith.muli %arg1, %mul3A_3 : i32
    %add3A_5 = arith.constant 0 : i32
    %add3A_6 = arith.addi %mul3A_4, %add3A_5 : i32
    "tpu.region"() ({
      %run_scoped3A = tpu.sem_alloc : memref<!tpu.dma_semaphore, #tpu.memory_space<semaphore_mem>>
      %dma_start3A_43 = arith.constant 0 : i32
      %dma_start3A_44 = tpu.memref_slice %arg11[%add3A_6, %dma_start3A_43] : memref<10240x128xf32, #tpu.memory_space<vmem_shared>> -> memref<128x128xf32, #tpu.memory_space<vmem_shared>>
      %dma_start3A_45 = arith.constant 0 : i32
      %dma_start3A_46 = tpu.memref_slice %arg11[%add3A_6, %dma_start3A_45] : memref<10240x128xf32, #tpu.memory_space<vmem_shared>> -> memref<128x128xf32, #tpu.memory_space<vmem_shared>>
      tpu.enqueue_dma source(%arg10 : memref<128x128xf32, #tpu.memory_space<vmem>>) target(%dma_start3A_46 : memref<128x128xf32, #tpu.memory_space<vmem_shared>>) target_semaphore(%run_scoped3A : memref<!tpu.dma_semaphore, #tpu.memory_space<semaphore_mem>>)
      %dma_wait3A_47 = arith.constant 0 : i32
      %dma_wait3A_48 = tpu.memref_slice %arg11[%add3A_6, %dma_wait3A_47] : memref<10240x128xf32, #tpu.memory_space<vmem_shared>> -> memref<128x128xf32, #tpu.memory_space<vmem_shared>>
      %dma_wait3A_49 = arith.constant 0 : i32
      %dma_wait3A_50 = tpu.memref_slice %arg11[%add3A_6, %dma_wait3A_49] : memref<10240x128xf32, #tpu.memory_space<vmem_shared>> -> memref<128x128xf32, #tpu.memory_space<vmem_shared>>
      tpu.wait_dma2 semaphore(%run_scoped3A : memref<!tpu.dma_semaphore, #tpu.memory_space<semaphore_mem>>) src(%arg10 : memref<128x128xf32, #tpu.memory_space<vmem>>) dst(%dma_wait3A_50 : memref<128x128xf32, #tpu.memory_space<vmem_shared>>)
      tpu.yield
    }) : () -> ()
    %mul3A_7 = arith.constant 640 : i32
    %mul3A_8 = arith.muli %arg1, %mul3A_7 : i32
    %add3A_9 = arith.constant 128 : i32
    %add3A_10 = arith.addi %mul3A_8, %add3A_9 : i32
    "tpu.region"() ({
      %run_scoped3A = tpu.sem_alloc : memref<!tpu.dma_semaphore, #tpu.memory_space<semaphore_mem>>
      %dma_start3A_43 = arith.constant 0 : i32
      %dma_start3A_44 = tpu.memref_slice %arg11[%add3A_10, %dma_start3A_43] : memref<10240x128xf32, #tpu.memory_space<vmem_shared>> -> memref<128x128xf32, #tpu.memory_space<vmem_shared>>
      %dma_start3A_45 = arith.constant 0 : i32
      %dma_start3A_46 = tpu.memref_slice %arg11[%add3A_10, %dma_start3A_45] : memref<10240x128xf32, #tpu.memory_space<vmem_shared>> -> memref<128x128xf32, #tpu.memory_space<vmem_shared>>
      tpu.enqueue_dma source(%arg10 : memref<128x128xf32, #tpu.memory_space<vmem>>) target(%dma_start3A_46 : memref<128x128xf32, #tpu.memory_space<vmem_shared>>) target_semaphore(%run_scoped3A : memref<!tpu.dma_semaphore, #tpu.memory_space<semaphore_mem>>)
      %dma_wait3A_47 = arith.constant 0 : i32
      %dma_wait3A_48 = tpu.memref_slice %arg11[%add3A_10, %dma_wait3A_47] : memref<10240x128xf32, #tpu.memory_space<vmem_shared>> -> memref<128x128xf32, #tpu.memory_space<vmem_shared>>
      %dma_wait3A_49 = arith.constant 0 : i32
      %dma_wait3A_50 = tpu.memref_slice %arg11[%add3A_10, %dma_wait3A_49] : memref<10240x128xf32, #tpu.memory_space<vmem_shared>> -> memref<128x128xf32, #tpu.memory_space<vmem_shared>>
      tpu.wait_dma2 semaphore(%run_scoped3A : memref<!tpu.dma_semaphore, #tpu.memory_space<semaphore_mem>>) src(%arg10 : memref<128x128xf32, #tpu.memory_space<vmem>>) dst(%dma_wait3A_50 : memref<128x128xf32, #tpu.memory_space<vmem_shared>>)
      tpu.yield
    }) : () -> ()
    %mul3A_11 = arith.constant 640 : i32
    %mul3A_12 = arith.muli %arg1, %mul3A_11 : i32
    %add3A_13 = arith.constant 256 : i32
    %add3A_14 = arith.addi %mul3A_12, %add3A_13 : i32
    "tpu.region"() ({
      %run_scoped3A = tpu.sem_alloc : memref<!tpu.dma_semaphore, #tpu.memory_space<semaphore_mem>>
      %dma_start3A_43 = arith.constant 0 : i32
      %dma_start3A_44 = tpu.memref_slice %arg11[%add3A_14, %dma_start3A_43] : memref<10240x128xf32, #tpu.memory_space<vmem_shared>> -> memref<128x128xf32, #tpu.memory_space<vmem_shared>>
      %dma_start3A_45 = arith.constant 0 : i32
      %dma_start3A_46 = tpu.memref_slice %arg11[%add3A_14, %dma_start3A_45] : memref<10240x128xf32, #tpu.memory_space<vmem_shared>> -> memref<128x128xf32, #tpu.memory_space<vmem_shared>>
      tpu.enqueue_dma source(%arg10 : memref<128x128xf32, #tpu.memory_space<vmem>>) target(%dma_start3A_46 : memref<128x128xf32, #tpu.memory_space<vmem_shared>>) target_semaphore(%run_scoped3A : memref<!tpu.dma_semaphore, #tpu.memory_space<semaphore_mem>>)
      %dma_wait3A_47 = arith.constant 0 : i32
      %dma_wait3A_48 = tpu.memref_slice %arg11[%add3A_14, %dma_wait3A_47] : memref<10240x128xf32, #tpu.memory_space<vmem_shared>> -> memref<128x128xf32, #tpu.memory_space<vmem_shared>>
      %dma_wait3A_49 = arith.constant 0 : i32
      %dma_wait3A_50 = tpu.memref_slice %arg11[%add3A_14, %dma_wait3A_49] : memref<10240x128xf32, #tpu.memory_space<vmem_shared>> -> memref<128x128xf32, #tpu.memory_space<vmem_shared>>
      tpu.wait_dma2 semaphore(%run_scoped3A : memref<!tpu.dma_semaphore, #tpu.memory_space<semaphore_mem>>) src(%arg10 : memref<128x128xf32, #tpu.memory_space<vmem>>) dst(%dma_wait3A_50 : memref<128x128xf32, #tpu.memory_space<vmem_shared>>)
      tpu.yield
    }) : () -> ()
    %mul3A_15 = arith.constant 640 : i32
    %mul3A_16 = arith.muli %arg1, %mul3A_15 : i32
    %add3A_17 = arith.constant 384 : i32
    %add3A_18 = arith.addi %mul3A_16, %add3A_17 : i32
    "tpu.region"() ({
      %run_scoped3A = tpu.sem_alloc : memref<!tpu.dma_semaphore, #tpu.memory_space<semaphore_mem>>
      %dma_start3A_43 = arith.constant 0 : i32
      %dma_start3A_44 = tpu.memref_slice %arg11[%add3A_18, %dma_start3A_43] : memref<10240x128xf32, #tpu.memory_space<vmem_shared>> -> memref<128x128xf32, #tpu.memory_space<vmem_shared>>
      %dma_start3A_45 = arith.constant 0 : i32
      %dma_start3A_46 = tpu.memref_slice %arg11[%add3A_18, %dma_start3A_45] : memref<10240x128xf32, #tpu.memory_space<vmem_shared>> -> memref<128x128xf32, #tpu.memory_space<vmem_shared>>
      tpu.enqueue_dma source(%arg10 : memref<128x128xf32, #tpu.memory_space<vmem>>) target(%dma_start3A_46 : memref<128x128xf32, #tpu.memory_space<vmem_shared>>) target_semaphore(%run_scoped3A : memref<!tpu.dma_semaphore, #tpu.memory_space<semaphore_mem>>)
      %dma_wait3A_47 = arith.constant 0 : i32
      %dma_wait3A_48 = tpu.memref_slice %arg11[%add3A_18, %dma_wait3A_47] : memref<10240x128xf32, #tpu.memory_space<vmem_shared>> -> memref<128x128xf32, #tpu.memory_space<vmem_shared>>
      %dma_wait3A_49 = arith.constant 0 : i32
      %dma_wait3A_50 = tpu.memref_slice %arg11[%add3A_18, %dma_wait3A_49] : memref<10240x128xf32, #tpu.memory_space<vmem_shared>> -> memref<128x128xf32, #tpu.memory_space<vmem_shared>>
      tpu.wait_dma2 semaphore(%run_scoped3A : memref<!tpu.dma_semaphore, #tpu.memory_space<semaphore_mem>>) src(%arg10 : memref<128x128xf32, #tpu.memory_space<vmem>>) dst(%dma_wait3A_50 : memref<128x128xf32, #tpu.memory_space<vmem_shared>>)
      tpu.yield
    }) : () -> ()
    %mul3A_19 = arith.constant 640 : i32
    %mul3A_20 = arith.muli %arg1, %mul3A_19 : i32
    %add3A_21 = arith.constant 512 : i32
    %add3A_22 = arith.addi %mul3A_20, %add3A_21 : i32
    "tpu.region"() ({
      %run_scoped3A = tpu.sem_alloc : memref<!tpu.dma_semaphore, #tpu.memory_space<semaphore_mem>>
      %dma_start3A_43 = arith.constant 0 : i32
      %dma_start3A_44 = tpu.memref_slice %arg11[%add3A_22, %dma_start3A_43] : memref<10240x128xf32, #tpu.memory_space<vmem_shared>> -> memref<128x128xf32, #tpu.memory_space<vmem_shared>>
      %dma_start3A_45 = arith.constant 0 : i32
      %dma_start3A_46 = tpu.memref_slice %arg11[%add3A_22, %dma_start3A_45] : memref<10240x128xf32, #tpu.memory_space<vmem_shared>> -> memref<128x128xf32, #tpu.memory_space<vmem_shared>>
      tpu.enqueue_dma source(%arg10 : memref<128x128xf32, #tpu.memory_space<vmem>>) target(%dma_start3A_46 : memref<128x128xf32, #tpu.memory_space<vmem_shared>>) target_semaphore(%run_scoped3A : memref<!tpu.dma_semaphore, #tpu.memory_space<semaphore_mem>>)
      %dma_wait3A_47 = arith.constant 0 : i32
      %dma_wait3A_48 = tpu.memref_slice %arg11[%add3A_22, %dma_wait3A_47] : memref<10240x128xf32, #tpu.memory_space<vmem_shared>> -> memref<128x128xf32, #tpu.memory_space<vmem_shared>>
      %dma_wait3A_49 = arith.constant 0 : i32
      %dma_wait3A_50 = tpu.memref_slice %arg11[%add3A_22, %dma_wait3A_49] : memref<10240x128xf32, #tpu.memory_space<vmem_shared>> -> memref<128x128xf32, #tpu.memory_space<vmem_shared>>
      tpu.wait_dma2 semaphore(%run_scoped3A : memref<!tpu.dma_semaphore, #tpu.memory_space<semaphore_mem>>) src(%arg10 : memref<128x128xf32, #tpu.memory_space<vmem>>) dst(%dma_wait3A_50 : memref<128x128xf32, #tpu.memory_space<vmem_shared>>)
      tpu.yield
    }) : () -> ()
    %barrier3A = arith.constant 0 : index
    tpu.barrier barrier_id(%barrier3A)
    %add3A_23 = arith.constant 0 : i32
    %add3A_24 = arith.addi %mul3A_2, %add3A_23 : i32
    %dma_start3A = tpu.memref_slice %arg3[%add3A_24] : memref<320000xi32, #tpu.memory_space<hbm>> -> memref<80xi32, #tpu.memory_space<hbm>>
    %dma_start3A_25 = tpu.memref_slice %arg3[%add3A_24] : memref<320000xi32, #tpu.memory_space<hbm>> -> memref<80xi32, #tpu.memory_space<hbm>>
    tpu.enqueue_dma source(%dma_start3A_25 : memref<80xi32, #tpu.memory_space<hbm>>) target(%arg6 : memref<80xi32, #tpu.memory_space<vmem>>) target_semaphore(%arg12 : memref<!tpu.dma_semaphore, #tpu.memory_space<semaphore_mem>>)
    %dma_start3A_26 = arith.constant 0 : i32
    %dma_start3A_27 = tpu.memref_slice %arg2[%add3A_24, %dma_start3A_26] : memref<320000x128xf32, #tpu.memory_space<hbm>> -> memref<80x128xf32, #tpu.memory_space<hbm>>
    %dma_start3A_28 = arith.constant 0 : i32
    %dma_start3A_29 = tpu.memref_slice %arg2[%add3A_24, %dma_start3A_28] : memref<320000x128xf32, #tpu.memory_space<hbm>> -> memref<80x128xf32, #tpu.memory_space<hbm>>
    tpu.enqueue_dma source(%dma_start3A_29 : memref<80x128xf32, #tpu.memory_space<hbm>>) target(%arg7 : memref<80x128xf32, #tpu.memory_space<vmem>>) target_semaphore(%arg12 : memref<!tpu.dma_semaphore, #tpu.memory_space<semaphore_mem>>)
    %scan3A = arith.constant 0 : i32
    %scan3A_30 = arith.constant 0 : i32
    %scan3A_31 = arith.constant 125 : i32
    %scan3A_32 = arith.addi %scan3A_30, %scan3A_31 : i32
    %scan3A_33 = arith.constant 1 : i32
    scf.for %scan3A_43 = %scan3A_30 to %scan3A_32 step %scan3A_33  : i32 {
      %jit3A = arith.constant 2 : i32
      %eq3A = arith.constant 0 : i32
      %eq3A_44 = arith.cmpi eq, %jit3A, %eq3A : i32
      %jit3A_45 = arith.constant 1 : i32
      %select_n3A = arith.select %eq3A_44, %jit3A_45, %jit3A : i32
      %rem3A = arith.remsi %scan3A_43, %select_n3A : i32
      %ne3A = arith.constant 0 : i32
      %ne3A_46 = arith.cmpi ne, %rem3A, %ne3A : i32
      %lt3A = arith.constant 0 : i32
      %lt3A_47 = arith.cmpi slt, %rem3A, %lt3A : i32
      %lt3A_48 = arith.constant 0 : i32
      %lt3A_49 = arith.cmpi slt, %select_n3A, %lt3A_48 : i32
      %ne3A_50 = arith.xori %lt3A_47, %lt3A_49 : i1
      %and3A = arith.andi %ne3A_50, %ne3A_46 : i1
      %add3A_51 = arith.addi %rem3A, %select_n3A : i32
      %select_n3A_52 = arith.select %and3A, %add3A_51, %rem3A : i32
      %eq3A_53 = arith.constant 0 : i32
      %eq3A_54 = arith.cmpi eq, %select_n3A_52, %eq3A_53 : i32
      %convert_element_type3A = arith.extui %eq3A_54 : i1 to i32
      %cond3A = arith.constant 0 : i32
      %cond3A_55 = arith.cmpi ne, %convert_element_type3A, %cond3A : i32
      scf.if %cond3A_55 {
        %ge3A = arith.constant 1 : i32
        %ge3A_77 = arith.cmpi sge, %scan3A_43, %ge3A : i32
        %convert_element_type3A_78 = arith.extui %ge3A_77 : i1 to i32
        %cond3A_79 = arith.constant 0 : i32
        %cond3A_80 = arith.cmpi ne, %convert_element_type3A_78, %cond3A_79 : i32
        scf.if %cond3A_80 {
          %dma_wait3A_101 = arith.constant 0 : i32
          %dma_wait3A_102 = arith.constant 0 : i32
          %dma_wait3A_103 = tpu.memref_slice %arg11[%dma_wait3A_101, %dma_wait3A_102] : memref<10240x128xf32, #tpu.memory_space<vmem_shared>> -> memref<10240x128xf32, #tpu.memory_space<vmem_shared>>
          tpu.wait_indirect_dma semaphore(%arg15 : memref<!tpu.dma_semaphore, #tpu.memory_space<semaphore_mem>>) src(%arg9 : memref<80x128xf32, #tpu.memory_space<vmem>>) dst(%dma_wait3A_103 : memref<10240x128xf32, #tpu.memory_space<vmem_shared>>)
        } else {
        }
        %add3A_81 = arith.constant 1 : i32
        %add3A_82 = arith.addi %scan3A_43, %add3A_81 : i32
        %lt3A_83 = arith.constant 125 : i32
        %lt3A_84 = arith.cmpi slt, %add3A_82, %lt3A_83 : i32
        %convert_element_type3A_85 = arith.extui %lt3A_84 : i1 to i32
        %cond3A_86 = arith.constant 0 : i32
        %cond3A_87 = arith.cmpi ne, %convert_element_type3A_85, %cond3A_86 : i32
        scf.if %cond3A_87 {
          %add3A_101 = arith.constant 1 : i32
          %add3A_102 = arith.addi %scan3A_43, %add3A_101 : i32
          %mul3A_103 = arith.constant 80 : i32
          %mul3A_104 = arith.muli %add3A_102, %mul3A_103 : i32
          %add3A_105 = arith.addi %mul3A_2, %mul3A_104 : i32
          %dma_start3A_106 = tpu.memref_slice %arg3[%add3A_105] : memref<320000xi32, #tpu.memory_space<hbm>> -> memref<80xi32, #tpu.memory_space<hbm>>
          %dma_start3A_107 = tpu.memref_slice %arg3[%add3A_105] : memref<320000xi32, #tpu.memory_space<hbm>> -> memref<80xi32, #tpu.memory_space<hbm>>
          tpu.enqueue_dma source(%dma_start3A_107 : memref<80xi32, #tpu.memory_space<hbm>>) target(%arg8 : memref<80xi32, #tpu.memory_space<vmem>>) target_semaphore(%arg13 : memref<!tpu.dma_semaphore, #tpu.memory_space<semaphore_mem>>)
          %dma_start3A_108 = arith.constant 0 : i32
          %dma_start3A_109 = tpu.memref_slice %arg2[%add3A_105, %dma_start3A_108] : memref<320000x128xf32, #tpu.memory_space<hbm>> -> memref<80x128xf32, #tpu.memory_space<hbm>>
          %dma_start3A_110 = arith.constant 0 : i32
          %dma_start3A_111 = tpu.memref_slice %arg2[%add3A_105, %dma_start3A_110] : memref<320000x128xf32, #tpu.memory_space<hbm>> -> memref<80x128xf32, #tpu.memory_space<hbm>>
          tpu.enqueue_dma source(%dma_start3A_111 : memref<80x128xf32, #tpu.memory_space<hbm>>) target(%arg9 : memref<80x128xf32, #tpu.memory_space<vmem>>) target_semaphore(%arg13 : memref<!tpu.dma_semaphore, #tpu.memory_space<semaphore_mem>>)
        } else {
        }
        %dma_wait3A_88 = arith.constant 0 : i32
        %dma_wait3A_89 = tpu.memref_slice %arg3[%dma_wait3A_88] : memref<320000xi32, #tpu.memory_space<hbm>> -> memref<80xi32, #tpu.memory_space<hbm>>
        %dma_wait3A_90 = arith.constant 0 : i32
        %dma_wait3A_91 = tpu.memref_slice %arg3[%dma_wait3A_90] : memref<320000xi32, #tpu.memory_space<hbm>> -> memref<80xi32, #tpu.memory_space<hbm>>
        tpu.wait_dma2 semaphore(%arg12 : memref<!tpu.dma_semaphore, #tpu.memory_space<semaphore_mem>>) src(%dma_wait3A_91 : memref<80xi32, #tpu.memory_space<hbm>>) dst(%arg6 : memref<80xi32, #tpu.memory_space<vmem>>)
        %dma_wait3A_92 = arith.constant 0 : i32
        %dma_wait3A_93 = arith.constant 0 : i32
        %dma_wait3A_94 = tpu.memref_slice %arg2[%dma_wait3A_92, %dma_wait3A_93] : memref<320000x128xf32, #tpu.memory_space<hbm>> -> memref<80x128xf32, #tpu.memory_space<hbm>>
        %dma_wait3A_95 = arith.constant 0 : i32
        %dma_wait3A_96 = arith.constant 0 : i32
        %dma_wait3A_97 = tpu.memref_slice %arg2[%dma_wait3A_95, %dma_wait3A_96] : memref<320000x128xf32, #tpu.memory_space<hbm>> -> memref<80x128xf32, #tpu.memory_space<hbm>>
        tpu.wait_dma2 semaphore(%arg12 : memref<!tpu.dma_semaphore, #tpu.memory_space<semaphore_mem>>) src(%dma_wait3A_97 : memref<80x128xf32, #tpu.memory_space<hbm>>) dst(%arg7 : memref<80x128xf32, #tpu.memory_space<vmem>>)
        %dma_start3A_98 = arith.constant 0 : i32
        %dma_start3A_99 = arith.constant 0 : i32
        %dma_start3A_100 = tpu.memref_slice %arg11[%dma_start3A_98, %dma_start3A_99] : memref<10240x128xf32, #tpu.memory_space<vmem_shared>> -> memref<10240x128xf32, #tpu.memory_space<vmem_shared>>
        tpu.enqueue_indirect_dma source(%arg7 : memref<80x128xf32, #tpu.memory_space<vmem>>) target(%dma_start3A_100 : memref<10240x128xf32, #tpu.memory_space<vmem_shared>>) offsets(%arg6 : memref<80xi32, #tpu.memory_space<vmem>>) semaphore(%arg14 : memref<!tpu.dma_semaphore, #tpu.memory_space<semaphore_mem>>) {add = true}
      } else {
      }
      %jit3A_56 = arith.constant 2 : i32
      %eq3A_57 = arith.constant 0 : i32
      %eq3A_58 = arith.cmpi eq, %jit3A_56, %eq3A_57 : i32
      %jit3A_59 = arith.constant 1 : i32
      %select_n3A_60 = arith.select %eq3A_58, %jit3A_59, %jit3A_56 : i32
      %rem3A_61 = arith.remsi %scan3A_43, %select_n3A_60 : i32
      %ne3A_62 = arith.constant 0 : i32
      %ne3A_63 = arith.cmpi ne, %rem3A_61, %ne3A_62 : i32
      %lt3A_64 = arith.constant 0 : i32
      %lt3A_65 = arith.cmpi slt, %rem3A_61, %lt3A_64 : i32
      %lt3A_66 = arith.constant 0 : i32
      %lt3A_67 = arith.cmpi slt, %select_n3A_60, %lt3A_66 : i32
      %ne3A_68 = arith.xori %lt3A_65, %lt3A_67 : i1
      %and3A_69 = arith.andi %ne3A_68, %ne3A_63 : i1
      %add3A_70 = arith.addi %rem3A_61, %select_n3A_60 : i32
      %select_n3A_71 = arith.select %and3A_69, %add3A_70, %rem3A_61 : i32
      %eq3A_72 = arith.constant 1 : i32
      %eq3A_73 = arith.cmpi eq, %select_n3A_71, %eq3A_72 : i32
      %convert_element_type3A_74 = arith.extui %eq3A_73 : i1 to i32
      %cond3A_75 = arith.constant 0 : i32
      %cond3A_76 = arith.cmpi ne, %convert_element_type3A_74, %cond3A_75 : i32
      scf.if %cond3A_76 {
        %ge3A = arith.constant 1 : i32
        %ge3A_77 = arith.cmpi sge, %scan3A_43, %ge3A : i32
        %convert_element_type3A_78 = arith.extui %ge3A_77 : i1 to i32
        %cond3A_79 = arith.constant 0 : i32
        %cond3A_80 = arith.cmpi ne, %convert_element_type3A_78, %cond3A_79 : i32
        scf.if %cond3A_80 {
          %dma_wait3A_101 = arith.constant 0 : i32
          %dma_wait3A_102 = arith.constant 0 : i32
          %dma_wait3A_103 = tpu.memref_slice %arg11[%dma_wait3A_101, %dma_wait3A_102] : memref<10240x128xf32, #tpu.memory_space<vmem_shared>> -> memref<10240x128xf32, #tpu.memory_space<vmem_shared>>
          tpu.wait_indirect_dma semaphore(%arg14 : memref<!tpu.dma_semaphore, #tpu.memory_space<semaphore_mem>>) src(%arg7 : memref<80x128xf32, #tpu.memory_space<vmem>>) dst(%dma_wait3A_103 : memref<10240x128xf32, #tpu.memory_space<vmem_shared>>)
        } else {
        }
        %add3A_81 = arith.constant 1 : i32
        %add3A_82 = arith.addi %scan3A_43, %add3A_81 : i32
        %lt3A_83 = arith.constant 125 : i32
        %lt3A_84 = arith.cmpi slt, %add3A_82, %lt3A_83 : i32
        %convert_element_type3A_85 = arith.extui %lt3A_84 : i1 to i32
        %cond3A_86 = arith.constant 0 : i32
        %cond3A_87 = arith.cmpi ne, %convert_element_type3A_85, %cond3A_86 : i32
        scf.if %cond3A_87 {
          %add3A_101 = arith.constant 1 : i32
          %add3A_102 = arith.addi %scan3A_43, %add3A_101 : i32
          %mul3A_103 = arith.constant 80 : i32
          %mul3A_104 = arith.muli %add3A_102, %mul3A_103 : i32
          %add3A_105 = arith.addi %mul3A_2, %mul3A_104 : i32
          %dma_start3A_106 = tpu.memref_slice %arg3[%add3A_105] : memref<320000xi32, #tpu.memory_space<hbm>> -> memref<80xi32, #tpu.memory_space<hbm>>
          %dma_start3A_107 = tpu.memref_slice %arg3[%add3A_105] : memref<320000xi32, #tpu.memory_space<hbm>> -> memref<80xi32, #tpu.memory_space<hbm>>
          tpu.enqueue_dma source(%dma_start3A_107 : memref<80xi32, #tpu.memory_space<hbm>>) target(%arg6 : memref<80xi32, #tpu.memory_space<vmem>>) target_semaphore(%arg12 : memref<!tpu.dma_semaphore, #tpu.memory_space<semaphore_mem>>)
          %dma_start3A_108 = arith.constant 0 : i32
          %dma_start3A_109 = tpu.memref_slice %arg2[%add3A_105, %dma_start3A_108] : memref<320000x128xf32, #tpu.memory_space<hbm>> -> memref<80x128xf32, #tpu.memory_space<hbm>>
          %dma_start3A_110 = arith.constant 0 : i32
          %dma_start3A_111 = tpu.memref_slice %arg2[%add3A_105, %dma_start3A_110] : memref<320000x128xf32, #tpu.memory_space<hbm>> -> memref<80x128xf32, #tpu.memory_space<hbm>>
          tpu.enqueue_dma source(%dma_start3A_111 : memref<80x128xf32, #tpu.memory_space<hbm>>) target(%arg7 : memref<80x128xf32, #tpu.memory_space<vmem>>) target_semaphore(%arg12 : memref<!tpu.dma_semaphore, #tpu.memory_space<semaphore_mem>>)
        } else {
        }
        %dma_wait3A_88 = arith.constant 0 : i32
        %dma_wait3A_89 = tpu.memref_slice %arg3[%dma_wait3A_88] : memref<320000xi32, #tpu.memory_space<hbm>> -> memref<80xi32, #tpu.memory_space<hbm>>
        %dma_wait3A_90 = arith.constant 0 : i32
        %dma_wait3A_91 = tpu.memref_slice %arg3[%dma_wait3A_90] : memref<320000xi32, #tpu.memory_space<hbm>> -> memref<80xi32, #tpu.memory_space<hbm>>
        tpu.wait_dma2 semaphore(%arg13 : memref<!tpu.dma_semaphore, #tpu.memory_space<semaphore_mem>>) src(%dma_wait3A_91 : memref<80xi32, #tpu.memory_space<hbm>>) dst(%arg8 : memref<80xi32, #tpu.memory_space<vmem>>)
        %dma_wait3A_92 = arith.constant 0 : i32
        %dma_wait3A_93 = arith.constant 0 : i32
        %dma_wait3A_94 = tpu.memref_slice %arg2[%dma_wait3A_92, %dma_wait3A_93] : memref<320000x128xf32, #tpu.memory_space<hbm>> -> memref<80x128xf32, #tpu.memory_space<hbm>>
        %dma_wait3A_95 = arith.constant 0 : i32
        %dma_wait3A_96 = arith.constant 0 : i32
        %dma_wait3A_97 = tpu.memref_slice %arg2[%dma_wait3A_95, %dma_wait3A_96] : memref<320000x128xf32, #tpu.memory_space<hbm>> -> memref<80x128xf32, #tpu.memory_space<hbm>>
        tpu.wait_dma2 semaphore(%arg13 : memref<!tpu.dma_semaphore, #tpu.memory_space<semaphore_mem>>) src(%dma_wait3A_97 : memref<80x128xf32, #tpu.memory_space<hbm>>) dst(%arg9 : memref<80x128xf32, #tpu.memory_space<vmem>>)
        %dma_start3A_98 = arith.constant 0 : i32
        %dma_start3A_99 = arith.constant 0 : i32
        %dma_start3A_100 = tpu.memref_slice %arg11[%dma_start3A_98, %dma_start3A_99] : memref<10240x128xf32, #tpu.memory_space<vmem_shared>> -> memref<10240x128xf32, #tpu.memory_space<vmem_shared>>
        tpu.enqueue_indirect_dma source(%arg9 : memref<80x128xf32, #tpu.memory_space<vmem>>) target(%dma_start3A_100 : memref<10240x128xf32, #tpu.memory_space<vmem_shared>>) offsets(%arg8 : memref<80xi32, #tpu.memory_space<vmem>>) semaphore(%arg15 : memref<!tpu.dma_semaphore, #tpu.memory_space<semaphore_mem>>) {add = true}
      } else {
      }
    }
    %scan3A_34 = arith.constant 125 : i32
    %dma_wait3A = arith.constant 0 : i32
    %dma_wait3A_35 = arith.constant 0 : i32
    %dma_wait3A_36 = tpu.memref_slice %arg11[%dma_wait3A, %dma_wait3A_35] : memref<10240x128xf32, #tpu.memory_space<vmem_shared>> -> memref<10240x128xf32, #tpu.memory_space<vmem_shared>>
    tpu.wait_indirect_dma semaphore(%arg14 : memref<!tpu.dma_semaphore, #tpu.memory_space<semaphore_mem>>) src(%arg7 : memref<80x128xf32, #tpu.memory_space<vmem>>) dst(%dma_wait3A_36 : memref<10240x128xf32, #tpu.memory_space<vmem_shared>>)
    %barrier3A_37 = arith.constant 0 : index
    tpu.barrier barrier_id(%barrier3A_37)
    %mul3A_38 = arith.constant 640 : i32
    %mul3A_39 = arith.muli %arg1, %mul3A_38 : i32
    %mul3A_40 = arith.constant 10240 : i32
    %mul3A_41 = arith.muli %arg0, %mul3A_40 : i32
    %add3A_42 = arith.addi %mul3A_41, %mul3A_39 : i32
    "tpu.region"() ({
      %run_scoped3A = tpu.sem_alloc : memref<!tpu.dma_semaphore, #tpu.memory_space<semaphore_mem>>
      %dma_start3A_43 = arith.constant 0 : i32
      %dma_start3A_44 = tpu.memref_slice %arg5[%add3A_42, %dma_start3A_43] : memref<20480x128xf32, #tpu.memory_space<hbm>> -> memref<640x128xf32, #tpu.memory_space<hbm>>
      %dma_start3A_45 = arith.constant 0 : i32
      %dma_start3A_46 = tpu.memref_slice %arg11[%mul3A_39, %dma_start3A_45] : memref<10240x128xf32, #tpu.memory_space<vmem_shared>> -> memref<640x128xf32, #tpu.memory_space<vmem_shared>>
      tpu.enqueue_dma source(%dma_start3A_46 : memref<640x128xf32, #tpu.memory_space<vmem_shared>>) target(%dma_start3A_44 : memref<640x128xf32, #tpu.memory_space<hbm>>) target_semaphore(%run_scoped3A : memref<!tpu.dma_semaphore, #tpu.memory_space<semaphore_mem>>)
      %dma_wait3A_47 = arith.constant 0 : i32
      %dma_wait3A_48 = tpu.memref_slice %arg5[%add3A_42, %dma_wait3A_47] : memref<20480x128xf32, #tpu.memory_space<hbm>> -> memref<640x128xf32, #tpu.memory_space<hbm>>
      %dma_wait3A_49 = arith.constant 0 : i32
      %dma_wait3A_50 = tpu.memref_slice %arg11[%mul3A_39, %dma_wait3A_49] : memref<10240x128xf32, #tpu.memory_space<vmem_shared>> -> memref<640x128xf32, #tpu.memory_space<vmem_shared>>
      tpu.wait_dma2 semaphore(%run_scoped3A : memref<!tpu.dma_semaphore, #tpu.memory_space<semaphore_mem>>) src(%dma_wait3A_50 : memref<640x128xf32, #tpu.memory_space<vmem_shared>>) dst(%dma_wait3A_48 : memref<640x128xf32, #tpu.memory_space<hbm>>)
      tpu.yield
    }) : () -> ()
    return
  }
}

#map = affine_map<(d0, d1) -> (0, 0)>
#map1 = affine_map<(d0, d1) -> (0)>
module attributes {stable_mosaic.version = 14 : i64} {
  func.func @_gather_body(%arg0: i32, %arg1: i32, %arg2: memref<10000x256xf32, #tpu.memory_space<hbm>>, %arg3: memref<10000x128xf32, #tpu.memory_space<hbm>>, %arg4: memref<320000xi32, #tpu.memory_space<hbm>>, %arg5: memref<320000xi32, #tpu.memory_space<hbm>>, %arg6: memref<320000x256xf32, #tpu.memory_space<hbm>>, %arg7: memref<10000xi32, #tpu.memory_space<vmem>>, %arg8: memref<10000xi32, #tpu.memory_space<vmem>>, %arg9: memref<80x256xf32, #tpu.memory_space<vmem>>, %arg10: memref<80x128xf32, #tpu.memory_space<vmem>>, %arg11: memref<80x256xf32, #tpu.memory_space<vmem>>, %arg12: memref<80x128xf32, #tpu.memory_space<vmem>>, %arg13: memref<!tpu.dma_semaphore, #tpu.memory_space<semaphore_mem>>, %arg14: memref<!tpu.dma_semaphore, #tpu.memory_space<semaphore_mem>>, %arg15: memref<!tpu.dma_semaphore, #tpu.memory_space<semaphore_mem>>, %arg16: memref<!tpu.dma_semaphore, #tpu.memory_space<semaphore_mem>>, %arg17: memref<!tpu.dma_semaphore, #tpu.memory_space<semaphore_mem>>, %arg18: memref<!tpu.dma_semaphore, #tpu.memory_space<semaphore_mem>>) attributes {dimension_semantics = [#tpu.dimension_semantics<core_parallel>, #tpu.dimension_semantics<subcore_parallel>], iteration_bounds = array<i64: 2, 16>, scalar_prefetch = 0 : i64, scratch_operands = 12 : i64, tpu.core_type = #tpu.core_type<sc_vector_subcore>, window_params = [{transform_indices = #map}, {transform_indices = #map}, {transform_indices = #map1}, {transform_indices = #map1}, {transform_indices = #map}]} {
    %mul3A = arith.constant 2 : i32
    %mul3A_0 = arith.muli %arg1, %mul3A : i32
    %add3A = arith.addi %mul3A_0, %arg0 : i32
    %mul3A_1 = arith.constant 10000 : i32
    %mul3A_2 = arith.muli %add3A, %mul3A_1 : i32
    "tpu.region"() ({
      %run_scoped3A = tpu.sem_alloc : memref<!tpu.dma_semaphore, #tpu.memory_space<semaphore_mem>>
      %dma_start3A_20 = tpu.memref_slice %arg4[%mul3A_2] : memref<320000xi32, #tpu.memory_space<hbm>> -> memref<10000xi32, #tpu.memory_space<hbm>>
      %dma_start3A_21 = tpu.memref_slice %arg4[%mul3A_2] : memref<320000xi32, #tpu.memory_space<hbm>> -> memref<10000xi32, #tpu.memory_space<hbm>>
      tpu.enqueue_dma source(%dma_start3A_21 : memref<10000xi32, #tpu.memory_space<hbm>>) target(%arg7 : memref<10000xi32, #tpu.memory_space<vmem>>) target_semaphore(%run_scoped3A : memref<!tpu.dma_semaphore, #tpu.memory_space<semaphore_mem>>)
      %dma_wait3A_22 = tpu.memref_slice %arg4[%mul3A_2] : memref<320000xi32, #tpu.memory_space<hbm>> -> memref<10000xi32, #tpu.memory_space<hbm>>
      %dma_wait3A_23 = tpu.memref_slice %arg4[%mul3A_2] : memref<320000xi32, #tpu.memory_space<hbm>> -> memref<10000xi32, #tpu.memory_space<hbm>>
      tpu.wait_dma2 semaphore(%run_scoped3A : memref<!tpu.dma_semaphore, #tpu.memory_space<semaphore_mem>>) src(%dma_wait3A_23 : memref<10000xi32, #tpu.memory_space<hbm>>) dst(%arg7 : memref<10000xi32, #tpu.memory_space<vmem>>)
      tpu.yield
    }) : () -> ()
    "tpu.region"() ({
      %run_scoped3A = tpu.sem_alloc : memref<!tpu.dma_semaphore, #tpu.memory_space<semaphore_mem>>
      %dma_start3A_20 = tpu.memref_slice %arg5[%mul3A_2] : memref<320000xi32, #tpu.memory_space<hbm>> -> memref<10000xi32, #tpu.memory_space<hbm>>
      %dma_start3A_21 = tpu.memref_slice %arg5[%mul3A_2] : memref<320000xi32, #tpu.memory_space<hbm>> -> memref<10000xi32, #tpu.memory_space<hbm>>
      tpu.enqueue_dma source(%dma_start3A_21 : memref<10000xi32, #tpu.memory_space<hbm>>) target(%arg8 : memref<10000xi32, #tpu.memory_space<vmem>>) target_semaphore(%run_scoped3A : memref<!tpu.dma_semaphore, #tpu.memory_space<semaphore_mem>>)
      %dma_wait3A_22 = tpu.memref_slice %arg5[%mul3A_2] : memref<320000xi32, #tpu.memory_space<hbm>> -> memref<10000xi32, #tpu.memory_space<hbm>>
      %dma_wait3A_23 = tpu.memref_slice %arg5[%mul3A_2] : memref<320000xi32, #tpu.memory_space<hbm>> -> memref<10000xi32, #tpu.memory_space<hbm>>
      tpu.wait_dma2 semaphore(%run_scoped3A : memref<!tpu.dma_semaphore, #tpu.memory_space<semaphore_mem>>) src(%dma_wait3A_23 : memref<10000xi32, #tpu.memory_space<hbm>>) dst(%arg8 : memref<10000xi32, #tpu.memory_space<vmem>>)
      tpu.yield
    }) : () -> ()
    %dma_start3A = arith.constant 0 : i32
    %dma_start3A_3 = tpu.memref_slice %arg7[%dma_start3A] : memref<10000xi32, #tpu.memory_space<vmem>> -> memref<80xi32, #tpu.memory_space<vmem>>
    %dma_start3A_4 = arith.constant 0 : i32
    %dma_start3A_5 = arith.constant 0 : i32
    %dma_start3A_6 = tpu.memref_slice %arg2[%dma_start3A_4, %dma_start3A_5] : memref<10000x256xf32, #tpu.memory_space<hbm>> -> memref<10000x256xf32, #tpu.memory_space<hbm>>
    tpu.enqueue_indirect_dma source(%dma_start3A_6 : memref<10000x256xf32, #tpu.memory_space<hbm>>) target(%arg9 : memref<80x256xf32, #tpu.memory_space<vmem>>) offsets(%dma_start3A_3 : memref<80xi32, #tpu.memory_space<vmem>>) semaphore(%arg13 : memref<!tpu.dma_semaphore, #tpu.memory_space<semaphore_mem>>)
    %dma_start3A_7 = arith.constant 0 : i32
    %dma_start3A_8 = tpu.memref_slice %arg8[%dma_start3A_7] : memref<10000xi32, #tpu.memory_space<vmem>> -> memref<80xi32, #tpu.memory_space<vmem>>
    %dma_start3A_9 = arith.constant 0 : i32
    %dma_start3A_10 = arith.constant 0 : i32
    %dma_start3A_11 = tpu.memref_slice %arg3[%dma_start3A_9, %dma_start3A_10] : memref<10000x128xf32, #tpu.memory_space<hbm>> -> memref<10000x128xf32, #tpu.memory_space<hbm>>
    tpu.enqueue_indirect_dma source(%dma_start3A_11 : memref<10000x128xf32, #tpu.memory_space<hbm>>) target(%arg10 : memref<80x128xf32, #tpu.memory_space<vmem>>) offsets(%dma_start3A_8 : memref<80xi32, #tpu.memory_space<vmem>>) semaphore(%arg14 : memref<!tpu.dma_semaphore, #tpu.memory_space<semaphore_mem>>)
    %scan3A = arith.constant 0 : i32
    %scan3A_12 = arith.constant 0 : i32
    %scan3A_13 = arith.constant 125 : i32
    %scan3A_14 = arith.addi %scan3A_12, %scan3A_13 : i32
    %scan3A_15 = arith.constant 1 : i32
    scf.for %scan3A_20 = %scan3A_12 to %scan3A_14 step %scan3A_15  : i32 {
      %jit3A = arith.constant 2 : i32
      %eq3A = arith.constant 0 : i32
      %eq3A_21 = arith.cmpi eq, %jit3A, %eq3A : i32
      %jit3A_22 = arith.constant 1 : i32
      %select_n3A = arith.select %eq3A_21, %jit3A_22, %jit3A : i32
      %rem3A = arith.remsi %scan3A_20, %select_n3A : i32
      %ne3A = arith.constant 0 : i32
      %ne3A_23 = arith.cmpi ne, %rem3A, %ne3A : i32
      %lt3A = arith.constant 0 : i32
      %lt3A_24 = arith.cmpi slt, %rem3A, %lt3A : i32
      %lt3A_25 = arith.constant 0 : i32
      %lt3A_26 = arith.cmpi slt, %select_n3A, %lt3A_25 : i32
      %ne3A_27 = arith.xori %lt3A_24, %lt3A_26 : i1
      %and3A = arith.andi %ne3A_27, %ne3A_23 : i1
      %add3A_28 = arith.addi %rem3A, %select_n3A : i32
      %select_n3A_29 = arith.select %and3A, %add3A_28, %rem3A : i32
      %eq3A_30 = arith.constant 0 : i32
      %eq3A_31 = arith.cmpi eq, %select_n3A_29, %eq3A_30 : i32
      %convert_element_type3A = arith.extui %eq3A_31 : i1 to i32
      %cond3A = arith.constant 0 : i32
      %cond3A_32 = arith.cmpi ne, %convert_element_type3A, %cond3A : i32
      scf.if %cond3A_32 {
        %ge3A = arith.constant 1 : i32
        %ge3A_54 = arith.cmpi sge, %scan3A_20, %ge3A : i32
        %convert_element_type3A_55 = arith.extui %ge3A_54 : i1 to i32
        %cond3A_56 = arith.constant 0 : i32
        %cond3A_57 = arith.cmpi ne, %convert_element_type3A_55, %cond3A_56 : i32
        scf.if %cond3A_57 {
          %dma_wait3A_88 = arith.constant 0 : i32
          %dma_wait3A_89 = tpu.memref_slice %arg6[%mul3A_2, %dma_wait3A_88] : memref<320000x256xf32, #tpu.memory_space<hbm>> -> memref<80x256xf32, #tpu.memory_space<hbm>>
          %dma_wait3A_90 = arith.constant 0 : i32
          %dma_wait3A_91 = tpu.memref_slice %arg6[%mul3A_2, %dma_wait3A_90] : memref<320000x256xf32, #tpu.memory_space<hbm>> -> memref<80x256xf32, #tpu.memory_space<hbm>>
          tpu.wait_dma2 semaphore(%arg18 : memref<!tpu.dma_semaphore, #tpu.memory_space<semaphore_mem>>) src(%arg11 : memref<80x256xf32, #tpu.memory_space<vmem>>) dst(%dma_wait3A_91 : memref<80x256xf32, #tpu.memory_space<hbm>>)
        } else {
        }
        %add3A_58 = arith.constant 1 : i32
        %add3A_59 = arith.addi %scan3A_20, %add3A_58 : i32
        %lt3A_60 = arith.constant 125 : i32
        %lt3A_61 = arith.cmpi slt, %add3A_59, %lt3A_60 : i32
        %convert_element_type3A_62 = arith.extui %lt3A_61 : i1 to i32
        %cond3A_63 = arith.constant 0 : i32
        %cond3A_64 = arith.cmpi ne, %convert_element_type3A_62, %cond3A_63 : i32
        scf.if %cond3A_64 {
          %add3A_88 = arith.constant 1 : i32
          %add3A_89 = arith.addi %scan3A_20, %add3A_88 : i32
          %mul3A_90 = arith.constant 80 : i32
          %mul3A_91 = arith.muli %add3A_89, %mul3A_90 : i32
          %dma_start3A_92 = tpu.memref_slice %arg7[%mul3A_91] : memref<10000xi32, #tpu.memory_space<vmem>> -> memref<80xi32, #tpu.memory_space<vmem>>
          %dma_start3A_93 = arith.constant 0 : i32
          %dma_start3A_94 = arith.constant 0 : i32
          %dma_start3A_95 = tpu.memref_slice %arg2[%dma_start3A_93, %dma_start3A_94] : memref<10000x256xf32, #tpu.memory_space<hbm>> -> memref<10000x256xf32, #tpu.memory_space<hbm>>
          tpu.enqueue_indirect_dma source(%dma_start3A_95 : memref<10000x256xf32, #tpu.memory_space<hbm>>) target(%arg11 : memref<80x256xf32, #tpu.memory_space<vmem>>) offsets(%dma_start3A_92 : memref<80xi32, #tpu.memory_space<vmem>>) semaphore(%arg16 : memref<!tpu.dma_semaphore, #tpu.memory_space<semaphore_mem>>)
          %dma_start3A_96 = tpu.memref_slice %arg8[%mul3A_91] : memref<10000xi32, #tpu.memory_space<vmem>> -> memref<80xi32, #tpu.memory_space<vmem>>
          %dma_start3A_97 = arith.constant 0 : i32
          %dma_start3A_98 = arith.constant 0 : i32
          %dma_start3A_99 = tpu.memref_slice %arg3[%dma_start3A_97, %dma_start3A_98] : memref<10000x128xf32, #tpu.memory_space<hbm>> -> memref<10000x128xf32, #tpu.memory_space<hbm>>
          tpu.enqueue_indirect_dma source(%dma_start3A_99 : memref<10000x128xf32, #tpu.memory_space<hbm>>) target(%arg12 : memref<80x128xf32, #tpu.memory_space<vmem>>) offsets(%dma_start3A_96 : memref<80xi32, #tpu.memory_space<vmem>>) semaphore(%arg17 : memref<!tpu.dma_semaphore, #tpu.memory_space<semaphore_mem>>)
        } else {
        }
        %dma_wait3A_65 = arith.constant 0 : i32
        %dma_wait3A_66 = tpu.memref_slice %arg7[%dma_wait3A_65] : memref<10000xi32, #tpu.memory_space<vmem>> -> memref<80xi32, #tpu.memory_space<vmem>>
        %dma_wait3A_67 = arith.constant 0 : i32
        %dma_wait3A_68 = arith.constant 0 : i32
        %dma_wait3A_69 = tpu.memref_slice %arg2[%dma_wait3A_67, %dma_wait3A_68] : memref<10000x256xf32, #tpu.memory_space<hbm>> -> memref<10000x256xf32, #tpu.memory_space<hbm>>
        tpu.wait_indirect_dma semaphore(%arg13 : memref<!tpu.dma_semaphore, #tpu.memory_space<semaphore_mem>>) src(%dma_wait3A_69 : memref<10000x256xf32, #tpu.memory_space<hbm>>) dst(%arg9 : memref<80x256xf32, #tpu.memory_space<vmem>>)
        %dma_wait3A_70 = arith.constant 0 : i32
        %dma_wait3A_71 = tpu.memref_slice %arg8[%dma_wait3A_70] : memref<10000xi32, #tpu.memory_space<vmem>> -> memref<80xi32, #tpu.memory_space<vmem>>
        %dma_wait3A_72 = arith.constant 0 : i32
        %dma_wait3A_73 = arith.constant 0 : i32
        %dma_wait3A_74 = tpu.memref_slice %arg3[%dma_wait3A_72, %dma_wait3A_73] : memref<10000x128xf32, #tpu.memory_space<hbm>> -> memref<10000x128xf32, #tpu.memory_space<hbm>>
        tpu.wait_indirect_dma semaphore(%arg14 : memref<!tpu.dma_semaphore, #tpu.memory_space<semaphore_mem>>) src(%dma_wait3A_74 : memref<10000x128xf32, #tpu.memory_space<hbm>>) dst(%arg10 : memref<80x128xf32, #tpu.memory_space<vmem>>)
        %scan3A_75 = arith.constant 0 : i32
        %scan3A_76 = arith.constant 0 : i32
        %scan3A_77 = arith.constant 80 : i32
        %scan3A_78 = arith.addi %scan3A_76, %scan3A_77 : i32
        %scan3A_79 = arith.constant 2 : i32
        scf.for %scan3A_88 = %scan3A_76 to %scan3A_78 step %scan3A_79  : i32 {
          %get3A = arith.index_cast %scan3A_88 : i32 to index
          %get3A_89 = arith.constant 0 : index
          %get3A_90 = tpu.vector_load %arg9[%get3A, %get3A_89] {strides = array<i32>} : memref<80x256xf32, #tpu.memory_space<vmem>>, vector<1x16xf32>,
          %get3A_91 = vector.shape_cast %get3A_90 : vector<1x16xf32> to vector<16xf32>
          %get3A_92 = arith.index_cast %scan3A_88 : i32 to index
          %get3A_93 = arith.constant 0 : index
          %get3A_94 = tpu.vector_load %arg10[%get3A_92, %get3A_93] {strides = array<i32>} : memref<80x128xf32, #tpu.memory_space<vmem>>, vector<1x16xf32>,
          %get3A_95 = vector.shape_cast %get3A_94 : vector<1x16xf32> to vector<16xf32>
          %add3A_96 = arith.addf %get3A_91, %get3A_95 : vector<16xf32>
          %swap3A = arith.index_cast %scan3A_88 : i32 to index
          %swap3A_97 = arith.constant 0 : index
          %swap3A_98 = tpu.vector_load %arg9[%swap3A, %swap3A_97] {strides = array<i32>} : memref<80x256xf32, #tpu.memory_space<vmem>>, vector<1x16xf32>,
          %swap3A_99 = vector.shape_cast %swap3A_98 : vector<1x16xf32> to vector<16xf32>
          %swap3A_100 = vector.shape_cast %add3A_96 : vector<16xf32> to vector<1x16xf32>
          tpu.vector_store %arg9[%swap3A, %swap3A_97], %swap3A_100 {strides = array<i32>} : memref<80x256xf32, #tpu.memory_space<vmem>>, vector<1x16xf32>,
          %get3A_101 = arith.index_cast %scan3A_88 : i32 to index
          %get3A_102 = arith.constant 16 : index
          %get3A_103 = tpu.vector_load %arg9[%get3A_101, %get3A_102] {strides = array<i32>} : memref<80x256xf32, #tpu.memory_space<vmem>>, vector<1x16xf32>,
          %get3A_104 = vector.shape_cast %get3A_103 : vector<1x16xf32> to vector<16xf32>
          %get3A_105 = arith.index_cast %scan3A_88 : i32 to index
          %get3A_106 = arith.constant 16 : index
          %get3A_107 = tpu.vector_load %arg10[%get3A_105, %get3A_106] {strides = array<i32>} : memref<80x128xf32, #tpu.memory_space<vmem>>, vector<1x16xf32>,
          %get3A_108 = vector.shape_cast %get3A_107 : vector<1x16xf32> to vector<16xf32>
          %add3A_109 = arith.addf %get3A_104, %get3A_108 : vector<16xf32>
          %swap3A_110 = arith.index_cast %scan3A_88 : i32 to index
          %swap3A_111 = arith.constant 16 : index
          %swap3A_112 = tpu.vector_load %arg9[%swap3A_110, %swap3A_111] {strides = array<i32>} : memref<80x256xf32, #tpu.memory_space<vmem>>, vector<1x16xf32>,
          %swap3A_113 = vector.shape_cast %swap3A_112 : vector<1x16xf32> to vector<16xf32>
          %swap3A_114 = vector.shape_cast %add3A_109 : vector<16xf32> to vector<1x16xf32>
          tpu.vector_store %arg9[%swap3A_110, %swap3A_111], %swap3A_114 {strides = array<i32>} : memref<80x256xf32, #tpu.memory_space<vmem>>, vector<1x16xf32>,
          %get3A_115 = arith.index_cast %scan3A_88 : i32 to index
          %get3A_116 = arith.constant 32 : index
          %get3A_117 = tpu.vector_load %arg9[%get3A_115, %get3A_116] {strides = array<i32>} : memref<80x256xf32, #tpu.memory_space<vmem>>, vector<1x16xf32>,
          %get3A_118 = vector.shape_cast %get3A_117 : vector<1x16xf32> to vector<16xf32>
          %get3A_119 = arith.index_cast %scan3A_88 : i32 to index
          %get3A_120 = arith.constant 32 : index
          %get3A_121 = tpu.vector_load %arg10[%get3A_119, %get3A_120] {strides = array<i32>} : memref<80x128xf32, #tpu.memory_space<vmem>>, vector<1x16xf32>,
          %get3A_122 = vector.shape_cast %get3A_121 : vector<1x16xf32> to vector<16xf32>
          %add3A_123 = arith.addf %get3A_118, %get3A_122 : vector<16xf32>
          %swap3A_124 = arith.index_cast %scan3A_88 : i32 to index
          %swap3A_125 = arith.constant 32 : index
          %swap3A_126 = tpu.vector_load %arg9[%swap3A_124, %swap3A_125] {strides = array<i32>} : memref<80x256xf32, #tpu.memory_space<vmem>>, vector<1x16xf32>,
          %swap3A_127 = vector.shape_cast %swap3A_126 : vector<1x16xf32> to vector<16xf32>
          %swap3A_128 = vector.shape_cast %add3A_123 : vector<16xf32> to vector<1x16xf32>
          tpu.vector_store %arg9[%swap3A_124, %swap3A_125], %swap3A_128 {strides = array<i32>} : memref<80x256xf32, #tpu.memory_space<vmem>>, vector<1x16xf32>,
          %get3A_129 = arith.index_cast %scan3A_88 : i32 to index
          %get3A_130 = arith.constant 48 : index
          %get3A_131 = tpu.vector_load %arg9[%get3A_129, %get3A_130] {strides = array<i32>} : memref<80x256xf32, #tpu.memory_space<vmem>>, vector<1x16xf32>,
          %get3A_132 = vector.shape_cast %get3A_131 : vector<1x16xf32> to vector<16xf32>
          %get3A_133 = arith.index_cast %scan3A_88 : i32 to index
          %get3A_134 = arith.constant 48 : index
          %get3A_135 = tpu.vector_load %arg10[%get3A_133, %get3A_134] {strides = array<i32>} : memref<80x128xf32, #tpu.memory_space<vmem>>, vector<1x16xf32>,
          %get3A_136 = vector.shape_cast %get3A_135 : vector<1x16xf32> to vector<16xf32>
          %add3A_137 = arith.addf %get3A_132, %get3A_136 : vector<16xf32>
          %swap3A_138 = arith.index_cast %scan3A_88 : i32 to index
          %swap3A_139 = arith.constant 48 : index
          %swap3A_140 = tpu.vector_load %arg9[%swap3A_138, %swap3A_139] {strides = array<i32>} : memref<80x256xf32, #tpu.memory_space<vmem>>, vector<1x16xf32>,
          %swap3A_141 = vector.shape_cast %swap3A_140 : vector<1x16xf32> to vector<16xf32>
          %swap3A_142 = vector.shape_cast %add3A_137 : vector<16xf32> to vector<1x16xf32>
          tpu.vector_store %arg9[%swap3A_138, %swap3A_139], %swap3A_142 {strides = array<i32>} : memref<80x256xf32, #tpu.memory_space<vmem>>, vector<1x16xf32>,
          %get3A_143 = arith.index_cast %scan3A_88 : i32 to index
          %get3A_144 = arith.constant 64 : index
          %get3A_145 = tpu.vector_load %arg9[%get3A_143, %get3A_144] {strides = array<i32>} : memref<80x256xf32, #tpu.memory_space<vmem>>, vector<1x16xf32>,
          %get3A_146 = vector.shape_cast %get3A_145 : vector<1x16xf32> to vector<16xf32>
          %get3A_147 = arith.index_cast %scan3A_88 : i32 to index
          %get3A_148 = arith.constant 64 : index
          %get3A_149 = tpu.vector_load %arg10[%get3A_147, %get3A_148] {strides = array<i32>} : memref<80x128xf32, #tpu.memory_space<vmem>>, vector<1x16xf32>,
          %get3A_150 = vector.shape_cast %get3A_149 : vector<1x16xf32> to vector<16xf32>
          %add3A_151 = arith.addf %get3A_146, %get3A_150 : vector<16xf32>
          %swap3A_152 = arith.index_cast %scan3A_88 : i32 to index
          %swap3A_153 = arith.constant 64 : index
          %swap3A_154 = tpu.vector_load %arg9[%swap3A_152, %swap3A_153] {strides = array<i32>} : memref<80x256xf32, #tpu.memory_space<vmem>>, vector<1x16xf32>,
          %swap3A_155 = vector.shape_cast %swap3A_154 : vector<1x16xf32> to vector<16xf32>
          %swap3A_156 = vector.shape_cast %add3A_151 : vector<16xf32> to vector<1x16xf32>
          tpu.vector_store %arg9[%swap3A_152, %swap3A_153], %swap3A_156 {strides = array<i32>} : memref<80x256xf32, #tpu.memory_space<vmem>>, vector<1x16xf32>,
          %get3A_157 = arith.index_cast %scan3A_88 : i32 to index
          %get3A_158 = arith.constant 80 : index
          %get3A_159 = tpu.vector_load %arg9[%get3A_157, %get3A_158] {strides = array<i32>} : memref<80x256xf32, #tpu.memory_space<vmem>>, vector<1x16xf32>,
          %get3A_160 = vector.shape_cast %get3A_159 : vector<1x16xf32> to vector<16xf32>
          %get3A_161 = arith.index_cast %scan3A_88 : i32 to index
          %get3A_162 = arith.constant 80 : index
          %get3A_163 = tpu.vector_load %arg10[%get3A_161, %get3A_162] {strides = array<i32>} : memref<80x128xf32, #tpu.memory_space<vmem>>, vector<1x16xf32>,
          %get3A_164 = vector.shape_cast %get3A_163 : vector<1x16xf32> to vector<16xf32>
          %add3A_165 = arith.addf %get3A_160, %get3A_164 : vector<16xf32>
          %swap3A_166 = arith.index_cast %scan3A_88 : i32 to index
          %swap3A_167 = arith.constant 80 : index
          %swap3A_168 = tpu.vector_load %arg9[%swap3A_166, %swap3A_167] {strides = array<i32>} : memref<80x256xf32, #tpu.memory_space<vmem>>, vector<1x16xf32>,
          %swap3A_169 = vector.shape_cast %swap3A_168 : vector<1x16xf32> to vector<16xf32>
          %swap3A_170 = vector.shape_cast %add3A_165 : vector<16xf32> to vector<1x16xf32>
          tpu.vector_store %arg9[%swap3A_166, %swap3A_167], %swap3A_170 {strides = array<i32>} : memref<80x256xf32, #tpu.memory_space<vmem>>, vector<1x16xf32>,
          %get3A_171 = arith.index_cast %scan3A_88 : i32 to index
          %get3A_172 = arith.constant 96 : index
          %get3A_173 = tpu.vector_load %arg9[%get3A_171, %get3A_172] {strides = array<i32>} : memref<80x256xf32, #tpu.memory_space<vmem>>, vector<1x16xf32>,
          %get3A_174 = vector.shape_cast %get3A_173 : vector<1x16xf32> to vector<16xf32>
          %get3A_175 = arith.index_cast %scan3A_88 : i32 to index
          %get3A_176 = arith.constant 96 : index
          %get3A_177 = tpu.vector_load %arg10[%get3A_175, %get3A_176] {strides = array<i32>} : memref<80x128xf32, #tpu.memory_space<vmem>>, vector<1x16xf32>,
          %get3A_178 = vector.shape_cast %get3A_177 : vector<1x16xf32> to vector<16xf32>
          %add3A_179 = arith.addf %get3A_174, %get3A_178 : vector<16xf32>
          %swap3A_180 = arith.index_cast %scan3A_88 : i32 to index
          %swap3A_181 = arith.constant 96 : index
          %swap3A_182 = tpu.vector_load %arg9[%swap3A_180, %swap3A_181] {strides = array<i32>} : memref<80x256xf32, #tpu.memory_space<vmem>>, vector<1x16xf32>,
          %swap3A_183 = vector.shape_cast %swap3A_182 : vector<1x16xf32> to vector<16xf32>
          %swap3A_184 = vector.shape_cast %add3A_179 : vector<16xf32> to vector<1x16xf32>
          tpu.vector_store %arg9[%swap3A_180, %swap3A_181], %swap3A_184 {strides = array<i32>} : memref<80x256xf32, #tpu.memory_space<vmem>>, vector<1x16xf32>,
          %get3A_185 = arith.index_cast %scan3A_88 : i32 to index
          %get3A_186 = arith.constant 112 : index
          %get3A_187 = tpu.vector_load %arg9[%get3A_185, %get3A_186] {strides = array<i32>} : memref<80x256xf32, #tpu.memory_space<vmem>>, vector<1x16xf32>,
          %get3A_188 = vector.shape_cast %get3A_187 : vector<1x16xf32> to vector<16xf32>
          %get3A_189 = arith.index_cast %scan3A_88 : i32 to index
          %get3A_190 = arith.constant 112 : index
          %get3A_191 = tpu.vector_load %arg10[%get3A_189, %get3A_190] {strides = array<i32>} : memref<80x128xf32, #tpu.memory_space<vmem>>, vector<1x16xf32>,
          %get3A_192 = vector.shape_cast %get3A_191 : vector<1x16xf32> to vector<16xf32>
          %add3A_193 = arith.addf %get3A_188, %get3A_192 : vector<16xf32>
          %swap3A_194 = arith.index_cast %scan3A_88 : i32 to index
          %swap3A_195 = arith.constant 112 : index
          %swap3A_196 = tpu.vector_load %arg9[%swap3A_194, %swap3A_195] {strides = array<i32>} : memref<80x256xf32, #tpu.memory_space<vmem>>, vector<1x16xf32>,
          %swap3A_197 = vector.shape_cast %swap3A_196 : vector<1x16xf32> to vector<16xf32>
          %swap3A_198 = vector.shape_cast %add3A_193 : vector<16xf32> to vector<1x16xf32>
          tpu.vector_store %arg9[%swap3A_194, %swap3A_195], %swap3A_198 {strides = array<i32>} : memref<80x256xf32, #tpu.memory_space<vmem>>, vector<1x16xf32>,
          %scan3A_199 = arith.constant 1 : i32
          %scan3A_200 = arith.addi %scan3A_88, %scan3A_199 : i32
          %get3A_201 = arith.index_cast %scan3A_200 : i32 to index
          %get3A_202 = arith.constant 0 : index
          %get3A_203 = tpu.vector_load %arg9[%get3A_201, %get3A_202] {strides = array<i32>} : memref<80x256xf32, #tpu.memory_space<vmem>>, vector<1x16xf32>,
          %get3A_204 = vector.shape_cast %get3A_203 : vector<1x16xf32> to vector<16xf32>
          %get3A_205 = arith.index_cast %scan3A_200 : i32 to index
          %get3A_206 = arith.constant 0 : index
          %get3A_207 = tpu.vector_load %arg10[%get3A_205, %get3A_206] {strides = array<i32>} : memref<80x128xf32, #tpu.memory_space<vmem>>, vector<1x16xf32>,
          %get3A_208 = vector.shape_cast %get3A_207 : vector<1x16xf32> to vector<16xf32>
          %add3A_209 = arith.addf %get3A_204, %get3A_208 : vector<16xf32>
          %swap3A_210 = arith.index_cast %scan3A_200 : i32 to index
          %swap3A_211 = arith.constant 0 : index
          %swap3A_212 = tpu.vector_load %arg9[%swap3A_210, %swap3A_211] {strides = array<i32>} : memref<80x256xf32, #tpu.memory_space<vmem>>, vector<1x16xf32>,
          %swap3A_213 = vector.shape_cast %swap3A_212 : vector<1x16xf32> to vector<16xf32>
          %swap3A_214 = vector.shape_cast %add3A_209 : vector<16xf32> to vector<1x16xf32>
          tpu.vector_store %arg9[%swap3A_210, %swap3A_211], %swap3A_214 {strides = array<i32>} : memref<80x256xf32, #tpu.memory_space<vmem>>, vector<1x16xf32>,
          %get3A_215 = arith.index_cast %scan3A_200 : i32 to index
          %get3A_216 = arith.constant 16 : index
          %get3A_217 = tpu.vector_load %arg9[%get3A_215, %get3A_216] {strides = array<i32>} : memref<80x256xf32, #tpu.memory_space<vmem>>, vector<1x16xf32>,
          %get3A_218 = vector.shape_cast %get3A_217 : vector<1x16xf32> to vector<16xf32>
          %get3A_219 = arith.index_cast %scan3A_200 : i32 to index
          %get3A_220 = arith.constant 16 : index
          %get3A_221 = tpu.vector_load %arg10[%get3A_219, %get3A_220] {strides = array<i32>} : memref<80x128xf32, #tpu.memory_space<vmem>>, vector<1x16xf32>,
          %get3A_222 = vector.shape_cast %get3A_221 : vector<1x16xf32> to vector<16xf32>
          %add3A_223 = arith.addf %get3A_218, %get3A_222 : vector<16xf32>
          %swap3A_224 = arith.index_cast %scan3A_200 : i32 to index
          %swap3A_225 = arith.constant 16 : index
          %swap3A_226 = tpu.vector_load %arg9[%swap3A_224, %swap3A_225] {strides = array<i32>} : memref<80x256xf32, #tpu.memory_space<vmem>>, vector<1x16xf32>,
          %swap3A_227 = vector.shape_cast %swap3A_226 : vector<1x16xf32> to vector<16xf32>
          %swap3A_228 = vector.shape_cast %add3A_223 : vector<16xf32> to vector<1x16xf32>
          tpu.vector_store %arg9[%swap3A_224, %swap3A_225], %swap3A_228 {strides = array<i32>} : memref<80x256xf32, #tpu.memory_space<vmem>>, vector<1x16xf32>,
          %get3A_229 = arith.index_cast %scan3A_200 : i32 to index
          %get3A_230 = arith.constant 32 : index
          %get3A_231 = tpu.vector_load %arg9[%get3A_229, %get3A_230] {strides = array<i32>} : memref<80x256xf32, #tpu.memory_space<vmem>>, vector<1x16xf32>,
          %get3A_232 = vector.shape_cast %get3A_231 : vector<1x16xf32> to vector<16xf32>
          %get3A_233 = arith.index_cast %scan3A_200 : i32 to index
          %get3A_234 = arith.constant 32 : index
          %get3A_235 = tpu.vector_load %arg10[%get3A_233, %get3A_234] {strides = array<i32>} : memref<80x128xf32, #tpu.memory_space<vmem>>, vector<1x16xf32>,
          %get3A_236 = vector.shape_cast %get3A_235 : vector<1x16xf32> to vector<16xf32>
          %add3A_237 = arith.addf %get3A_232, %get3A_236 : vector<16xf32>
          %swap3A_238 = arith.index_cast %scan3A_200 : i32 to index
          %swap3A_239 = arith.constant 32 : index
          %swap3A_240 = tpu.vector_load %arg9[%swap3A_238, %swap3A_239] {strides = array<i32>} : memref<80x256xf32, #tpu.memory_space<vmem>>, vector<1x16xf32>,
          %swap3A_241 = vector.shape_cast %swap3A_240 : vector<1x16xf32> to vector<16xf32>
          %swap3A_242 = vector.shape_cast %add3A_237 : vector<16xf32> to vector<1x16xf32>
          tpu.vector_store %arg9[%swap3A_238, %swap3A_239], %swap3A_242 {strides = array<i32>} : memref<80x256xf32, #tpu.memory_space<vmem>>, vector<1x16xf32>,
          %get3A_243 = arith.index_cast %scan3A_200 : i32 to index
          %get3A_244 = arith.constant 48 : index
          %get3A_245 = tpu.vector_load %arg9[%get3A_243, %get3A_244] {strides = array<i32>} : memref<80x256xf32, #tpu.memory_space<vmem>>, vector<1x16xf32>,
          %get3A_246 = vector.shape_cast %get3A_245 : vector<1x16xf32> to vector<16xf32>
          %get3A_247 = arith.index_cast %scan3A_200 : i32 to index
          %get3A_248 = arith.constant 48 : index
          %get3A_249 = tpu.vector_load %arg10[%get3A_247, %get3A_248] {strides = array<i32>} : memref<80x128xf32, #tpu.memory_space<vmem>>, vector<1x16xf32>,
          %get3A_250 = vector.shape_cast %get3A_249 : vector<1x16xf32> to vector<16xf32>
          %add3A_251 = arith.addf %get3A_246, %get3A_250 : vector<16xf32>
          %swap3A_252 = arith.index_cast %scan3A_200 : i32 to index
          %swap3A_253 = arith.constant 48 : index
          %swap3A_254 = tpu.vector_load %arg9[%swap3A_252, %swap3A_253] {strides = array<i32>} : memref<80x256xf32, #tpu.memory_space<vmem>>, vector<1x16xf32>,
          %swap3A_255 = vector.shape_cast %swap3A_254 : vector<1x16xf32> to vector<16xf32>
          %swap3A_256 = vector.shape_cast %add3A_251 : vector<16xf32> to vector<1x16xf32>
          tpu.vector_store %arg9[%swap3A_252, %swap3A_253], %swap3A_256 {strides = array<i32>} : memref<80x256xf32, #tpu.memory_space<vmem>>, vector<1x16xf32>,
          %get3A_257 = arith.index_cast %scan3A_200 : i32 to index
          %get3A_258 = arith.constant 64 : index
          %get3A_259 = tpu.vector_load %arg9[%get3A_257, %get3A_258] {strides = array<i32>} : memref<80x256xf32, #tpu.memory_space<vmem>>, vector<1x16xf32>,
          %get3A_260 = vector.shape_cast %get3A_259 : vector<1x16xf32> to vector<16xf32>
          %get3A_261 = arith.index_cast %scan3A_200 : i32 to index
          %get3A_262 = arith.constant 64 : index
          %get3A_263 = tpu.vector_load %arg10[%get3A_261, %get3A_262] {strides = array<i32>} : memref<80x128xf32, #tpu.memory_space<vmem>>, vector<1x16xf32>,
          %get3A_264 = vector.shape_cast %get3A_263 : vector<1x16xf32> to vector<16xf32>
          %add3A_265 = arith.addf %get3A_260, %get3A_264 : vector<16xf32>
          %swap3A_266 = arith.index_cast %scan3A_200 : i32 to index
          %swap3A_267 = arith.constant 64 : index
          %swap3A_268 = tpu.vector_load %arg9[%swap3A_266, %swap3A_267] {strides = array<i32>} : memref<80x256xf32, #tpu.memory_space<vmem>>, vector<1x16xf32>,
          %swap3A_269 = vector.shape_cast %swap3A_268 : vector<1x16xf32> to vector<16xf32>
          %swap3A_270 = vector.shape_cast %add3A_265 : vector<16xf32> to vector<1x16xf32>
          tpu.vector_store %arg9[%swap3A_266, %swap3A_267], %swap3A_270 {strides = array<i32>} : memref<80x256xf32, #tpu.memory_space<vmem>>, vector<1x16xf32>,
          %get3A_271 = arith.index_cast %scan3A_200 : i32 to index
          %get3A_272 = arith.constant 80 : index
          %get3A_273 = tpu.vector_load %arg9[%get3A_271, %get3A_272] {strides = array<i32>} : memref<80x256xf32, #tpu.memory_space<vmem>>, vector<1x16xf32>,
          %get3A_274 = vector.shape_cast %get3A_273 : vector<1x16xf32> to vector<16xf32>
          %get3A_275 = arith.index_cast %scan3A_200 : i32 to index
          %get3A_276 = arith.constant 80 : index
          %get3A_277 = tpu.vector_load %arg10[%get3A_275, %get3A_276] {strides = array<i32>} : memref<80x128xf32, #tpu.memory_space<vmem>>, vector<1x16xf32>,
          %get3A_278 = vector.shape_cast %get3A_277 : vector<1x16xf32> to vector<16xf32>
          %add3A_279 = arith.addf %get3A_274, %get3A_278 : vector<16xf32>
          %swap3A_280 = arith.index_cast %scan3A_200 : i32 to index
          %swap3A_281 = arith.constant 80 : index
          %swap3A_282 = tpu.vector_load %arg9[%swap3A_280, %swap3A_281] {strides = array<i32>} : memref<80x256xf32, #tpu.memory_space<vmem>>, vector<1x16xf32>,
          %swap3A_283 = vector.shape_cast %swap3A_282 : vector<1x16xf32> to vector<16xf32>
          %swap3A_284 = vector.shape_cast %add3A_279 : vector<16xf32> to vector<1x16xf32>
          tpu.vector_store %arg9[%swap3A_280, %swap3A_281], %swap3A_284 {strides = array<i32>} : memref<80x256xf32, #tpu.memory_space<vmem>>, vector<1x16xf32>,
          %get3A_285 = arith.index_cast %scan3A_200 : i32 to index
          %get3A_286 = arith.constant 96 : index
          %get3A_287 = tpu.vector_load %arg9[%get3A_285, %get3A_286] {strides = array<i32>} : memref<80x256xf32, #tpu.memory_space<vmem>>, vector<1x16xf32>,
          %get3A_288 = vector.shape_cast %get3A_287 : vector<1x16xf32> to vector<16xf32>
          %get3A_289 = arith.index_cast %scan3A_200 : i32 to index
          %get3A_290 = arith.constant 96 : index
          %get3A_291 = tpu.vector_load %arg10[%get3A_289, %get3A_290] {strides = array<i32>} : memref<80x128xf32, #tpu.memory_space<vmem>>, vector<1x16xf32>,
          %get3A_292 = vector.shape_cast %get3A_291 : vector<1x16xf32> to vector<16xf32>
          %add3A_293 = arith.addf %get3A_288, %get3A_292 : vector<16xf32>
          %swap3A_294 = arith.index_cast %scan3A_200 : i32 to index
          %swap3A_295 = arith.constant 96 : index
          %swap3A_296 = tpu.vector_load %arg9[%swap3A_294, %swap3A_295] {strides = array<i32>} : memref<80x256xf32, #tpu.memory_space<vmem>>, vector<1x16xf32>,
          %swap3A_297 = vector.shape_cast %swap3A_296 : vector<1x16xf32> to vector<16xf32>
          %swap3A_298 = vector.shape_cast %add3A_293 : vector<16xf32> to vector<1x16xf32>
          tpu.vector_store %arg9[%swap3A_294, %swap3A_295], %swap3A_298 {strides = array<i32>} : memref<80x256xf32, #tpu.memory_space<vmem>>, vector<1x16xf32>,
          %get3A_299 = arith.index_cast %scan3A_200 : i32 to index
          %get3A_300 = arith.constant 112 : index
          %get3A_301 = tpu.vector_load %arg9[%get3A_299, %get3A_300] {strides = array<i32>} : memref<80x256xf32, #tpu.memory_space<vmem>>, vector<1x16xf32>,
          %get3A_302 = vector.shape_cast %get3A_301 : vector<1x16xf32> to vector<16xf32>
          %get3A_303 = arith.index_cast %scan3A_200 : i32 to index
          %get3A_304 = arith.constant 112 : index
          %get3A_305 = tpu.vector_load %arg10[%get3A_303, %get3A_304] {strides = array<i32>} : memref<80x128xf32, #tpu.memory_space<vmem>>, vector<1x16xf32>,
          %get3A_306 = vector.shape_cast %get3A_305 : vector<1x16xf32> to vector<16xf32>
          %add3A_307 = arith.addf %get3A_302, %get3A_306 : vector<16xf32>
          %swap3A_308 = arith.index_cast %scan3A_200 : i32 to index
          %swap3A_309 = arith.constant 112 : index
          %swap3A_310 = tpu.vector_load %arg9[%swap3A_308, %swap3A_309] {strides = array<i32>} : memref<80x256xf32, #tpu.memory_space<vmem>>, vector<1x16xf32>,
          %swap3A_311 = vector.shape_cast %swap3A_310 : vector<1x16xf32> to vector<16xf32>
          %swap3A_312 = vector.shape_cast %add3A_307 : vector<16xf32> to vector<1x16xf32>
          tpu.vector_store %arg9[%swap3A_308, %swap3A_309], %swap3A_312 {strides = array<i32>} : memref<80x256xf32, #tpu.memory_space<vmem>>, vector<1x16xf32>,
        }
        %scan3A_80 = arith.constant 80 : i32
        %mul3A_81 = arith.constant 80 : i32
        %mul3A_82 = arith.muli %scan3A_20, %mul3A_81 : i32
        %add3A_83 = arith.addi %mul3A_2, %mul3A_82 : i32
        %dma_start3A_84 = arith.constant 0 : i32
        %dma_start3A_85 = tpu.memref_slice %arg6[%add3A_83, %dma_start3A_84] : memref<320000x256xf32, #tpu.memory_space<hbm>> -> memref<80x256xf32, #tpu.memory_space<hbm>>
        %dma_start3A_86 = arith.constant 0 : i32
        %dma_start3A_87 = tpu.memref_slice %arg6[%add3A_83, %dma_start3A_86] : memref<320000x256xf32, #tpu.memory_space<hbm>> -> memref<80x256xf32, #tpu.memory_space<hbm>>
        tpu.enqueue_dma source(%arg9 : memref<80x256xf32, #tpu.memory_space<vmem>>) target(%dma_start3A_87 : memref<80x256xf32, #tpu.memory_space<hbm>>) target_semaphore(%arg15 : memref<!tpu.dma_semaphore, #tpu.memory_space<semaphore_mem>>)
      } else {
      }
      %jit3A_33 = arith.constant 2 : i32
      %eq3A_34 = arith.constant 0 : i32
      %eq3A_35 = arith.cmpi eq, %jit3A_33, %eq3A_34 : i32
      %jit3A_36 = arith.constant 1 : i32
      %select_n3A_37 = arith.select %eq3A_35, %jit3A_36, %jit3A_33 : i32
      %rem3A_38 = arith.remsi %scan3A_20, %select_n3A_37 : i32
      %ne3A_39 = arith.constant 0 : i32
      %ne3A_40 = arith.cmpi ne, %rem3A_38, %ne3A_39 : i32
      %lt3A_41 = arith.constant 0 : i32
      %lt3A_42 = arith.cmpi slt, %rem3A_38, %lt3A_41 : i32
      %lt3A_43 = arith.constant 0 : i32
      %lt3A_44 = arith.cmpi slt, %select_n3A_37, %lt3A_43 : i32
      %ne3A_45 = arith.xori %lt3A_42, %lt3A_44 : i1
      %and3A_46 = arith.andi %ne3A_45, %ne3A_40 : i1
      %add3A_47 = arith.addi %rem3A_38, %select_n3A_37 : i32
      %select_n3A_48 = arith.select %and3A_46, %add3A_47, %rem3A_38 : i32
      %eq3A_49 = arith.constant 1 : i32
      %eq3A_50 = arith.cmpi eq, %select_n3A_48, %eq3A_49 : i32
      %convert_element_type3A_51 = arith.extui %eq3A_50 : i1 to i32
      %cond3A_52 = arith.constant 0 : i32
      %cond3A_53 = arith.cmpi ne, %convert_element_type3A_51, %cond3A_52 : i32
      scf.if %cond3A_53 {
        %ge3A = arith.constant 1 : i32
        %ge3A_54 = arith.cmpi sge, %scan3A_20, %ge3A : i32
        %convert_element_type3A_55 = arith.extui %ge3A_54 : i1 to i32
        %cond3A_56 = arith.constant 0 : i32
        %cond3A_57 = arith.cmpi ne, %convert_element_type3A_55, %cond3A_56 : i32
        scf.if %cond3A_57 {
          %dma_wait3A_88 = arith.constant 0 : i32
          %dma_wait3A_89 = tpu.memref_slice %arg6[%mul3A_2, %dma_wait3A_88] : memref<320000x256xf32, #tpu.memory_space<hbm>> -> memref<80x256xf32, #tpu.memory_space<hbm>>
          %dma_wait3A_90 = arith.constant 0 : i32
          %dma_wait3A_91 = tpu.memref_slice %arg6[%mul3A_2, %dma_wait3A_90] : memref<320000x256xf32, #tpu.memory_space<hbm>> -> memref<80x256xf32, #tpu.memory_space<hbm>>
          tpu.wait_dma2 semaphore(%arg15 : memref<!tpu.dma_semaphore, #tpu.memory_space<semaphore_mem>>) src(%arg9 : memref<80x256xf32, #tpu.memory_space<vmem>>) dst(%dma_wait3A_91 : memref<80x256xf32, #tpu.memory_space<hbm>>)
        } else {
        }
        %add3A_58 = arith.constant 1 : i32
        %add3A_59 = arith.addi %scan3A_20, %add3A_58 : i32
        %lt3A_60 = arith.constant 125 : i32
        %lt3A_61 = arith.cmpi slt, %add3A_59, %lt3A_60 : i32
        %convert_element_type3A_62 = arith.extui %lt3A_61 : i1 to i32
        %cond3A_63 = arith.constant 0 : i32
        %cond3A_64 = arith.cmpi ne, %convert_element_type3A_62, %cond3A_63 : i32
        scf.if %cond3A_64 {
          %add3A_88 = arith.constant 1 : i32
          %add3A_89 = arith.addi %scan3A_20, %add3A_88 : i32
          %mul3A_90 = arith.constant 80 : i32
          %mul3A_91 = arith.muli %add3A_89, %mul3A_90 : i32
          %dma_start3A_92 = tpu.memref_slice %arg7[%mul3A_91] : memref<10000xi32, #tpu.memory_space<vmem>> -> memref<80xi32, #tpu.memory_space<vmem>>
          %dma_start3A_93 = arith.constant 0 : i32
          %dma_start3A_94 = arith.constant 0 : i32
          %dma_start3A_95 = tpu.memref_slice %arg2[%dma_start3A_93, %dma_start3A_94] : memref<10000x256xf32, #tpu.memory_space<hbm>> -> memref<10000x256xf32, #tpu.memory_space<hbm>>
          tpu.enqueue_indirect_dma source(%dma_start3A_95 : memref<10000x256xf32, #tpu.memory_space<hbm>>) target(%arg9 : memref<80x256xf32, #tpu.memory_space<vmem>>) offsets(%dma_start3A_92 : memref<80xi32, #tpu.memory_space<vmem>>) semaphore(%arg13 : memref<!tpu.dma_semaphore, #tpu.memory_space<semaphore_mem>>)
          %dma_start3A_96 = tpu.memref_slice %arg8[%mul3A_91] : memref<10000xi32, #tpu.memory_space<vmem>> -> memref<80xi32, #tpu.memory_space<vmem>>
          %dma_start3A_97 = arith.constant 0 : i32
          %dma_start3A_98 = arith.constant 0 : i32
          %dma_start3A_99 = tpu.memref_slice %arg3[%dma_start3A_97, %dma_start3A_98] : memref<10000x128xf32, #tpu.memory_space<hbm>> -> memref<10000x128xf32, #tpu.memory_space<hbm>>
          tpu.enqueue_indirect_dma source(%dma_start3A_99 : memref<10000x128xf32, #tpu.memory_space<hbm>>) target(%arg10 : memref<80x128xf32, #tpu.memory_space<vmem>>) offsets(%dma_start3A_96 : memref<80xi32, #tpu.memory_space<vmem>>) semaphore(%arg14 : memref<!tpu.dma_semaphore, #tpu.memory_space<semaphore_mem>>)
        } else {
        }
        %dma_wait3A_65 = arith.constant 0 : i32
        %dma_wait3A_66 = tpu.memref_slice %arg7[%dma_wait3A_65] : memref<10000xi32, #tpu.memory_space<vmem>> -> memref<80xi32, #tpu.memory_space<vmem>>
        %dma_wait3A_67 = arith.constant 0 : i32
        %dma_wait3A_68 = arith.constant 0 : i32
        %dma_wait3A_69 = tpu.memref_slice %arg2[%dma_wait3A_67, %dma_wait3A_68] : memref<10000x256xf32, #tpu.memory_space<hbm>> -> memref<10000x256xf32, #tpu.memory_space<hbm>>
        tpu.wait_indirect_dma semaphore(%arg16 : memref<!tpu.dma_semaphore, #tpu.memory_space<semaphore_mem>>) src(%dma_wait3A_69 : memref<10000x256xf32, #tpu.memory_space<hbm>>) dst(%arg11 : memref<80x256xf32, #tpu.memory_space<vmem>>)
        %dma_wait3A_70 = arith.constant 0 : i32
        %dma_wait3A_71 = tpu.memref_slice %arg8[%dma_wait3A_70] : memref<10000xi32, #tpu.memory_space<vmem>> -> memref<80xi32, #tpu.memory_space<vmem>>
        %dma_wait3A_72 = arith.constant 0 : i32
        %dma_wait3A_73 = arith.constant 0 : i32
        %dma_wait3A_74 = tpu.memref_slice %arg3[%dma_wait3A_72, %dma_wait3A_73] : memref<10000x128xf32, #tpu.memory_space<hbm>> -> memref<10000x128xf32, #tpu.memory_space<hbm>>
        tpu.wait_indirect_dma semaphore(%arg17 : memref<!tpu.dma_semaphore, #tpu.memory_space<semaphore_mem>>) src(%dma_wait3A_74 : memref<10000x128xf32, #tpu.memory_space<hbm>>) dst(%arg12 : memref<80x128xf32, #tpu.memory_space<vmem>>)
        %scan3A_75 = arith.constant 0 : i32
        %scan3A_76 = arith.constant 0 : i32
        %scan3A_77 = arith.constant 80 : i32
        %scan3A_78 = arith.addi %scan3A_76, %scan3A_77 : i32
        %scan3A_79 = arith.constant 2 : i32
        scf.for %scan3A_88 = %scan3A_76 to %scan3A_78 step %scan3A_79  : i32 {
          %get3A = arith.index_cast %scan3A_88 : i32 to index
          %get3A_89 = arith.constant 0 : index
          %get3A_90 = tpu.vector_load %arg11[%get3A, %get3A_89] {strides = array<i32>} : memref<80x256xf32, #tpu.memory_space<vmem>>, vector<1x16xf32>,
          %get3A_91 = vector.shape_cast %get3A_90 : vector<1x16xf32> to vector<16xf32>
          %get3A_92 = arith.index_cast %scan3A_88 : i32 to index
          %get3A_93 = arith.constant 0 : index
          %get3A_94 = tpu.vector_load %arg12[%get3A_92, %get3A_93] {strides = array<i32>} : memref<80x128xf32, #tpu.memory_space<vmem>>, vector<1x16xf32>,
          %get3A_95 = vector.shape_cast %get3A_94 : vector<1x16xf32> to vector<16xf32>
          %add3A_96 = arith.addf %get3A_91, %get3A_95 : vector<16xf32>
          %swap3A = arith.index_cast %scan3A_88 : i32 to index
          %swap3A_97 = arith.constant 0 : index
          %swap3A_98 = tpu.vector_load %arg11[%swap3A, %swap3A_97] {strides = array<i32>} : memref<80x256xf32, #tpu.memory_space<vmem>>, vector<1x16xf32>,
          %swap3A_99 = vector.shape_cast %swap3A_98 : vector<1x16xf32> to vector<16xf32>
          %swap3A_100 = vector.shape_cast %add3A_96 : vector<16xf32> to vector<1x16xf32>
          tpu.vector_store %arg11[%swap3A, %swap3A_97], %swap3A_100 {strides = array<i32>} : memref<80x256xf32, #tpu.memory_space<vmem>>, vector<1x16xf32>,
          %get3A_101 = arith.index_cast %scan3A_88 : i32 to index
          %get3A_102 = arith.constant 16 : index
          %get3A_103 = tpu.vector_load %arg11[%get3A_101, %get3A_102] {strides = array<i32>} : memref<80x256xf32, #tpu.memory_space<vmem>>, vector<1x16xf32>,
          %get3A_104 = vector.shape_cast %get3A_103 : vector<1x16xf32> to vector<16xf32>
          %get3A_105 = arith.index_cast %scan3A_88 : i32 to index
          %get3A_106 = arith.constant 16 : index
          %get3A_107 = tpu.vector_load %arg12[%get3A_105, %get3A_106] {strides = array<i32>} : memref<80x128xf32, #tpu.memory_space<vmem>>, vector<1x16xf32>,
          %get3A_108 = vector.shape_cast %get3A_107 : vector<1x16xf32> to vector<16xf32>
          %add3A_109 = arith.addf %get3A_104, %get3A_108 : vector<16xf32>
          %swap3A_110 = arith.index_cast %scan3A_88 : i32 to index
          %swap3A_111 = arith.constant 16 : index
          %swap3A_112 = tpu.vector_load %arg11[%swap3A_110, %swap3A_111] {strides = array<i32>} : memref<80x256xf32, #tpu.memory_space<vmem>>, vector<1x16xf32>,
          %swap3A_113 = vector.shape_cast %swap3A_112 : vector<1x16xf32> to vector<16xf32>
          %swap3A_114 = vector.shape_cast %add3A_109 : vector<16xf32> to vector<1x16xf32>
          tpu.vector_store %arg11[%swap3A_110, %swap3A_111], %swap3A_114 {strides = array<i32>} : memref<80x256xf32, #tpu.memory_space<vmem>>, vector<1x16xf32>,
          %get3A_115 = arith.index_cast %scan3A_88 : i32 to index
          %get3A_116 = arith.constant 32 : index
          %get3A_117 = tpu.vector_load %arg11[%get3A_115, %get3A_116] {strides = array<i32>} : memref<80x256xf32, #tpu.memory_space<vmem>>, vector<1x16xf32>,
          %get3A_118 = vector.shape_cast %get3A_117 : vector<1x16xf32> to vector<16xf32>
          %get3A_119 = arith.index_cast %scan3A_88 : i32 to index
          %get3A_120 = arith.constant 32 : index
          %get3A_121 = tpu.vector_load %arg12[%get3A_119, %get3A_120] {strides = array<i32>} : memref<80x128xf32, #tpu.memory_space<vmem>>, vector<1x16xf32>,
          %get3A_122 = vector.shape_cast %get3A_121 : vector<1x16xf32> to vector<16xf32>
          %add3A_123 = arith.addf %get3A_118, %get3A_122 : vector<16xf32>
          %swap3A_124 = arith.index_cast %scan3A_88 : i32 to index
          %swap3A_125 = arith.constant 32 : index
          %swap3A_126 = tpu.vector_load %arg11[%swap3A_124, %swap3A_125] {strides = array<i32>} : memref<80x256xf32, #tpu.memory_space<vmem>>, vector<1x16xf32>,
          %swap3A_127 = vector.shape_cast %swap3A_126 : vector<1x16xf32> to vector<16xf32>
          %swap3A_128 = vector.shape_cast %add3A_123 : vector<16xf32> to vector<1x16xf32>
          tpu.vector_store %arg11[%swap3A_124, %swap3A_125], %swap3A_128 {strides = array<i32>} : memref<80x256xf32, #tpu.memory_space<vmem>>, vector<1x16xf32>,
          %get3A_129 = arith.index_cast %scan3A_88 : i32 to index
          %get3A_130 = arith.constant 48 : index
          %get3A_131 = tpu.vector_load %arg11[%get3A_129, %get3A_130] {strides = array<i32>} : memref<80x256xf32, #tpu.memory_space<vmem>>, vector<1x16xf32>,
          %get3A_132 = vector.shape_cast %get3A_131 : vector<1x16xf32> to vector<16xf32>
          %get3A_133 = arith.index_cast %scan3A_88 : i32 to index
          %get3A_134 = arith.constant 48 : index
          %get3A_135 = tpu.vector_load %arg12[%get3A_133, %get3A_134] {strides = array<i32>} : memref<80x128xf32, #tpu.memory_space<vmem>>, vector<1x16xf32>,
          %get3A_136 = vector.shape_cast %get3A_135 : vector<1x16xf32> to vector<16xf32>
          %add3A_137 = arith.addf %get3A_132, %get3A_136 : vector<16xf32>
          %swap3A_138 = arith.index_cast %scan3A_88 : i32 to index
          %swap3A_139 = arith.constant 48 : index
          %swap3A_140 = tpu.vector_load %arg11[%swap3A_138, %swap3A_139] {strides = array<i32>} : memref<80x256xf32, #tpu.memory_space<vmem>>, vector<1x16xf32>,
          %swap3A_141 = vector.shape_cast %swap3A_140 : vector<1x16xf32> to vector<16xf32>
          %swap3A_142 = vector.shape_cast %add3A_137 : vector<16xf32> to vector<1x16xf32>
          tpu.vector_store %arg11[%swap3A_138, %swap3A_139], %swap3A_142 {strides = array<i32>} : memref<80x256xf32, #tpu.memory_space<vmem>>, vector<1x16xf32>,
          %get3A_143 = arith.index_cast %scan3A_88 : i32 to index
          %get3A_144 = arith.constant 64 : index
          %get3A_145 = tpu.vector_load %arg11[%get3A_143, %get3A_144] {strides = array<i32>} : memref<80x256xf32, #tpu.memory_space<vmem>>, vector<1x16xf32>,
          %get3A_146 = vector.shape_cast %get3A_145 : vector<1x16xf32> to vector<16xf32>
          %get3A_147 = arith.index_cast %scan3A_88 : i32 to index
          %get3A_148 = arith.constant 64 : index
          %get3A_149 = tpu.vector_load %arg12[%get3A_147, %get3A_148] {strides = array<i32>} : memref<80x128xf32, #tpu.memory_space<vmem>>, vector<1x16xf32>,
          %get3A_150 = vector.shape_cast %get3A_149 : vector<1x16xf32> to vector<16xf32>
          %add3A_151 = arith.addf %get3A_146, %get3A_150 : vector<16xf32>
          %swap3A_152 = arith.index_cast %scan3A_88 : i32 to index
          %swap3A_153 = arith.constant 64 : index
          %swap3A_154 = tpu.vector_load %arg11[%swap3A_152, %swap3A_153] {strides = array<i32>} : memref<80x256xf32, #tpu.memory_space<vmem>>, vector<1x16xf32>,
          %swap3A_155 = vector.shape_cast %swap3A_154 : vector<1x16xf32> to vector<16xf32>
          %swap3A_156 = vector.shape_cast %add3A_151 : vector<16xf32> to vector<1x16xf32>
          tpu.vector_store %arg11[%swap3A_152, %swap3A_153], %swap3A_156 {strides = array<i32>} : memref<80x256xf32, #tpu.memory_space<vmem>>, vector<1x16xf32>,
          %get3A_157 = arith.index_cast %scan3A_88 : i32 to index
          %get3A_158 = arith.constant 80 : index
          %get3A_159 = tpu.vector_load %arg11[%get3A_157, %get3A_158] {strides = array<i32>} : memref<80x256xf32, #tpu.memory_space<vmem>>, vector<1x16xf32>,
          %get3A_160 = vector.shape_cast %get3A_159 : vector<1x16xf32> to vector<16xf32>
          %get3A_161 = arith.index_cast %scan3A_88 : i32 to index
          %get3A_162 = arith.constant 80 : index
          %get3A_163 = tpu.vector_load %arg12[%get3A_161, %get3A_162] {strides = array<i32>} : memref<80x128xf32, #tpu.memory_space<vmem>>, vector<1x16xf32>,
          %get3A_164 = vector.shape_cast %get3A_163 : vector<1x16xf32> to vector<16xf32>
          %add3A_165 = arith.addf %get3A_160, %get3A_164 : vector<16xf32>
          %swap3A_166 = arith.index_cast %scan3A_88 : i32 to index
          %swap3A_167 = arith.constant 80 : index
          %swap3A_168 = tpu.vector_load %arg11[%swap3A_166, %swap3A_167] {strides = array<i32>} : memref<80x256xf32, #tpu.memory_space<vmem>>, vector<1x16xf32>,
          %swap3A_169 = vector.shape_cast %swap3A_168 : vector<1x16xf32> to vector<16xf32>
          %swap3A_170 = vector.shape_cast %add3A_165 : vector<16xf32> to vector<1x16xf32>
          tpu.vector_store %arg11[%swap3A_166, %swap3A_167], %swap3A_170 {strides = array<i32>} : memref<80x256xf32, #tpu.memory_space<vmem>>, vector<1x16xf32>,
          %get3A_171 = arith.index_cast %scan3A_88 : i32 to index
          %get3A_172 = arith.constant 96 : index
          %get3A_173 = tpu.vector_load %arg11[%get3A_171, %get3A_172] {strides = array<i32>} : memref<80x256xf32, #tpu.memory_space<vmem>>, vector<1x16xf32>,
          %get3A_174 = vector.shape_cast %get3A_173 : vector<1x16xf32> to vector<16xf32>
          %get3A_175 = arith.index_cast %scan3A_88 : i32 to index
          %get3A_176 = arith.constant 96 : index
          %get3A_177 = tpu.vector_load %arg12[%get3A_175, %get3A_176] {strides = array<i32>} : memref<80x128xf32, #tpu.memory_space<vmem>>, vector<1x16xf32>,
          %get3A_178 = vector.shape_cast %get3A_177 : vector<1x16xf32> to vector<16xf32>
          %add3A_179 = arith.addf %get3A_174, %get3A_178 : vector<16xf32>
          %swap3A_180 = arith.index_cast %scan3A_88 : i32 to index
          %swap3A_181 = arith.constant 96 : index
          %swap3A_182 = tpu.vector_load %arg11[%swap3A_180, %swap3A_181] {strides = array<i32>} : memref<80x256xf32, #tpu.memory_space<vmem>>, vector<1x16xf32>,
          %swap3A_183 = vector.shape_cast %swap3A_182 : vector<1x16xf32> to vector<16xf32>
          %swap3A_184 = vector.shape_cast %add3A_179 : vector<16xf32> to vector<1x16xf32>
          tpu.vector_store %arg11[%swap3A_180, %swap3A_181], %swap3A_184 {strides = array<i32>} : memref<80x256xf32, #tpu.memory_space<vmem>>, vector<1x16xf32>,
          %get3A_185 = arith.index_cast %scan3A_88 : i32 to index
          %get3A_186 = arith.constant 112 : index
          %get3A_187 = tpu.vector_load %arg11[%get3A_185, %get3A_186] {strides = array<i32>} : memref<80x256xf32, #tpu.memory_space<vmem>>, vector<1x16xf32>,
          %get3A_188 = vector.shape_cast %get3A_187 : vector<1x16xf32> to vector<16xf32>
          %get3A_189 = arith.index_cast %scan3A_88 : i32 to index
          %get3A_190 = arith.constant 112 : index
          %get3A_191 = tpu.vector_load %arg12[%get3A_189, %get3A_190] {strides = array<i32>} : memref<80x128xf32, #tpu.memory_space<vmem>>, vector<1x16xf32>,
          %get3A_192 = vector.shape_cast %get3A_191 : vector<1x16xf32> to vector<16xf32>
          %add3A_193 = arith.addf %get3A_188, %get3A_192 : vector<16xf32>
          %swap3A_194 = arith.index_cast %scan3A_88 : i32 to index
          %swap3A_195 = arith.constant 112 : index
          %swap3A_196 = tpu.vector_load %arg11[%swap3A_194, %swap3A_195] {strides = array<i32>} : memref<80x256xf32, #tpu.memory_space<vmem>>, vector<1x16xf32>,
          %swap3A_197 = vector.shape_cast %swap3A_196 : vector<1x16xf32> to vector<16xf32>
          %swap3A_198 = vector.shape_cast %add3A_193 : vector<16xf32> to vector<1x16xf32>
          tpu.vector_store %arg11[%swap3A_194, %swap3A_195], %swap3A_198 {strides = array<i32>} : memref<80x256xf32, #tpu.memory_space<vmem>>, vector<1x16xf32>,
          %scan3A_199 = arith.constant 1 : i32
          %scan3A_200 = arith.addi %scan3A_88, %scan3A_199 : i32
          %get3A_201 = arith.index_cast %scan3A_200 : i32 to index
          %get3A_202 = arith.constant 0 : index
          %get3A_203 = tpu.vector_load %arg11[%get3A_201, %get3A_202] {strides = array<i32>} : memref<80x256xf32, #tpu.memory_space<vmem>>, vector<1x16xf32>,
          %get3A_204 = vector.shape_cast %get3A_203 : vector<1x16xf32> to vector<16xf32>
          %get3A_205 = arith.index_cast %scan3A_200 : i32 to index
          %get3A_206 = arith.constant 0 : index
          %get3A_207 = tpu.vector_load %arg12[%get3A_205, %get3A_206] {strides = array<i32>} : memref<80x128xf32, #tpu.memory_space<vmem>>, vector<1x16xf32>,
          %get3A_208 = vector.shape_cast %get3A_207 : vector<1x16xf32> to vector<16xf32>
          %add3A_209 = arith.addf %get3A_204, %get3A_208 : vector<16xf32>
          %swap3A_210 = arith.index_cast %scan3A_200 : i32 to index
          %swap3A_211 = arith.constant 0 : index
          %swap3A_212 = tpu.vector_load %arg11[%swap3A_210, %swap3A_211] {strides = array<i32>} : memref<80x256xf32, #tpu.memory_space<vmem>>, vector<1x16xf32>,
          %swap3A_213 = vector.shape_cast %swap3A_212 : vector<1x16xf32> to vector<16xf32>
          %swap3A_214 = vector.shape_cast %add3A_209 : vector<16xf32> to vector<1x16xf32>
          tpu.vector_store %arg11[%swap3A_210, %swap3A_211], %swap3A_214 {strides = array<i32>} : memref<80x256xf32, #tpu.memory_space<vmem>>, vector<1x16xf32>,
          %get3A_215 = arith.index_cast %scan3A_200 : i32 to index
          %get3A_216 = arith.constant 16 : index
          %get3A_217 = tpu.vector_load %arg11[%get3A_215, %get3A_216] {strides = array<i32>} : memref<80x256xf32, #tpu.memory_space<vmem>>, vector<1x16xf32>,
          %get3A_218 = vector.shape_cast %get3A_217 : vector<1x16xf32> to vector<16xf32>
          %get3A_219 = arith.index_cast %scan3A_200 : i32 to index
          %get3A_220 = arith.constant 16 : index
          %get3A_221 = tpu.vector_load %arg12[%get3A_219, %get3A_220] {strides = array<i32>} : memref<80x128xf32, #tpu.memory_space<vmem>>, vector<1x16xf32>,
          %get3A_222 = vector.shape_cast %get3A_221 : vector<1x16xf32> to vector<16xf32>
          %add3A_223 = arith.addf %get3A_218, %get3A_222 : vector<16xf32>
          %swap3A_224 = arith.index_cast %scan3A_200 : i32 to index
          %swap3A_225 = arith.constant 16 : index
          %swap3A_226 = tpu.vector_load %arg11[%swap3A_224, %swap3A_225] {strides = array<i32>} : memref<80x256xf32, #tpu.memory_space<vmem>>, vector<1x16xf32>,
          %swap3A_227 = vector.shape_cast %swap3A_226 : vector<1x16xf32> to vector<16xf32>
          %swap3A_228 = vector.shape_cast %add3A_223 : vector<16xf32> to vector<1x16xf32>
          tpu.vector_store %arg11[%swap3A_224, %swap3A_225], %swap3A_228 {strides = array<i32>} : memref<80x256xf32, #tpu.memory_space<vmem>>, vector<1x16xf32>,
          %get3A_229 = arith.index_cast %scan3A_200 : i32 to index
          %get3A_230 = arith.constant 32 : index
          %get3A_231 = tpu.vector_load %arg11[%get3A_229, %get3A_230] {strides = array<i32>} : memref<80x256xf32, #tpu.memory_space<vmem>>, vector<1x16xf32>,
          %get3A_232 = vector.shape_cast %get3A_231 : vector<1x16xf32> to vector<16xf32>
          %get3A_233 = arith.index_cast %scan3A_200 : i32 to index
          %get3A_234 = arith.constant 32 : index
          %get3A_235 = tpu.vector_load %arg12[%get3A_233, %get3A_234] {strides = array<i32>} : memref<80x128xf32, #tpu.memory_space<vmem>>, vector<1x16xf32>,
          %get3A_236 = vector.shape_cast %get3A_235 : vector<1x16xf32> to vector<16xf32>
          %add3A_237 = arith.addf %get3A_232, %get3A_236 : vector<16xf32>
          %swap3A_238 = arith.index_cast %scan3A_200 : i32 to index
          %swap3A_239 = arith.constant 32 : index
          %swap3A_240 = tpu.vector_load %arg11[%swap3A_238, %swap3A_239] {strides = array<i32>} : memref<80x256xf32, #tpu.memory_space<vmem>>, vector<1x16xf32>,
          %swap3A_241 = vector.shape_cast %swap3A_240 : vector<1x16xf32> to vector<16xf32>
          %swap3A_242 = vector.shape_cast %add3A_237 : vector<16xf32> to vector<1x16xf32>
          tpu.vector_store %arg11[%swap3A_238, %swap3A_239], %swap3A_242 {strides = array<i32>} : memref<80x256xf32, #tpu.memory_space<vmem>>, vector<1x16xf32>,
          %get3A_243 = arith.index_cast %scan3A_200 : i32 to index
          %get3A_244 = arith.constant 48 : index
          %get3A_245 = tpu.vector_load %arg11[%get3A_243, %get3A_244] {strides = array<i32>} : memref<80x256xf32, #tpu.memory_space<vmem>>, vector<1x16xf32>,
          %get3A_246 = vector.shape_cast %get3A_245 : vector<1x16xf32> to vector<16xf32>
          %get3A_247 = arith.index_cast %scan3A_200 : i32 to index
          %get3A_248 = arith.constant 48 : index
          %get3A_249 = tpu.vector_load %arg12[%get3A_247, %get3A_248] {strides = array<i32>} : memref<80x128xf32, #tpu.memory_space<vmem>>, vector<1x16xf32>,
          %get3A_250 = vector.shape_cast %get3A_249 : vector<1x16xf32> to vector<16xf32>
          %add3A_251 = arith.addf %get3A_246, %get3A_250 : vector<16xf32>
          %swap3A_252 = arith.index_cast %scan3A_200 : i32 to index
          %swap3A_253 = arith.constant 48 : index
          %swap3A_254 = tpu.vector_load %arg11[%swap3A_252, %swap3A_253] {strides = array<i32>} : memref<80x256xf32, #tpu.memory_space<vmem>>, vector<1x16xf32>,
          %swap3A_255 = vector.shape_cast %swap3A_254 : vector<1x16xf32> to vector<16xf32>
          %swap3A_256 = vector.shape_cast %add3A_251 : vector<16xf32> to vector<1x16xf32>
          tpu.vector_store %arg11[%swap3A_252, %swap3A_253], %swap3A_256 {strides = array<i32>} : memref<80x256xf32, #tpu.memory_space<vmem>>, vector<1x16xf32>,
          %get3A_257 = arith.index_cast %scan3A_200 : i32 to index
          %get3A_258 = arith.constant 64 : index
          %get3A_259 = tpu.vector_load %arg11[%get3A_257, %get3A_258] {strides = array<i32>} : memref<80x256xf32, #tpu.memory_space<vmem>>, vector<1x16xf32>,
          %get3A_260 = vector.shape_cast %get3A_259 : vector<1x16xf32> to vector<16xf32>
          %get3A_261 = arith.index_cast %scan3A_200 : i32 to index
          %get3A_262 = arith.constant 64 : index
          %get3A_263 = tpu.vector_load %arg12[%get3A_261, %get3A_262] {strides = array<i32>} : memref<80x128xf32, #tpu.memory_space<vmem>>, vector<1x16xf32>,
          %get3A_264 = vector.shape_cast %get3A_263 : vector<1x16xf32> to vector<16xf32>
          %add3A_265 = arith.addf %get3A_260, %get3A_264 : vector<16xf32>
          %swap3A_266 = arith.index_cast %scan3A_200 : i32 to index
          %swap3A_267 = arith.constant 64 : index
          %swap3A_268 = tpu.vector_load %arg11[%swap3A_266, %swap3A_267] {strides = array<i32>} : memref<80x256xf32, #tpu.memory_space<vmem>>, vector<1x16xf32>,
          %swap3A_269 = vector.shape_cast %swap3A_268 : vector<1x16xf32> to vector<16xf32>
          %swap3A_270 = vector.shape_cast %add3A_265 : vector<16xf32> to vector<1x16xf32>
          tpu.vector_store %arg11[%swap3A_266, %swap3A_267], %swap3A_270 {strides = array<i32>} : memref<80x256xf32, #tpu.memory_space<vmem>>, vector<1x16xf32>,
          %get3A_271 = arith.index_cast %scan3A_200 : i32 to index
          %get3A_272 = arith.constant 80 : index
          %get3A_273 = tpu.vector_load %arg11[%get3A_271, %get3A_272] {strides = array<i32>} : memref<80x256xf32, #tpu.memory_space<vmem>>, vector<1x16xf32>,
          %get3A_274 = vector.shape_cast %get3A_273 : vector<1x16xf32> to vector<16xf32>
          %get3A_275 = arith.index_cast %scan3A_200 : i32 to index
          %get3A_276 = arith.constant 80 : index
          %get3A_277 = tpu.vector_load %arg12[%get3A_275, %get3A_276] {strides = array<i32>} : memref<80x128xf32, #tpu.memory_space<vmem>>, vector<1x16xf32>,
          %get3A_278 = vector.shape_cast %get3A_277 : vector<1x16xf32> to vector<16xf32>
          %add3A_279 = arith.addf %get3A_274, %get3A_278 : vector<16xf32>
          %swap3A_280 = arith.index_cast %scan3A_200 : i32 to index
          %swap3A_281 = arith.constant 80 : index
          %swap3A_282 = tpu.vector_load %arg11[%swap3A_280, %swap3A_281] {strides = array<i32>} : memref<80x256xf32, #tpu.memory_space<vmem>>, vector<1x16xf32>,
          %swap3A_283 = vector.shape_cast %swap3A_282 : vector<1x16xf32> to vector<16xf32>
          %swap3A_284 = vector.shape_cast %add3A_279 : vector<16xf32> to vector<1x16xf32>
          tpu.vector_store %arg11[%swap3A_280, %swap3A_281], %swap3A_284 {strides = array<i32>} : memref<80x256xf32, #tpu.memory_space<vmem>>, vector<1x16xf32>,
          %get3A_285 = arith.index_cast %scan3A_200 : i32 to index
          %get3A_286 = arith.constant 96 : index
          %get3A_287 = tpu.vector_load %arg11[%get3A_285, %get3A_286] {strides = array<i32>} : memref<80x256xf32, #tpu.memory_space<vmem>>, vector<1x16xf32>,
          %get3A_288 = vector.shape_cast %get3A_287 : vector<1x16xf32> to vector<16xf32>
          %get3A_289 = arith.index_cast %scan3A_200 : i32 to index
          %get3A_290 = arith.constant 96 : index
          %get3A_291 = tpu.vector_load %arg12[%get3A_289, %get3A_290] {strides = array<i32>} : memref<80x128xf32, #tpu.memory_space<vmem>>, vector<1x16xf32>,
          %get3A_292 = vector.shape_cast %get3A_291 : vector<1x16xf32> to vector<16xf32>
          %add3A_293 = arith.addf %get3A_288, %get3A_292 : vector<16xf32>
          %swap3A_294 = arith.index_cast %scan3A_200 : i32 to index
          %swap3A_295 = arith.constant 96 : index
          %swap3A_296 = tpu.vector_load %arg11[%swap3A_294, %swap3A_295] {strides = array<i32>} : memref<80x256xf32, #tpu.memory_space<vmem>>, vector<1x16xf32>,
          %swap3A_297 = vector.shape_cast %swap3A_296 : vector<1x16xf32> to vector<16xf32>
          %swap3A_298 = vector.shape_cast %add3A_293 : vector<16xf32> to vector<1x16xf32>
          tpu.vector_store %arg11[%swap3A_294, %swap3A_295], %swap3A_298 {strides = array<i32>} : memref<80x256xf32, #tpu.memory_space<vmem>>, vector<1x16xf32>,
          %get3A_299 = arith.index_cast %scan3A_200 : i32 to index
          %get3A_300 = arith.constant 112 : index
          %get3A_301 = tpu.vector_load %arg11[%get3A_299, %get3A_300] {strides = array<i32>} : memref<80x256xf32, #tpu.memory_space<vmem>>, vector<1x16xf32>,
          %get3A_302 = vector.shape_cast %get3A_301 : vector<1x16xf32> to vector<16xf32>
          %get3A_303 = arith.index_cast %scan3A_200 : i32 to index
          %get3A_304 = arith.constant 112 : index
          %get3A_305 = tpu.vector_load %arg12[%get3A_303, %get3A_304] {strides = array<i32>} : memref<80x128xf32, #tpu.memory_space<vmem>>, vector<1x16xf32>,
          %get3A_306 = vector.shape_cast %get3A_305 : vector<1x16xf32> to vector<16xf32>
          %add3A_307 = arith.addf %get3A_302, %get3A_306 : vector<16xf32>
          %swap3A_308 = arith.index_cast %scan3A_200 : i32 to index
          %swap3A_309 = arith.constant 112 : index
          %swap3A_310 = tpu.vector_load %arg11[%swap3A_308, %swap3A_309] {strides = array<i32>} : memref<80x256xf32, #tpu.memory_space<vmem>>, vector<1x16xf32>,
          %swap3A_311 = vector.shape_cast %swap3A_310 : vector<1x16xf32> to vector<16xf32>
          %swap3A_312 = vector.shape_cast %add3A_307 : vector<16xf32> to vector<1x16xf32>
          tpu.vector_store %arg11[%swap3A_308, %swap3A_309], %swap3A_312 {strides = array<i32>} : memref<80x256xf32, #tpu.memory_space<vmem>>, vector<1x16xf32>,
        }
        %scan3A_80 = arith.constant 80 : i32
        %mul3A_81 = arith.constant 80 : i32
        %mul3A_82 = arith.muli %scan3A_20, %mul3A_81 : i32
        %add3A_83 = arith.addi %mul3A_2, %mul3A_82 : i32
        %dma_start3A_84 = arith.constant 0 : i32
        %dma_start3A_85 = tpu.memref_slice %arg6[%add3A_83, %dma_start3A_84] : memref<320000x256xf32, #tpu.memory_space<hbm>> -> memref<80x256xf32, #tpu.memory_space<hbm>>
        %dma_start3A_86 = arith.constant 0 : i32
        %dma_start3A_87 = tpu.memref_slice %arg6[%add3A_83, %dma_start3A_86] : memref<320000x256xf32, #tpu.memory_space<hbm>> -> memref<80x256xf32, #tpu.memory_space<hbm>>
        tpu.enqueue_dma source(%arg11 : memref<80x256xf32, #tpu.memory_space<vmem>>) target(%dma_start3A_87 : memref<80x256xf32, #tpu.memory_space<hbm>>) target_semaphore(%arg18 : memref<!tpu.dma_semaphore, #tpu.memory_space<semaphore_mem>>)
      } else {
      }
    }
    %scan3A_16 = arith.constant 125 : i32
    %dma_wait3A = arith.constant 0 : i32
    %dma_wait3A_17 = tpu.memref_slice %arg6[%mul3A_2, %dma_wait3A] : memref<320000x256xf32, #tpu.memory_space<hbm>> -> memref<80x256xf32, #tpu.memory_space<hbm>>
    %dma_wait3A_18 = arith.constant 0 : i32
    %dma_wait3A_19 = tpu.memref_slice %arg6[%mul3A_2, %dma_wait3A_18] : memref<320000x256xf32, #tpu.memory_space<hbm>> -> memref<80x256xf32, #tpu.memory_space<hbm>>
    tpu.wait_dma2 semaphore(%arg15 : memref<!tpu.dma_semaphore, #tpu.memory_space<semaphore_mem>>) src(%arg9 : memref<80x256xf32, #tpu.memory_space<vmem>>) dst(%dma_wait3A_19 : memref<80x256xf32, #tpu.memory_space<hbm>>)
    return
  }
}

#map = affine_map<(d0, d1) -> (0, 0)>
#map1 = affine_map<(d0, d1) -> (0)>
module attributes {stable_mosaic.version = 14 : i64} {
  func.func @body(%arg0: i32, %arg1: i32, %arg2: memref<320000x128xf32, #tpu.memory_space<hbm>>, %arg3: memref<320000xi32, #tpu.memory_space<hbm>>, %arg4: memref<128x128xf32, #tpu.memory_space<hbm>>, %arg5: memref<20480x128xf32, #tpu.memory_space<hbm>>, %arg6: memref<80xi32, #tpu.memory_space<vmem>>, %arg7: memref<80x128xf32, #tpu.memory_space<vmem>>, %arg8: memref<80xi32, #tpu.memory_space<vmem>>, %arg9: memref<80x128xf32, #tpu.memory_space<vmem>>, %arg10: memref<128x128xf32, #tpu.memory_space<vmem>>, %arg11: memref<10240x128xf32, #tpu.memory_space<vmem_shared>>, %arg12: memref<!tpu.dma_semaphore, #tpu.memory_space<semaphore_mem>>, %arg13: memref<!tpu.dma_semaphore, #tpu.memory_space<semaphore_mem>>, %arg14: memref<!tpu.dma_semaphore, #tpu.memory_space<semaphore_mem>>, %arg15: memref<!tpu.dma_semaphore, #tpu.memory_space<semaphore_mem>>) attributes {dimension_semantics = [#tpu.dimension_semantics<core_parallel>, #tpu.dimension_semantics<subcore_parallel>], iteration_bounds = array<i64: 2, 16>, scalar_prefetch = 0 : i64, scratch_operands = 10 : i64, tpu.core_type = #tpu.core_type<sc_vector_subcore>, window_params = [{transform_indices = #map}, {transform_indices = #map1}, {transform_indices = #map}, {transform_indices = #map}]} {
    %mul3A = arith.constant 2 : i32
    %mul3A_0 = arith.muli %arg1, %mul3A : i32
    %add3A = arith.addi %mul3A_0, %arg0 : i32
    %mul3A_1 = arith.constant 10000 : i32
    %mul3A_2 = arith.muli %add3A, %mul3A_1 : i32
    "tpu.region"() ({
      %run_scoped3A = tpu.sem_alloc : memref<!tpu.dma_semaphore, #tpu.memory_space<semaphore_mem>>
      tpu.enqueue_dma source(%arg4 : memref<128x128xf32, #tpu.memory_space<hbm>>) target(%arg10 : memref<128x128xf32, #tpu.memory_space<vmem>>) target_semaphore(%run_scoped3A : memref<!tpu.dma_semaphore, #tpu.memory_space<semaphore_mem>>)
      tpu.wait_dma2 semaphore(%run_scoped3A : memref<!tpu.dma_semaphore, #tpu.memory_space<semaphore_mem>>) src(%arg4 : memref<128x128xf32, #tpu.memory_space<hbm>>) dst(%arg10 : memref<128x128xf32, #tpu.memory_space<vmem>>)
      tpu.yield
    }) : () -> ()
    %mul3A_3 = arith.constant 640 : i32
    %mul3A_4 = arith.muli %arg1, %mul3A_3 : i32
    %add3A_5 = arith.constant 0 : i32
    %add3A_6 = arith.addi %mul3A_4, %add3A_5 : i32
    "tpu.region"() ({
      %run_scoped3A = tpu.sem_alloc : memref<!tpu.dma_semaphore, #tpu.memory_space<semaphore_mem>>
      %dma_start3A_43 = arith.constant 0 : i32
      %dma_start3A_44 = tpu.memref_slice %arg11[%add3A_6, %dma_start3A_43] : memref<10240x128xf32, #tpu.memory_space<vmem_shared>> -> memref<128x128xf32, #tpu.memory_space<vmem_shared>>
      %dma_start3A_45 = arith.constant 0 : i32
      %dma_start3A_46 = tpu.memref_slice %arg11[%add3A_6, %dma_start3A_45] : memref<10240x128xf32, #tpu.memory_space<vmem_shared>> -> memref<128x128xf32, #tpu.memory_space<vmem_shared>>
      tpu.enqueue_dma source(%arg10 : memref<128x128xf32, #tpu.memory_space<vmem>>) target(%dma_start3A_46 : memref<128x128xf32, #tpu.memory_space<vmem_shared>>) target_semaphore(%run_scoped3A : memref<!tpu.dma_semaphore, #tpu.memory_space<semaphore_mem>>)
      %dma_wait3A_47 = arith.constant 0 : i32
      %dma_wait3A_48 = tpu.memref_slice %arg11[%add3A_6, %dma_wait3A_47] : memref<10240x128xf32, #tpu.memory_space<vmem_shared>> -> memref<128x128xf32, #tpu.memory_space<vmem_shared>>
      %dma_wait3A_49 = arith.constant 0 : i32
      %dma_wait3A_50 = tpu.memref_slice %arg11[%add3A_6, %dma_wait3A_49] : memref<10240x128xf32, #tpu.memory_space<vmem_shared>> -> memref<128x128xf32, #tpu.memory_space<vmem_shared>>
      tpu.wait_dma2 semaphore(%run_scoped3A : memref<!tpu.dma_semaphore, #tpu.memory_space<semaphore_mem>>) src(%arg10 : memref<128x128xf32, #tpu.memory_space<vmem>>) dst(%dma_wait3A_50 : memref<128x128xf32, #tpu.memory_space<vmem_shared>>)
      tpu.yield
    }) : () -> ()
    %mul3A_7 = arith.constant 640 : i32
    %mul3A_8 = arith.muli %arg1, %mul3A_7 : i32
    %add3A_9 = arith.constant 128 : i32
    %add3A_10 = arith.addi %mul3A_8, %add3A_9 : i32
    "tpu.region"() ({
      %run_scoped3A = tpu.sem_alloc : memref<!tpu.dma_semaphore, #tpu.memory_space<semaphore_mem>>
      %dma_start3A_43 = arith.constant 0 : i32
      %dma_start3A_44 = tpu.memref_slice %arg11[%add3A_10, %dma_start3A_43] : memref<10240x128xf32, #tpu.memory_space<vmem_shared>> -> memref<128x128xf32, #tpu.memory_space<vmem_shared>>
      %dma_start3A_45 = arith.constant 0 : i32
      %dma_start3A_46 = tpu.memref_slice %arg11[%add3A_10, %dma_start3A_45] : memref<10240x128xf32, #tpu.memory_space<vmem_shared>> -> memref<128x128xf32, #tpu.memory_space<vmem_shared>>
      tpu.enqueue_dma source(%arg10 : memref<128x128xf32, #tpu.memory_space<vmem>>) target(%dma_start3A_46 : memref<128x128xf32, #tpu.memory_space<vmem_shared>>) target_semaphore(%run_scoped3A : memref<!tpu.dma_semaphore, #tpu.memory_space<semaphore_mem>>)
      %dma_wait3A_47 = arith.constant 0 : i32
      %dma_wait3A_48 = tpu.memref_slice %arg11[%add3A_10, %dma_wait3A_47] : memref<10240x128xf32, #tpu.memory_space<vmem_shared>> -> memref<128x128xf32, #tpu.memory_space<vmem_shared>>
      %dma_wait3A_49 = arith.constant 0 : i32
      %dma_wait3A_50 = tpu.memref_slice %arg11[%add3A_10, %dma_wait3A_49] : memref<10240x128xf32, #tpu.memory_space<vmem_shared>> -> memref<128x128xf32, #tpu.memory_space<vmem_shared>>
      tpu.wait_dma2 semaphore(%run_scoped3A : memref<!tpu.dma_semaphore, #tpu.memory_space<semaphore_mem>>) src(%arg10 : memref<128x128xf32, #tpu.memory_space<vmem>>) dst(%dma_wait3A_50 : memref<128x128xf32, #tpu.memory_space<vmem_shared>>)
      tpu.yield
    }) : () -> ()
    %mul3A_11 = arith.constant 640 : i32
    %mul3A_12 = arith.muli %arg1, %mul3A_11 : i32
    %add3A_13 = arith.constant 256 : i32
    %add3A_14 = arith.addi %mul3A_12, %add3A_13 : i32
    "tpu.region"() ({
      %run_scoped3A = tpu.sem_alloc : memref<!tpu.dma_semaphore, #tpu.memory_space<semaphore_mem>>
      %dma_start3A_43 = arith.constant 0 : i32
      %dma_start3A_44 = tpu.memref_slice %arg11[%add3A_14, %dma_start3A_43] : memref<10240x128xf32, #tpu.memory_space<vmem_shared>> -> memref<128x128xf32, #tpu.memory_space<vmem_shared>>
      %dma_start3A_45 = arith.constant 0 : i32
      %dma_start3A_46 = tpu.memref_slice %arg11[%add3A_14, %dma_start3A_45] : memref<10240x128xf32, #tpu.memory_space<vmem_shared>> -> memref<128x128xf32, #tpu.memory_space<vmem_shared>>
      tpu.enqueue_dma source(%arg10 : memref<128x128xf32, #tpu.memory_space<vmem>>) target(%dma_start3A_46 : memref<128x128xf32, #tpu.memory_space<vmem_shared>>) target_semaphore(%run_scoped3A : memref<!tpu.dma_semaphore, #tpu.memory_space<semaphore_mem>>)
      %dma_wait3A_47 = arith.constant 0 : i32
      %dma_wait3A_48 = tpu.memref_slice %arg11[%add3A_14, %dma_wait3A_47] : memref<10240x128xf32, #tpu.memory_space<vmem_shared>> -> memref<128x128xf32, #tpu.memory_space<vmem_shared>>
      %dma_wait3A_49 = arith.constant 0 : i32
      %dma_wait3A_50 = tpu.memref_slice %arg11[%add3A_14, %dma_wait3A_49] : memref<10240x128xf32, #tpu.memory_space<vmem_shared>> -> memref<128x128xf32, #tpu.memory_space<vmem_shared>>
      tpu.wait_dma2 semaphore(%run_scoped3A : memref<!tpu.dma_semaphore, #tpu.memory_space<semaphore_mem>>) src(%arg10 : memref<128x128xf32, #tpu.memory_space<vmem>>) dst(%dma_wait3A_50 : memref<128x128xf32, #tpu.memory_space<vmem_shared>>)
      tpu.yield
    }) : () -> ()
    %mul3A_15 = arith.constant 640 : i32
    %mul3A_16 = arith.muli %arg1, %mul3A_15 : i32
    %add3A_17 = arith.constant 384 : i32
    %add3A_18 = arith.addi %mul3A_16, %add3A_17 : i32
    "tpu.region"() ({
      %run_scoped3A = tpu.sem_alloc : memref<!tpu.dma_semaphore, #tpu.memory_space<semaphore_mem>>
      %dma_start3A_43 = arith.constant 0 : i32
      %dma_start3A_44 = tpu.memref_slice %arg11[%add3A_18, %dma_start3A_43] : memref<10240x128xf32, #tpu.memory_space<vmem_shared>> -> memref<128x128xf32, #tpu.memory_space<vmem_shared>>
      %dma_start3A_45 = arith.constant 0 : i32
      %dma_start3A_46 = tpu.memref_slice %arg11[%add3A_18, %dma_start3A_45] : memref<10240x128xf32, #tpu.memory_space<vmem_shared>> -> memref<128x128xf32, #tpu.memory_space<vmem_shared>>
      tpu.enqueue_dma source(%arg10 : memref<128x128xf32, #tpu.memory_space<vmem>>) target(%dma_start3A_46 : memref<128x128xf32, #tpu.memory_space<vmem_shared>>) target_semaphore(%run_scoped3A : memref<!tpu.dma_semaphore, #tpu.memory_space<semaphore_mem>>)
      %dma_wait3A_47 = arith.constant 0 : i32
      %dma_wait3A_48 = tpu.memref_slice %arg11[%add3A_18, %dma_wait3A_47] : memref<10240x128xf32, #tpu.memory_space<vmem_shared>> -> memref<128x128xf32, #tpu.memory_space<vmem_shared>>
      %dma_wait3A_49 = arith.constant 0 : i32
      %dma_wait3A_50 = tpu.memref_slice %arg11[%add3A_18, %dma_wait3A_49] : memref<10240x128xf32, #tpu.memory_space<vmem_shared>> -> memref<128x128xf32, #tpu.memory_space<vmem_shared>>
      tpu.wait_dma2 semaphore(%run_scoped3A : memref<!tpu.dma_semaphore, #tpu.memory_space<semaphore_mem>>) src(%arg10 : memref<128x128xf32, #tpu.memory_space<vmem>>) dst(%dma_wait3A_50 : memref<128x128xf32, #tpu.memory_space<vmem_shared>>)
      tpu.yield
    }) : () -> ()
    %mul3A_19 = arith.constant 640 : i32
    %mul3A_20 = arith.muli %arg1, %mul3A_19 : i32
    %add3A_21 = arith.constant 512 : i32
    %add3A_22 = arith.addi %mul3A_20, %add3A_21 : i32
    "tpu.region"() ({
      %run_scoped3A = tpu.sem_alloc : memref<!tpu.dma_semaphore, #tpu.memory_space<semaphore_mem>>
      %dma_start3A_43 = arith.constant 0 : i32
      %dma_start3A_44 = tpu.memref_slice %arg11[%add3A_22, %dma_start3A_43] : memref<10240x128xf32, #tpu.memory_space<vmem_shared>> -> memref<128x128xf32, #tpu.memory_space<vmem_shared>>
      %dma_start3A_45 = arith.constant 0 : i32
      %dma_start3A_46 = tpu.memref_slice %arg11[%add3A_22, %dma_start3A_45] : memref<10240x128xf32, #tpu.memory_space<vmem_shared>> -> memref<128x128xf32, #tpu.memory_space<vmem_shared>>
      tpu.enqueue_dma source(%arg10 : memref<128x128xf32, #tpu.memory_space<vmem>>) target(%dma_start3A_46 : memref<128x128xf32, #tpu.memory_space<vmem_shared>>) target_semaphore(%run_scoped3A : memref<!tpu.dma_semaphore, #tpu.memory_space<semaphore_mem>>)
      %dma_wait3A_47 = arith.constant 0 : i32
      %dma_wait3A_48 = tpu.memref_slice %arg11[%add3A_22, %dma_wait3A_47] : memref<10240x128xf32, #tpu.memory_space<vmem_shared>> -> memref<128x128xf32, #tpu.memory_space<vmem_shared>>
      %dma_wait3A_49 = arith.constant 0 : i32
      %dma_wait3A_50 = tpu.memref_slice %arg11[%add3A_22, %dma_wait3A_49] : memref<10240x128xf32, #tpu.memory_space<vmem_shared>> -> memref<128x128xf32, #tpu.memory_space<vmem_shared>>
      tpu.wait_dma2 semaphore(%run_scoped3A : memref<!tpu.dma_semaphore, #tpu.memory_space<semaphore_mem>>) src(%arg10 : memref<128x128xf32, #tpu.memory_space<vmem>>) dst(%dma_wait3A_50 : memref<128x128xf32, #tpu.memory_space<vmem_shared>>)
      tpu.yield
    }) : () -> ()
    %barrier3A = arith.constant 0 : index
    tpu.barrier barrier_id(%barrier3A)
    %add3A_23 = arith.constant 0 : i32
    %add3A_24 = arith.addi %mul3A_2, %add3A_23 : i32
    %dma_start3A = tpu.memref_slice %arg3[%add3A_24] : memref<320000xi32, #tpu.memory_space<hbm>> -> memref<80xi32, #tpu.memory_space<hbm>>
    %dma_start3A_25 = tpu.memref_slice %arg3[%add3A_24] : memref<320000xi32, #tpu.memory_space<hbm>> -> memref<80xi32, #tpu.memory_space<hbm>>
    tpu.enqueue_dma source(%dma_start3A_25 : memref<80xi32, #tpu.memory_space<hbm>>) target(%arg6 : memref<80xi32, #tpu.memory_space<vmem>>) target_semaphore(%arg12 : memref<!tpu.dma_semaphore, #tpu.memory_space<semaphore_mem>>)
    %dma_start3A_26 = arith.constant 0 : i32
    %dma_start3A_27 = tpu.memref_slice %arg2[%add3A_24, %dma_start3A_26] : memref<320000x128xf32, #tpu.memory_space<hbm>> -> memref<80x128xf32, #tpu.memory_space<hbm>>
    %dma_start3A_28 = arith.constant 0 : i32
    %dma_start3A_29 = tpu.memref_slice %arg2[%add3A_24, %dma_start3A_28] : memref<320000x128xf32, #tpu.memory_space<hbm>> -> memref<80x128xf32, #tpu.memory_space<hbm>>
    tpu.enqueue_dma source(%dma_start3A_29 : memref<80x128xf32, #tpu.memory_space<hbm>>) target(%arg7 : memref<80x128xf32, #tpu.memory_space<vmem>>) target_semaphore(%arg12 : memref<!tpu.dma_semaphore, #tpu.memory_space<semaphore_mem>>)
    %scan3A = arith.constant 0 : i32
    %scan3A_30 = arith.constant 0 : i32
    %scan3A_31 = arith.constant 125 : i32
    %scan3A_32 = arith.addi %scan3A_30, %scan3A_31 : i32
    %scan3A_33 = arith.constant 1 : i32
    scf.for %scan3A_43 = %scan3A_30 to %scan3A_32 step %scan3A_33  : i32 {
      %jit3A = arith.constant 2 : i32
      %eq3A = arith.constant 0 : i32
      %eq3A_44 = arith.cmpi eq, %jit3A, %eq3A : i32
      %jit3A_45 = arith.constant 1 : i32
      %select_n3A = arith.select %eq3A_44, %jit3A_45, %jit3A : i32
      %rem3A = arith.remsi %scan3A_43, %select_n3A : i32
      %ne3A = arith.constant 0 : i32
      %ne3A_46 = arith.cmpi ne, %rem3A, %ne3A : i32
      %lt3A = arith.constant 0 : i32
      %lt3A_47 = arith.cmpi slt, %rem3A, %lt3A : i32
      %lt3A_48 = arith.constant 0 : i32
      %lt3A_49 = arith.cmpi slt, %select_n3A, %lt3A_48 : i32
      %ne3A_50 = arith.xori %lt3A_47, %lt3A_49 : i1
      %and3A = arith.andi %ne3A_50, %ne3A_46 : i1
      %add3A_51 = arith.addi %rem3A, %select_n3A : i32
      %select_n3A_52 = arith.select %and3A, %add3A_51, %rem3A : i32
      %eq3A_53 = arith.constant 0 : i32
      %eq3A_54 = arith.cmpi eq, %select_n3A_52, %eq3A_53 : i32
      %convert_element_type3A = arith.extui %eq3A_54 : i1 to i32
      %cond3A = arith.constant 0 : i32
      %cond3A_55 = arith.cmpi ne, %convert_element_type3A, %cond3A : i32
      scf.if %cond3A_55 {
        %ge3A = arith.constant 1 : i32
        %ge3A_77 = arith.cmpi sge, %scan3A_43, %ge3A : i32
        %convert_element_type3A_78 = arith.extui %ge3A_77 : i1 to i32
        %cond3A_79 = arith.constant 0 : i32
        %cond3A_80 = arith.cmpi ne, %convert_element_type3A_78, %cond3A_79 : i32
        scf.if %cond3A_80 {
          %dma_wait3A_101 = arith.constant 0 : i32
          %dma_wait3A_102 = arith.constant 0 : i32
          %dma_wait3A_103 = tpu.memref_slice %arg11[%dma_wait3A_101, %dma_wait3A_102] : memref<10240x128xf32, #tpu.memory_space<vmem_shared>> -> memref<10240x128xf32, #tpu.memory_space<vmem_shared>>
          tpu.wait_indirect_dma semaphore(%arg15 : memref<!tpu.dma_semaphore, #tpu.memory_space<semaphore_mem>>) src(%arg9 : memref<80x128xf32, #tpu.memory_space<vmem>>) dst(%dma_wait3A_103 : memref<10240x128xf32, #tpu.memory_space<vmem_shared>>)
        } else {
        }
        %add3A_81 = arith.constant 1 : i32
        %add3A_82 = arith.addi %scan3A_43, %add3A_81 : i32
        %lt3A_83 = arith.constant 125 : i32
        %lt3A_84 = arith.cmpi slt, %add3A_82, %lt3A_83 : i32
        %convert_element_type3A_85 = arith.extui %lt3A_84 : i1 to i32
        %cond3A_86 = arith.constant 0 : i32
        %cond3A_87 = arith.cmpi ne, %convert_element_type3A_85, %cond3A_86 : i32
        scf.if %cond3A_87 {
          %add3A_101 = arith.constant 1 : i32
          %add3A_102 = arith.addi %scan3A_43, %add3A_101 : i32
          %mul3A_103 = arith.constant 80 : i32
          %mul3A_104 = arith.muli %add3A_102, %mul3A_103 : i32
          %add3A_105 = arith.addi %mul3A_2, %mul3A_104 : i32
          %dma_start3A_106 = tpu.memref_slice %arg3[%add3A_105] : memref<320000xi32, #tpu.memory_space<hbm>> -> memref<80xi32, #tpu.memory_space<hbm>>
          %dma_start3A_107 = tpu.memref_slice %arg3[%add3A_105] : memref<320000xi32, #tpu.memory_space<hbm>> -> memref<80xi32, #tpu.memory_space<hbm>>
          tpu.enqueue_dma source(%dma_start3A_107 : memref<80xi32, #tpu.memory_space<hbm>>) target(%arg8 : memref<80xi32, #tpu.memory_space<vmem>>) target_semaphore(%arg13 : memref<!tpu.dma_semaphore, #tpu.memory_space<semaphore_mem>>)
          %dma_start3A_108 = arith.constant 0 : i32
          %dma_start3A_109 = tpu.memref_slice %arg2[%add3A_105, %dma_start3A_108] : memref<320000x128xf32, #tpu.memory_space<hbm>> -> memref<80x128xf32, #tpu.memory_space<hbm>>
          %dma_start3A_110 = arith.constant 0 : i32
          %dma_start3A_111 = tpu.memref_slice %arg2[%add3A_105, %dma_start3A_110] : memref<320000x128xf32, #tpu.memory_space<hbm>> -> memref<80x128xf32, #tpu.memory_space<hbm>>
          tpu.enqueue_dma source(%dma_start3A_111 : memref<80x128xf32, #tpu.memory_space<hbm>>) target(%arg9 : memref<80x128xf32, #tpu.memory_space<vmem>>) target_semaphore(%arg13 : memref<!tpu.dma_semaphore, #tpu.memory_space<semaphore_mem>>)
        } else {
        }
        %dma_wait3A_88 = arith.constant 0 : i32
        %dma_wait3A_89 = tpu.memref_slice %arg3[%dma_wait3A_88] : memref<320000xi32, #tpu.memory_space<hbm>> -> memref<80xi32, #tpu.memory_space<hbm>>
        %dma_wait3A_90 = arith.constant 0 : i32
        %dma_wait3A_91 = tpu.memref_slice %arg3[%dma_wait3A_90] : memref<320000xi32, #tpu.memory_space<hbm>> -> memref<80xi32, #tpu.memory_space<hbm>>
        tpu.wait_dma2 semaphore(%arg12 : memref<!tpu.dma_semaphore, #tpu.memory_space<semaphore_mem>>) src(%dma_wait3A_91 : memref<80xi32, #tpu.memory_space<hbm>>) dst(%arg6 : memref<80xi32, #tpu.memory_space<vmem>>)
        %dma_wait3A_92 = arith.constant 0 : i32
        %dma_wait3A_93 = arith.constant 0 : i32
        %dma_wait3A_94 = tpu.memref_slice %arg2[%dma_wait3A_92, %dma_wait3A_93] : memref<320000x128xf32, #tpu.memory_space<hbm>> -> memref<80x128xf32, #tpu.memory_space<hbm>>
        %dma_wait3A_95 = arith.constant 0 : i32
        %dma_wait3A_96 = arith.constant 0 : i32
        %dma_wait3A_97 = tpu.memref_slice %arg2[%dma_wait3A_95, %dma_wait3A_96] : memref<320000x128xf32, #tpu.memory_space<hbm>> -> memref<80x128xf32, #tpu.memory_space<hbm>>
        tpu.wait_dma2 semaphore(%arg12 : memref<!tpu.dma_semaphore, #tpu.memory_space<semaphore_mem>>) src(%dma_wait3A_97 : memref<80x128xf32, #tpu.memory_space<hbm>>) dst(%arg7 : memref<80x128xf32, #tpu.memory_space<vmem>>)
        %dma_start3A_98 = arith.constant 0 : i32
        %dma_start3A_99 = arith.constant 0 : i32
        %dma_start3A_100 = tpu.memref_slice %arg11[%dma_start3A_98, %dma_start3A_99] : memref<10240x128xf32, #tpu.memory_space<vmem_shared>> -> memref<10240x128xf32, #tpu.memory_space<vmem_shared>>
        tpu.enqueue_indirect_dma source(%arg7 : memref<80x128xf32, #tpu.memory_space<vmem>>) target(%dma_start3A_100 : memref<10240x128xf32, #tpu.memory_space<vmem_shared>>) offsets(%arg6 : memref<80xi32, #tpu.memory_space<vmem>>) semaphore(%arg14 : memref<!tpu.dma_semaphore, #tpu.memory_space<semaphore_mem>>) {add = true}
      } else {
      }
      %jit3A_56 = arith.constant 2 : i32
      %eq3A_57 = arith.constant 0 : i32
      %eq3A_58 = arith.cmpi eq, %jit3A_56, %eq3A_57 : i32
      %jit3A_59 = arith.constant 1 : i32
      %select_n3A_60 = arith.select %eq3A_58, %jit3A_59, %jit3A_56 : i32
      %rem3A_61 = arith.remsi %scan3A_43, %select_n3A_60 : i32
      %ne3A_62 = arith.constant 0 : i32
      %ne3A_63 = arith.cmpi ne, %rem3A_61, %ne3A_62 : i32
      %lt3A_64 = arith.constant 0 : i32
      %lt3A_65 = arith.cmpi slt, %rem3A_61, %lt3A_64 : i32
      %lt3A_66 = arith.constant 0 : i32
      %lt3A_67 = arith.cmpi slt, %select_n3A_60, %lt3A_66 : i32
      %ne3A_68 = arith.xori %lt3A_65, %lt3A_67 : i1
      %and3A_69 = arith.andi %ne3A_68, %ne3A_63 : i1
      %add3A_70 = arith.addi %rem3A_61, %select_n3A_60 : i32
      %select_n3A_71 = arith.select %and3A_69, %add3A_70, %rem3A_61 : i32
      %eq3A_72 = arith.constant 1 : i32
      %eq3A_73 = arith.cmpi eq, %select_n3A_71, %eq3A_72 : i32
      %convert_element_type3A_74 = arith.extui %eq3A_73 : i1 to i32
      %cond3A_75 = arith.constant 0 : i32
      %cond3A_76 = arith.cmpi ne, %convert_element_type3A_74, %cond3A_75 : i32
      scf.if %cond3A_76 {
        %ge3A = arith.constant 1 : i32
        %ge3A_77 = arith.cmpi sge, %scan3A_43, %ge3A : i32
        %convert_element_type3A_78 = arith.extui %ge3A_77 : i1 to i32
        %cond3A_79 = arith.constant 0 : i32
        %cond3A_80 = arith.cmpi ne, %convert_element_type3A_78, %cond3A_79 : i32
        scf.if %cond3A_80 {
          %dma_wait3A_101 = arith.constant 0 : i32
          %dma_wait3A_102 = arith.constant 0 : i32
          %dma_wait3A_103 = tpu.memref_slice %arg11[%dma_wait3A_101, %dma_wait3A_102] : memref<10240x128xf32, #tpu.memory_space<vmem_shared>> -> memref<10240x128xf32, #tpu.memory_space<vmem_shared>>
          tpu.wait_indirect_dma semaphore(%arg14 : memref<!tpu.dma_semaphore, #tpu.memory_space<semaphore_mem>>) src(%arg7 : memref<80x128xf32, #tpu.memory_space<vmem>>) dst(%dma_wait3A_103 : memref<10240x128xf32, #tpu.memory_space<vmem_shared>>)
        } else {
        }
        %add3A_81 = arith.constant 1 : i32
        %add3A_82 = arith.addi %scan3A_43, %add3A_81 : i32
        %lt3A_83 = arith.constant 125 : i32
        %lt3A_84 = arith.cmpi slt, %add3A_82, %lt3A_83 : i32
        %convert_element_type3A_85 = arith.extui %lt3A_84 : i1 to i32
        %cond3A_86 = arith.constant 0 : i32
        %cond3A_87 = arith.cmpi ne, %convert_element_type3A_85, %cond3A_86 : i32
        scf.if %cond3A_87 {
          %add3A_101 = arith.constant 1 : i32
          %add3A_102 = arith.addi %scan3A_43, %add3A_101 : i32
          %mul3A_103 = arith.constant 80 : i32
          %mul3A_104 = arith.muli %add3A_102, %mul3A_103 : i32
          %add3A_105 = arith.addi %mul3A_2, %mul3A_104 : i32
          %dma_start3A_106 = tpu.memref_slice %arg3[%add3A_105] : memref<320000xi32, #tpu.memory_space<hbm>> -> memref<80xi32, #tpu.memory_space<hbm>>
          %dma_start3A_107 = tpu.memref_slice %arg3[%add3A_105] : memref<320000xi32, #tpu.memory_space<hbm>> -> memref<80xi32, #tpu.memory_space<hbm>>
          tpu.enqueue_dma source(%dma_start3A_107 : memref<80xi32, #tpu.memory_space<hbm>>) target(%arg6 : memref<80xi32, #tpu.memory_space<vmem>>) target_semaphore(%arg12 : memref<!tpu.dma_semaphore, #tpu.memory_space<semaphore_mem>>)
          %dma_start3A_108 = arith.constant 0 : i32
          %dma_start3A_109 = tpu.memref_slice %arg2[%add3A_105, %dma_start3A_108] : memref<320000x128xf32, #tpu.memory_space<hbm>> -> memref<80x128xf32, #tpu.memory_space<hbm>>
          %dma_start3A_110 = arith.constant 0 : i32
          %dma_start3A_111 = tpu.memref_slice %arg2[%add3A_105, %dma_start3A_110] : memref<320000x128xf32, #tpu.memory_space<hbm>> -> memref<80x128xf32, #tpu.memory_space<hbm>>
          tpu.enqueue_dma source(%dma_start3A_111 : memref<80x128xf32, #tpu.memory_space<hbm>>) target(%arg7 : memref<80x128xf32, #tpu.memory_space<vmem>>) target_semaphore(%arg12 : memref<!tpu.dma_semaphore, #tpu.memory_space<semaphore_mem>>)
        } else {
        }
        %dma_wait3A_88 = arith.constant 0 : i32
        %dma_wait3A_89 = tpu.memref_slice %arg3[%dma_wait3A_88] : memref<320000xi32, #tpu.memory_space<hbm>> -> memref<80xi32, #tpu.memory_space<hbm>>
        %dma_wait3A_90 = arith.constant 0 : i32
        %dma_wait3A_91 = tpu.memref_slice %arg3[%dma_wait3A_90] : memref<320000xi32, #tpu.memory_space<hbm>> -> memref<80xi32, #tpu.memory_space<hbm>>
        tpu.wait_dma2 semaphore(%arg13 : memref<!tpu.dma_semaphore, #tpu.memory_space<semaphore_mem>>) src(%dma_wait3A_91 : memref<80xi32, #tpu.memory_space<hbm>>) dst(%arg8 : memref<80xi32, #tpu.memory_space<vmem>>)
        %dma_wait3A_92 = arith.constant 0 : i32
        %dma_wait3A_93 = arith.constant 0 : i32
        %dma_wait3A_94 = tpu.memref_slice %arg2[%dma_wait3A_92, %dma_wait3A_93] : memref<320000x128xf32, #tpu.memory_space<hbm>> -> memref<80x128xf32, #tpu.memory_space<hbm>>
        %dma_wait3A_95 = arith.constant 0 : i32
        %dma_wait3A_96 = arith.constant 0 : i32
        %dma_wait3A_97 = tpu.memref_slice %arg2[%dma_wait3A_95, %dma_wait3A_96] : memref<320000x128xf32, #tpu.memory_space<hbm>> -> memref<80x128xf32, #tpu.memory_space<hbm>>
        tpu.wait_dma2 semaphore(%arg13 : memref<!tpu.dma_semaphore, #tpu.memory_space<semaphore_mem>>) src(%dma_wait3A_97 : memref<80x128xf32, #tpu.memory_space<hbm>>) dst(%arg9 : memref<80x128xf32, #tpu.memory_space<vmem>>)
        %dma_start3A_98 = arith.constant 0 : i32
        %dma_start3A_99 = arith.constant 0 : i32
        %dma_start3A_100 = tpu.memref_slice %arg11[%dma_start3A_98, %dma_start3A_99] : memref<10240x128xf32, #tpu.memory_space<vmem_shared>> -> memref<10240x128xf32, #tpu.memory_space<vmem_shared>>
        tpu.enqueue_indirect_dma source(%arg9 : memref<80x128xf32, #tpu.memory_space<vmem>>) target(%dma_start3A_100 : memref<10240x128xf32, #tpu.memory_space<vmem_shared>>) offsets(%arg8 : memref<80xi32, #tpu.memory_space<vmem>>) semaphore(%arg15 : memref<!tpu.dma_semaphore, #tpu.memory_space<semaphore_mem>>) {add = true}
      } else {
      }
    }
    %scan3A_34 = arith.constant 125 : i32
    %dma_wait3A = arith.constant 0 : i32
    %dma_wait3A_35 = arith.constant 0 : i32
    %dma_wait3A_36 = tpu.memref_slice %arg11[%dma_wait3A, %dma_wait3A_35] : memref<10240x128xf32, #tpu.memory_space<vmem_shared>> -> memref<10240x128xf32, #tpu.memory_space<vmem_shared>>
    tpu.wait_indirect_dma semaphore(%arg14 : memref<!tpu.dma_semaphore, #tpu.memory_space<semaphore_mem>>) src(%arg7 : memref<80x128xf32, #tpu.memory_space<vmem>>) dst(%dma_wait3A_36 : memref<10240x128xf32, #tpu.memory_space<vmem_shared>>)
    %barrier3A_37 = arith.constant 0 : index
    tpu.barrier barrier_id(%barrier3A_37)
    %mul3A_38 = arith.constant 640 : i32
    %mul3A_39 = arith.muli %arg1, %mul3A_38 : i32
    %mul3A_40 = arith.constant 10240 : i32
    %mul3A_41 = arith.muli %arg0, %mul3A_40 : i32
    %add3A_42 = arith.addi %mul3A_41, %mul3A_39 : i32
    "tpu.region"() ({
      %run_scoped3A = tpu.sem_alloc : memref<!tpu.dma_semaphore, #tpu.memory_space<semaphore_mem>>
      %dma_start3A_43 = arith.constant 0 : i32
      %dma_start3A_44 = tpu.memref_slice %arg5[%add3A_42, %dma_start3A_43] : memref<20480x128xf32, #tpu.memory_space<hbm>> -> memref<640x128xf32, #tpu.memory_space<hbm>>
      %dma_start3A_45 = arith.constant 0 : i32
      %dma_start3A_46 = tpu.memref_slice %arg11[%mul3A_39, %dma_start3A_45] : memref<10240x128xf32, #tpu.memory_space<vmem_shared>> -> memref<640x128xf32, #tpu.memory_space<vmem_shared>>
      tpu.enqueue_dma source(%dma_start3A_46 : memref<640x128xf32, #tpu.memory_space<vmem_shared>>) target(%dma_start3A_44 : memref<640x128xf32, #tpu.memory_space<hbm>>) target_semaphore(%run_scoped3A : memref<!tpu.dma_semaphore, #tpu.memory_space<semaphore_mem>>)
      %dma_wait3A_47 = arith.constant 0 : i32
      %dma_wait3A_48 = tpu.memref_slice %arg5[%add3A_42, %dma_wait3A_47] : memref<20480x128xf32, #tpu.memory_space<hbm>> -> memref<640x128xf32, #tpu.memory_space<hbm>>
      %dma_wait3A_49 = arith.constant 0 : i32
      %dma_wait3A_50 = tpu.memref_slice %arg11[%mul3A_39, %dma_wait3A_49] : memref<10240x128xf32, #tpu.memory_space<vmem_shared>> -> memref<640x128xf32, #tpu.memory_space<vmem_shared>>
      tpu.wait_dma2 semaphore(%run_scoped3A : memref<!tpu.dma_semaphore, #tpu.memory_space<semaphore_mem>>) src(%dma_wait3A_50 : memref<640x128xf32, #tpu.memory_space<vmem_shared>>) dst(%dma_wait3A_48 : memref<640x128xf32, #tpu.memory_space<hbm>>)
      tpu.yield
    }) : () -> ()
    return
  }
}

module attributes {stable_mosaic.version = 14 : i64} {
  func.func @_pre_body(%arg0: i32, %arg1: memref<1000x128xf32, #tpu.memory_space<vmem>>, %arg2: memref<128x384xf32, #tpu.memory_space<vmem>>, %arg3: memref<1000x256xf32, #tpu.memory_space<vmem>>, %arg4: memref<1000x128xf32, #tpu.memory_space<vmem>>) attributes {dimension_semantics = [#tpu.dimension_semantics<arbitrary>], iteration_bounds = array<i64: 10>, scalar_prefetch = 0 : i64, scratch_operands = 0 : i64, tpu.core_type = #tpu.core_type<tc>, window_params = [{transform_indices = @transform_0, window_bounds = array<i64: 1000, 128>}, {pipeline_mode = #tpu.pipeline_mode<synchronous>, transform_indices = @transform_1, window_bounds = array<i64: 128, 384>}, {transform_indices = @transform_2, window_bounds = array<i64: 1000, 256>}, {transform_indices = @transform_3, window_bounds = array<i64: 1000, 128>}]} {
    %get3A = arith.constant 0 : index
    %get3A_0 = arith.constant 0 : index
    %get3A_1 = vector.load %arg1[%get3A, %get3A_0] : memref<1000x128xf32, #tpu.memory_space<vmem>>, vector<1000x128xf32>
    %get3A_2 = arith.constant 0 : index
    %get3A_3 = arith.constant 0 : index
    %get3A_4 = vector.load %arg2[%get3A_2, %get3A_3] : memref<128x384xf32, #tpu.memory_space<vmem>>, vector<128x384xf32>
    %dot_general3A = arith.constant dense<0.000000e+00> : vector<1000x384xf32>
    %dot_general3A_5 = tpu.matmul %get3A_1, %get3A_4, %dot_general3A {dimension_numbers = #tpu.dot_dimension_numbers<[1], [0], [0], [1], [0, 0, 1, 1], [], []>, transpose_lhs_hint = false} : vector<1000x128xf32>, vector<128x384xf32>, vector<1000x384xf32> -> vector<1000x384xf32>
    %slice3A = vector.extract_strided_slice %dot_general3A_5 {offsets = [0, 0], sizes = [1000, 256], strides = [1, 1]} : vector<1000x384xf32> to vector<1000x256xf32>
    %swap3A = arith.constant 0 : index
    %swap3A_6 = arith.constant 0 : index
    %swap3A_7 = vector.load %arg3[%swap3A, %swap3A_6] : memref<1000x256xf32, #tpu.memory_space<vmem>>, vector<1000x256xf32>
    tpu.vector_store %arg3[%swap3A, %swap3A_6], %slice3A {strides = array<i32>} : memref<1000x256xf32, #tpu.memory_space<vmem>>, vector<1000x256xf32>,
    %slice3A_8 = vector.extract_strided_slice %dot_general3A_5 {offsets = [0, 256], sizes = [1000, 128], strides = [1, 1]} : vector<1000x384xf32> to vector<1000x128xf32>
    %swap3A_9 = arith.constant 0 : index
    %swap3A_10 = arith.constant 0 : index
    %swap3A_11 = vector.load %arg4[%swap3A_9, %swap3A_10] : memref<1000x128xf32, #tpu.memory_space<vmem>>, vector<1000x128xf32>
    tpu.vector_store %arg4[%swap3A_9, %swap3A_10], %slice3A_8 {strides = array<i32>} : memref<1000x128xf32, #tpu.memory_space<vmem>>, vector<1000x128xf32>,
    return
  }
  func.func @transform_0(%arg0: i32) -> (i32, i32) {
    %c0_i32 = arith.constant 0 : i32
    %c0_i32_0 = arith.constant 0 : i32
    return %arg0, %c0_i32 : i32, i32
  }
  func.func @transform_1(%arg0: i32) -> (i32, i32) {
    %c0_i32 = arith.constant 0 : i32
    %c0_i32_0 = arith.constant 0 : i32
    %c0_i32_1 = arith.constant 0 : i32
    return %c0_i32, %c0_i32_0 : i32, i32
  }
  func.func @transform_2(%arg0: i32) -> (i32, i32) {
    %c0_i32 = arith.constant 0 : i32
    %c0_i32_0 = arith.constant 0 : i32
    return %arg0, %c0_i32 : i32, i32
  }
  func.func @transform_3(%arg0: i32) -> (i32, i32) {
    %c0_i32 = arith.constant 0 : i32
    %c0_i32_0 = arith.constant 0 : i32
    return %arg0, %c0_i32 : i32, i32
  }
}

module attributes {stable_mosaic.version = 14 : i64} {
  func.func @_edge_body(%arg0: i32, %arg1: memref<4000x256xf32, #tpu.memory_space<vmem>>, %arg2: memref<4000x16xf32, #tpu.memory_space<vmem>>, %arg3: memref<16x128xf32, #tpu.memory_space<vmem>>, %arg4: memref<1x128xf32, #tpu.memory_space<vmem>>, %arg5: memref<1x128xf32, #tpu.memory_space<vmem>>, %arg6: memref<1x128xf32, #tpu.memory_space<vmem>>, %arg7: memref<128x16xf32, #tpu.memory_space<vmem>>, %arg8: memref<1x16xf32, #tpu.memory_space<vmem>>, %arg9: memref<1x16xf32, #tpu.memory_space<vmem>>, %arg10: memref<1x16xf32, #tpu.memory_space<vmem>>, %arg11: memref<1x16xf32, #tpu.memory_space<vmem>>, %arg12: memref<1x16xf32, #tpu.memory_space<vmem>>, %arg13: memref<128x128xf32, #tpu.memory_space<vmem>>, %arg14: memref<128x128xf32, #tpu.memory_space<vmem>>, %arg15: memref<128x8xf32, #tpu.memory_space<vmem>>, %arg16: memref<8x128xf32, #tpu.memory_space<vmem>>, %arg17: memref<4000x128xf32, #tpu.memory_space<vmem>>, %arg18: memref<4000x128xf32, #tpu.memory_space<vmem>>, %arg19: memref<4000x16xf32, #tpu.memory_space<vmem>>) attributes {dimension_semantics = [#tpu.dimension_semantics<arbitrary>], iteration_bounds = array<i64: 80>, scalar_prefetch = 0 : i64, scratch_operands = 0 : i64, tpu.core_type = #tpu.core_type<tc>, window_params = [{transform_indices = @transform_0, window_bounds = array<i64: 4000, 256>}, {transform_indices = @transform_1, window_bounds = array<i64: 4000, 16>}, {pipeline_mode = #tpu.pipeline_mode<synchronous>, transform_indices = @transform_2, window_bounds = array<i64: 16, 128>}, {pipeline_mode = #tpu.pipeline_mode<synchronous>, transform_indices = @transform_3, window_bounds = array<i64: 1, 128>}, {pipeline_mode = #tpu.pipeline_mode<synchronous>, transform_indices = @transform_4, window_bounds = array<i64: 1, 128>}, {pipeline_mode = #tpu.pipeline_mode<synchronous>, transform_indices = @transform_5, window_bounds = array<i64: 1, 128>}, {pipeline_mode = #tpu.pipeline_mode<synchronous>, transform_indices = @transform_6, window_bounds = array<i64: 128, 16>}, {pipeline_mode = #tpu.pipeline_mode<synchronous>, transform_indices = @transform_7, window_bounds = array<i64: 1, 16>}, {pipeline_mode = #tpu.pipeline_mode<synchronous>, transform_indices = @transform_8, window_bounds = array<i64: 1, 16>}, {pipeline_mode = #tpu.pipeline_mode<synchronous>, transform_indices = @transform_9, window_bounds = array<i64: 1, 16>}, {pipeline_mode = #tpu.pipeline_mode<synchronous>, transform_indices = @transform_10, window_bounds = array<i64: 1, 16>}, {pipeline_mode = #tpu.pipeline_mode<synchronous>, transform_indices = @transform_11, window_bounds = array<i64: 1, 16>}, {pipeline_mode = #tpu.pipeline_mode<synchronous>, transform_indices = @transform_12, window_bounds = array<i64: 128, 128>}, {pipeline_mode = #tpu.pipeline_mode<synchronous>, transform_indices = @transform_13, window_bounds = array<i64: 128, 128>}, {pipeline_mode = #tpu.pipeline_mode<synchronous>, transform_indices = @transform_14, window_bounds = array<i64: 128, 8>}, {pipeline_mode = #tpu.pipeline_mode<synchronous>, transform_indices = @transform_15, window_bounds = array<i64: 8, 128>}, {transform_indices = @transform_16, window_bounds = array<i64: 4000, 128>}, {transform_indices = @transform_17, window_bounds = array<i64: 4000, 128>}, {transform_indices = @transform_18, window_bounds = array<i64: 4000, 16>}]} {
    %get3A = arith.constant 0 : index
    %get3A_0 = arith.constant 0 : index
    %get3A_1 = vector.load %arg1[%get3A, %get3A_0] : memref<4000x256xf32, #tpu.memory_space<vmem>>, vector<4000x256xf32>
    %slice3A = vector.extract_strided_slice %get3A_1 {offsets = [0, 0], sizes = [4000, 128], strides = [1, 1]} : vector<4000x256xf32> to vector<4000x128xf32>
    %slice3A_2 = vector.extract_strided_slice %get3A_1 {offsets = [0, 128], sizes = [4000, 128], strides = [1, 1]} : vector<4000x256xf32> to vector<4000x128xf32>
    %get3A_3 = arith.constant 0 : index
    %get3A_4 = arith.constant 0 : index
    %get3A_5 = vector.load %arg2[%get3A_3, %get3A_4] : memref<4000x16xf32, #tpu.memory_space<vmem>>, vector<4000x16xf32>
    %get3A_6 = arith.constant 0 : index
    %get3A_7 = arith.constant 0 : index
    %get3A_8 = vector.load %arg3[%get3A_6, %get3A_7] : memref<16x128xf32, #tpu.memory_space<vmem>>, vector<16x128xf32>
    %dot_general3A = arith.constant dense<0.000000e+00> : vector<4000x128xf32>
    %dot_general3A_9 = tpu.matmul %get3A_5, %get3A_8, %dot_general3A {dimension_numbers = #tpu.dot_dimension_numbers<[1], [0], [0], [1], [0, 0, 1, 1], [], []>, transpose_lhs_hint = false} : vector<4000x16xf32>, vector<16x128xf32>, vector<4000x128xf32> -> vector<4000x128xf32>
    %add3A = arith.addf %slice3A, %dot_general3A_9 : vector<4000x128xf32>
    %get3A_10 = arith.constant 0 : index
    %get3A_11 = arith.constant 0 : index
    %get3A_12 = vector.load %arg4[%get3A_10, %get3A_11] : memref<1x128xf32, #tpu.memory_space<vmem>>, vector<1x128xf32>
    %add3A_13 = vector.broadcast %get3A_12 : vector<1x128xf32> to vector<4000x128xf32>
    %add3A_14 = arith.addf %add3A, %add3A_13 : vector<4000x128xf32>
    %get3A_15 = arith.constant 0 : index
    %get3A_16 = arith.constant 0 : index
    %get3A_17 = vector.load %arg5[%get3A_15, %get3A_16] : memref<1x128xf32, #tpu.memory_space<vmem>>, vector<1x128xf32>
    %get3A_18 = arith.constant 0 : index
    %get3A_19 = arith.constant 0 : index
    %get3A_20 = vector.load %arg6[%get3A_18, %get3A_19] : memref<1x128xf32, #tpu.memory_space<vmem>>, vector<1x128xf32>
    %reduce_sum3A = arith.constant dense<0.000000e+00> : vector<4000xf32>
    %reduce_sum3A_21 = vector.multi_reduction <add>, %add3A_14, %reduce_sum3A [1] : vector<4000x128xf32> to vector<4000xf32>
    %broadcast_in_dim3A = vector.shape_cast %reduce_sum3A_21 : vector<4000xf32> to vector<4000x1xf32>
    %div3A = arith.constant 1.280000e+02 : f32
    %div3A_22 = vector.broadcast %div3A : f32 to vector<4000x1xf32>
    %div3A_23 = arith.divf %broadcast_in_dim3A, %div3A_22 : vector<4000x1xf32>
    %sub3A = vector.broadcast %div3A_23 : vector<4000x1xf32> to vector<4000x128xf32>
    %sub3A_24 = arith.subf %add3A_14, %sub3A : vector<4000x128xf32>
    %integer_pow3A = arith.mulf %sub3A_24, %sub3A_24 : vector<4000x128xf32>
    %reduce_sum3A_25 = arith.constant dense<0.000000e+00> : vector<4000xf32>
    %reduce_sum3A_26 = vector.multi_reduction <add>, %integer_pow3A, %reduce_sum3A_25 [1] : vector<4000x128xf32> to vector<4000xf32>
    %broadcast_in_dim3A_27 = vector.shape_cast %reduce_sum3A_26 : vector<4000xf32> to vector<4000x1xf32>
    %div3A_28 = arith.constant 1.280000e+02 : f32
    %div3A_29 = vector.broadcast %div3A_28 : f32 to vector<4000x1xf32>
    %div3A_30 = arith.divf %broadcast_in_dim3A_27, %div3A_29 : vector<4000x1xf32>
    %sub3A_31 = vector.broadcast %div3A_23 : vector<4000x1xf32> to vector<4000x128xf32>
    %sub3A_32 = arith.subf %add3A_14, %sub3A_31 : vector<4000x128xf32>
    %add3A_33 = arith.constant 9.99999974E-6 : f32
    %add3A_34 = vector.broadcast %add3A_33 : f32 to vector<4000x1xf32>
    %add3A_35 = arith.addf %div3A_30, %add3A_34 : vector<4000x1xf32>
    %rsqrt3A = math.rsqrt %add3A_35 : vector<4000x1xf32>
    %mul3A = vector.broadcast %rsqrt3A : vector<4000x1xf32> to vector<4000x128xf32>
    %mul3A_36 = arith.mulf %sub3A_32, %mul3A : vector<4000x128xf32>
    %mul3A_37 = vector.broadcast %get3A_17 : vector<1x128xf32> to vector<4000x128xf32>
    %mul3A_38 = arith.mulf %mul3A_36, %mul3A_37 : vector<4000x128xf32>
    %add3A_39 = vector.broadcast %get3A_20 : vector<1x128xf32> to vector<4000x128xf32>
    %add3A_40 = arith.addf %mul3A_38, %add3A_39 : vector<4000x128xf32>
    %max3A = arith.constant 0.000000e+00 : f32
    %max3A_41 = vector.broadcast %max3A : f32 to vector<4000x128xf32>
    %max3A_42 = arith.maximumf %add3A_40, %max3A_41 : vector<4000x128xf32>
    %get3A_43 = arith.constant 0 : index
    %get3A_44 = arith.constant 0 : index
    %get3A_45 = vector.load %arg7[%get3A_43, %get3A_44] : memref<128x16xf32, #tpu.memory_space<vmem>>, vector<128x16xf32>
    %dot_general3A_46 = arith.constant dense<0.000000e+00> : vector<4000x16xf32>
    %dot_general3A_47 = tpu.matmul %max3A_42, %get3A_45, %dot_general3A_46 {dimension_numbers = #tpu.dot_dimension_numbers<[1], [0], [0], [1], [0, 0, 1, 1], [], []>, transpose_lhs_hint = false} : vector<4000x128xf32>, vector<128x16xf32>, vector<4000x16xf32> -> vector<4000x16xf32>
    %get3A_48 = arith.constant 0 : index
    %get3A_49 = arith.constant 0 : index
    %get3A_50 = vector.load %arg8[%get3A_48, %get3A_49] : memref<1x16xf32, #tpu.memory_space<vmem>>, vector<1x16xf32>
    %add3A_51 = vector.broadcast %get3A_50 : vector<1x16xf32> to vector<4000x16xf32>
    %add3A_52 = arith.addf %dot_general3A_47, %add3A_51 : vector<4000x16xf32>
    %get3A_53 = arith.constant 0 : index
    %get3A_54 = arith.constant 0 : index
    %get3A_55 = vector.load %arg9[%get3A_53, %get3A_54] : memref<1x16xf32, #tpu.memory_space<vmem>>, vector<1x16xf32>
    %get3A_56 = arith.constant 0 : index
    %get3A_57 = arith.constant 0 : index
    %get3A_58 = vector.load %arg10[%get3A_56, %get3A_57] : memref<1x16xf32, #tpu.memory_space<vmem>>, vector<1x16xf32>
    %reduce_sum3A_59 = arith.constant dense<0.000000e+00> : vector<4000xf32>
    %reduce_sum3A_60 = vector.multi_reduction <add>, %add3A_52, %reduce_sum3A_59 [1] : vector<4000x16xf32> to vector<4000xf32>
    %broadcast_in_dim3A_61 = vector.shape_cast %reduce_sum3A_60 : vector<4000xf32> to vector<4000x1xf32>
    %div3A_62 = arith.constant 1.600000e+01 : f32
    %div3A_63 = vector.broadcast %div3A_62 : f32 to vector<4000x1xf32>
    %div3A_64 = arith.divf %broadcast_in_dim3A_61, %div3A_63 : vector<4000x1xf32>
    %sub3A_65 = vector.broadcast %div3A_64 : vector<4000x1xf32> to vector<4000x16xf32>
    %sub3A_66 = arith.subf %add3A_52, %sub3A_65 : vector<4000x16xf32>
    %integer_pow3A_67 = arith.mulf %sub3A_66, %sub3A_66 : vector<4000x16xf32>
    %reduce_sum3A_68 = arith.constant dense<0.000000e+00> : vector<4000xf32>
    %reduce_sum3A_69 = vector.multi_reduction <add>, %integer_pow3A_67, %reduce_sum3A_68 [1] : vector<4000x16xf32> to vector<4000xf32>
    %broadcast_in_dim3A_70 = vector.shape_cast %reduce_sum3A_69 : vector<4000xf32> to vector<4000x1xf32>
    %div3A_71 = arith.constant 1.600000e+01 : f32
    %div3A_72 = vector.broadcast %div3A_71 : f32 to vector<4000x1xf32>
    %div3A_73 = arith.divf %broadcast_in_dim3A_70, %div3A_72 : vector<4000x1xf32>
    %sub3A_74 = vector.broadcast %div3A_64 : vector<4000x1xf32> to vector<4000x16xf32>
    %sub3A_75 = arith.subf %add3A_52, %sub3A_74 : vector<4000x16xf32>
    %add3A_76 = arith.constant 9.99999974E-6 : f32
    %add3A_77 = vector.broadcast %add3A_76 : f32 to vector<4000x1xf32>
    %add3A_78 = arith.addf %div3A_73, %add3A_77 : vector<4000x1xf32>
    %rsqrt3A_79 = math.rsqrt %add3A_78 : vector<4000x1xf32>
    %mul3A_80 = vector.broadcast %rsqrt3A_79 : vector<4000x1xf32> to vector<4000x16xf32>
    %mul3A_81 = arith.mulf %sub3A_75, %mul3A_80 : vector<4000x16xf32>
    %mul3A_82 = vector.broadcast %get3A_55 : vector<1x16xf32> to vector<4000x16xf32>
    %mul3A_83 = arith.mulf %mul3A_81, %mul3A_82 : vector<4000x16xf32>
    %add3A_84 = vector.broadcast %get3A_58 : vector<1x16xf32> to vector<4000x16xf32>
    %add3A_85 = arith.addf %mul3A_83, %add3A_84 : vector<4000x16xf32>
    %max3A_86 = arith.constant 0.000000e+00 : f32
    %max3A_87 = vector.broadcast %max3A_86 : f32 to vector<4000x16xf32>
    %max3A_88 = arith.maximumf %add3A_85, %max3A_87 : vector<4000x16xf32>
    %add3A_89 = arith.addf %get3A_5, %max3A_88 : vector<4000x16xf32>
    %get3A_90 = arith.constant 0 : index
    %get3A_91 = arith.constant 0 : index
    %get3A_92 = vector.load %arg11[%get3A_90, %get3A_91] : memref<1x16xf32, #tpu.memory_space<vmem>>, vector<1x16xf32>
    %get3A_93 = arith.constant 0 : index
    %get3A_94 = arith.constant 0 : index
    %get3A_95 = vector.load %arg12[%get3A_93, %get3A_94] : memref<1x16xf32, #tpu.memory_space<vmem>>, vector<1x16xf32>
    %reduce_sum3A_96 = arith.constant dense<0.000000e+00> : vector<4000xf32>
    %reduce_sum3A_97 = vector.multi_reduction <add>, %add3A_89, %reduce_sum3A_96 [1] : vector<4000x16xf32> to vector<4000xf32>
    %broadcast_in_dim3A_98 = vector.shape_cast %reduce_sum3A_97 : vector<4000xf32> to vector<4000x1xf32>
    %div3A_99 = arith.constant 1.600000e+01 : f32
    %div3A_100 = vector.broadcast %div3A_99 : f32 to vector<4000x1xf32>
    %div3A_101 = arith.divf %broadcast_in_dim3A_98, %div3A_100 : vector<4000x1xf32>
    %sub3A_102 = vector.broadcast %div3A_101 : vector<4000x1xf32> to vector<4000x16xf32>
    %sub3A_103 = arith.subf %add3A_89, %sub3A_102 : vector<4000x16xf32>
    %integer_pow3A_104 = arith.mulf %sub3A_103, %sub3A_103 : vector<4000x16xf32>
    %reduce_sum3A_105 = arith.constant dense<0.000000e+00> : vector<4000xf32>
    %reduce_sum3A_106 = vector.multi_reduction <add>, %integer_pow3A_104, %reduce_sum3A_105 [1] : vector<4000x16xf32> to vector<4000xf32>
    %broadcast_in_dim3A_107 = vector.shape_cast %reduce_sum3A_106 : vector<4000xf32> to vector<4000x1xf32>
    %div3A_108 = arith.constant 1.600000e+01 : f32
    %div3A_109 = vector.broadcast %div3A_108 : f32 to vector<4000x1xf32>
    %div3A_110 = arith.divf %broadcast_in_dim3A_107, %div3A_109 : vector<4000x1xf32>
    %sub3A_111 = vector.broadcast %div3A_101 : vector<4000x1xf32> to vector<4000x16xf32>
    %sub3A_112 = arith.subf %add3A_89, %sub3A_111 : vector<4000x16xf32>
    %add3A_113 = arith.constant 9.99999974E-6 : f32
    %add3A_114 = vector.broadcast %add3A_113 : f32 to vector<4000x1xf32>
    %add3A_115 = arith.addf %div3A_110, %add3A_114 : vector<4000x1xf32>
    %rsqrt3A_116 = math.rsqrt %add3A_115 : vector<4000x1xf32>
    %mul3A_117 = vector.broadcast %rsqrt3A_116 : vector<4000x1xf32> to vector<4000x16xf32>
    %mul3A_118 = arith.mulf %sub3A_112, %mul3A_117 : vector<4000x16xf32>
    %mul3A_119 = vector.broadcast %get3A_92 : vector<1x16xf32> to vector<4000x16xf32>
    %mul3A_120 = arith.mulf %mul3A_118, %mul3A_119 : vector<4000x16xf32>
    %add3A_121 = vector.broadcast %get3A_95 : vector<1x16xf32> to vector<4000x16xf32>
    %add3A_122 = arith.addf %mul3A_120, %add3A_121 : vector<4000x16xf32>
    %swap3A = arith.constant 0 : index
    %swap3A_123 = arith.constant 0 : index
    %swap3A_124 = vector.load %arg19[%swap3A, %swap3A_123] : memref<4000x16xf32, #tpu.memory_space<vmem>>, vector<4000x16xf32>
    tpu.vector_store %arg19[%swap3A, %swap3A_123], %add3A_122 {strides = array<i32>} : memref<4000x16xf32, #tpu.memory_space<vmem>>, vector<4000x16xf32>,
    %get3A_125 = arith.constant 0 : index
    %get3A_126 = arith.constant 0 : index
    %get3A_127 = vector.load %arg13[%get3A_125, %get3A_126] : memref<128x128xf32, #tpu.memory_space<vmem>>, vector<128x128xf32>
    %dot_general3A_128 = arith.constant dense<0.000000e+00> : vector<4000x128xf32>
    %dot_general3A_129 = tpu.matmul %max3A_42, %get3A_127, %dot_general3A_128 {dimension_numbers = #tpu.dot_dimension_numbers<[1], [0], [0], [1], [0, 0, 1, 1], [], []>, transpose_lhs_hint = false} : vector<4000x128xf32>, vector<128x128xf32>, vector<4000x128xf32> -> vector<4000x128xf32>
    %get3A_130 = arith.constant 0 : index
    %get3A_131 = arith.constant 0 : index
    %get3A_132 = vector.load %arg14[%get3A_130, %get3A_131] : memref<128x128xf32, #tpu.memory_space<vmem>>, vector<128x128xf32>
    %dot_general3A_133 = arith.constant dense<0.000000e+00> : vector<4000x128xf32>
    %dot_general3A_134 = tpu.matmul %max3A_42, %get3A_132, %dot_general3A_133 {dimension_numbers = #tpu.dot_dimension_numbers<[1], [0], [0], [1], [0, 0, 1, 1], [], []>, transpose_lhs_hint = false} : vector<4000x128xf32>, vector<128x128xf32>, vector<4000x128xf32> -> vector<4000x128xf32>
    %mul3A_135 = arith.mulf %slice3A_2, %dot_general3A_129 : vector<4000x128xf32>
    %get3A_136 = arith.constant 0 : index
    %get3A_137 = arith.constant 0 : index
    %get3A_138 = vector.load %arg15[%get3A_136, %get3A_137] : memref<128x8xf32, #tpu.memory_space<vmem>>, vector<128x8xf32>
    %dot_general3A_139 = arith.constant dense<0.000000e+00> : vector<4000x8xf32>
    %dot_general3A_140 = tpu.matmul %mul3A_135, %get3A_138, %dot_general3A_139 {dimension_numbers = #tpu.dot_dimension_numbers<[1], [0], [0], [1], [0, 0, 1, 1], [], []>, transpose_lhs_hint = false} : vector<4000x128xf32>, vector<128x8xf32>, vector<4000x8xf32> -> vector<4000x8xf32>
    %mul3A_141 = arith.constant 2.500000e-01 : f32
    %mul3A_142 = vector.broadcast %mul3A_141 : f32 to vector<4000x8xf32>
    %mul3A_143 = arith.mulf %dot_general3A_140, %mul3A_142 : vector<4000x8xf32>
    %exp3A = math.exp %mul3A_143 : vector<4000x8xf32>
    %get3A_144 = arith.constant 0 : index
    %get3A_145 = arith.constant 0 : index
    %get3A_146 = vector.load %arg16[%get3A_144, %get3A_145] : memref<8x128xf32, #tpu.memory_space<vmem>>, vector<8x128xf32>
    %dot_general3A_147 = arith.constant dense<0.000000e+00> : vector<4000x128xf32>
    %dot_general3A_148 = tpu.matmul %exp3A, %get3A_146, %dot_general3A_147 {dimension_numbers = #tpu.dot_dimension_numbers<[1], [0], [0], [1], [0, 0, 1, 1], [], []>, transpose_lhs_hint = false} : vector<4000x8xf32>, vector<8x128xf32>, vector<4000x128xf32> -> vector<4000x128xf32>
    %mul3A_149 = arith.mulf %dot_general3A_148, %dot_general3A_134 : vector<4000x128xf32>
    %swap3A_150 = arith.constant 0 : index
    %swap3A_151 = arith.constant 0 : index
    %swap3A_152 = vector.load %arg17[%swap3A_150, %swap3A_151] : memref<4000x128xf32, #tpu.memory_space<vmem>>, vector<4000x128xf32>
    tpu.vector_store %arg17[%swap3A_150, %swap3A_151], %mul3A_149 {strides = array<i32>} : memref<4000x128xf32, #tpu.memory_space<vmem>>, vector<4000x128xf32>,
    %swap3A_153 = arith.constant 0 : index
    %swap3A_154 = arith.constant 0 : index
    %swap3A_155 = vector.load %arg18[%swap3A_153, %swap3A_154] : memref<4000x128xf32, #tpu.memory_space<vmem>>, vector<4000x128xf32>
    tpu.vector_store %arg18[%swap3A_153, %swap3A_154], %dot_general3A_148 {strides = array<i32>} : memref<4000x128xf32, #tpu.memory_space<vmem>>, vector<4000x128xf32>,
    return
  }
  func.func @transform_0(%arg0: i32) -> (i32, i32) {
    %c0_i32 = arith.constant 0 : i32
    %c0_i32_0 = arith.constant 0 : i32
    return %arg0, %c0_i32 : i32, i32
  }
  func.func @transform_1(%arg0: i32) -> (i32, i32) {
    %c0_i32 = arith.constant 0 : i32
    %c0_i32_0 = arith.constant 0 : i32
    return %arg0, %c0_i32 : i32, i32
  }
  func.func @transform_2(%arg0: i32) -> (i32, i32) {
    %c0_i32 = arith.constant 0 : i32
    %c0_i32_0 = arith.constant 0 : i32
    %c0_i32_1 = arith.constant 0 : i32
    return %c0_i32, %c0_i32_0 : i32, i32
  }
  func.func @transform_3(%arg0: i32) -> (i32, i32) {
    %c0_i32 = arith.constant 0 : i32
    %c0_i32_0 = arith.constant 0 : i32
    %c0_i32_1 = arith.constant 0 : i32
    return %c0_i32, %c0_i32_0 : i32, i32
  }
  func.func @transform_4(%arg0: i32) -> (i32, i32) {
    %c0_i32 = arith.constant 0 : i32
    %c0_i32_0 = arith.constant 0 : i32
    %c0_i32_1 = arith.constant 0 : i32
    return %c0_i32, %c0_i32_0 : i32, i32
  }
  func.func @transform_5(%arg0: i32) -> (i32, i32) {
    %c0_i32 = arith.constant 0 : i32
    %c0_i32_0 = arith.constant 0 : i32
    %c0_i32_1 = arith.constant 0 : i32
    return %c0_i32, %c0_i32_0 : i32, i32
  }
  func.func @transform_6(%arg0: i32) -> (i32, i32) {
    %c0_i32 = arith.constant 0 : i32
    %c0_i32_0 = arith.constant 0 : i32
    %c0_i32_1 = arith.constant 0 : i32
    return %c0_i32, %c0_i32_0 : i32, i32
  }
  func.func @transform_7(%arg0: i32) -> (i32, i32) {
    %c0_i32 = arith.constant 0 : i32
    %c0_i32_0 = arith.constant 0 : i32
    %c0_i32_1 = arith.constant 0 : i32
    return %c0_i32, %c0_i32_0 : i32, i32
  }
  func.func @transform_8(%arg0: i32) -> (i32, i32) {
    %c0_i32 = arith.constant 0 : i32
    %c0_i32_0 = arith.constant 0 : i32
    %c0_i32_1 = arith.constant 0 : i32
    return %c0_i32, %c0_i32_0 : i32, i32
  }
  func.func @transform_9(%arg0: i32) -> (i32, i32) {
    %c0_i32 = arith.constant 0 : i32
    %c0_i32_0 = arith.constant 0 : i32
    %c0_i32_1 = arith.constant 0 : i32
    return %c0_i32, %c0_i32_0 : i32, i32
  }
  func.func @transform_10(%arg0: i32) -> (i32, i32) {
    %c0_i32 = arith.constant 0 : i32
    %c0_i32_0 = arith.constant 0 : i32
    %c0_i32_1 = arith.constant 0 : i32
    return %c0_i32, %c0_i32_0 : i32, i32
  }
  func.func @transform_11(%arg0: i32) -> (i32, i32) {
    %c0_i32 = arith.constant 0 : i32
    %c0_i32_0 = arith.constant 0 : i32
    %c0_i32_1 = arith.constant 0 : i32
    return %c0_i32, %c0_i32_0 : i32, i32
  }
  func.func @transform_12(%arg0: i32) -> (i32, i32) {
    %c0_i32 = arith.constant 0 : i32
    %c0_i32_0 = arith.constant 0 : i32
    %c0_i32_1 = arith.constant 0 : i32
    return %c0_i32, %c0_i32_0 : i32, i32
  }
  func.func @transform_13(%arg0: i32) -> (i32, i32) {
    %c0_i32 = arith.constant 0 : i32
    %c0_i32_0 = arith.constant 0 : i32
    %c0_i32_1 = arith.constant 0 : i32
    return %c0_i32, %c0_i32_0 : i32, i32
  }
  func.func @transform_14(%arg0: i32) -> (i32, i32) {
    %c0_i32 = arith.constant 0 : i32
    %c0_i32_0 = arith.constant 0 : i32
    %c0_i32_1 = arith.constant 0 : i32
    return %c0_i32, %c0_i32_0 : i32, i32
  }
  func.func @transform_15(%arg0: i32) -> (i32, i32) {
    %c0_i32 = arith.constant 0 : i32
    %c0_i32_0 = arith.constant 0 : i32
    %c0_i32_1 = arith.constant 0 : i32
    return %c0_i32, %c0_i32_0 : i32, i32
  }
  func.func @transform_16(%arg0: i32) -> (i32, i32) {
    %c0_i32 = arith.constant 0 : i32
    %c0_i32_0 = arith.constant 0 : i32
    return %arg0, %c0_i32 : i32, i32
  }
  func.func @transform_17(%arg0: i32) -> (i32, i32) {
    %c0_i32 = arith.constant 0 : i32
    %c0_i32_0 = arith.constant 0 : i32
    return %arg0, %c0_i32 : i32, i32
  }
  func.func @transform_18(%arg0: i32) -> (i32, i32) {
    %c0_i32 = arith.constant 0 : i32
    %c0_i32_0 = arith.constant 0 : i32
    return %arg0, %c0_i32 : i32, i32
  }
}

module attributes {stable_mosaic.version = 14 : i64} {
  func.func @_node_body(%arg0: i32, %arg1: memref<1000x128xf32, #tpu.memory_space<vmem>>, %arg2: memref<1000x128xf32, #tpu.memory_space<vmem>>, %arg3: memref<1000x128xf32, #tpu.memory_space<vmem>>, %arg4: memref<1000x128xf32, #tpu.memory_space<vmem>>, %arg5: memref<1000x128xf32, #tpu.memory_space<vmem>>, %arg6: memref<128x128xf32, #tpu.memory_space<vmem>>, %arg7: memref<128x512xf32, #tpu.memory_space<vmem>>, %arg8: memref<1x512xf32, #tpu.memory_space<vmem>>, %arg9: memref<512x128xf32, #tpu.memory_space<vmem>>, %arg10: memref<1x128xf32, #tpu.memory_space<vmem>>, %arg11: memref<1x128xf32, #tpu.memory_space<vmem>>, %arg12: memref<1x128xf32, #tpu.memory_space<vmem>>, %arg13: memref<1x128xf32, #tpu.memory_space<vmem>>, %arg14: memref<1x128xf32, #tpu.memory_space<vmem>>, %arg15: memref<1000x128xf32, #tpu.memory_space<vmem>>) attributes {dimension_semantics = [#tpu.dimension_semantics<arbitrary>], iteration_bounds = array<i64: 10>, scalar_prefetch = 0 : i64, scratch_operands = 0 : i64, tpu.core_type = #tpu.core_type<tc>, window_params = [{transform_indices = @transform_0, window_bounds = array<i64: 1000, 128>}, {transform_indices = @transform_1, window_bounds = array<i64: 1000, 128>}, {transform_indices = @transform_2, window_bounds = array<i64: 1000, 128>}, {transform_indices = @transform_3, window_bounds = array<i64: 1000, 128>}, {transform_indices = @transform_4, window_bounds = array<i64: 1000, 128>}, {pipeline_mode = #tpu.pipeline_mode<synchronous>, transform_indices = @transform_5, window_bounds = array<i64: 128, 128>}, {pipeline_mode = #tpu.pipeline_mode<synchronous>, transform_indices = @transform_6, window_bounds = array<i64: 128, 512>}, {pipeline_mode = #tpu.pipeline_mode<synchronous>, transform_indices = @transform_7, window_bounds = array<i64: 1, 512>}, {pipeline_mode = #tpu.pipeline_mode<synchronous>, transform_indices = @transform_8, window_bounds = array<i64: 512, 128>}, {pipeline_mode = #tpu.pipeline_mode<synchronous>, transform_indices = @transform_9, window_bounds = array<i64: 1, 128>}, {pipeline_mode = #tpu.pipeline_mode<synchronous>, transform_indices = @transform_10, window_bounds = array<i64: 1, 128>}, {pipeline_mode = #tpu.pipeline_mode<synchronous>, transform_indices = @transform_11, window_bounds = array<i64: 1, 128>}, {pipeline_mode = #tpu.pipeline_mode<synchronous>, transform_indices = @transform_12, window_bounds = array<i64: 1, 128>}, {pipeline_mode = #tpu.pipeline_mode<synchronous>, transform_indices = @transform_13, window_bounds = array<i64: 1, 128>}, {transform_indices = @transform_14, window_bounds = array<i64: 1000, 128>}]} {
    %get3A = arith.constant 0 : index
    %get3A_0 = arith.constant 0 : index
    %get3A_1 = vector.load %arg4[%get3A, %get3A_0] : memref<1000x128xf32, #tpu.memory_space<vmem>>, vector<1000x128xf32>
    %get3A_2 = arith.constant 0 : index
    %get3A_3 = arith.constant 0 : index
    %get3A_4 = vector.load %arg5[%get3A_2, %get3A_3] : memref<1000x128xf32, #tpu.memory_space<vmem>>, vector<1000x128xf32>
    %add3A = arith.addf %get3A_1, %get3A_4 : vector<1000x128xf32>
    %add3A_5 = arith.constant 1.000000e-16 : f32
    %add3A_6 = vector.broadcast %add3A_5 : f32 to vector<1000x128xf32>
    %add3A_7 = arith.addf %add3A, %add3A_6 : vector<1000x128xf32>
    %div3A = arith.constant 1.000000e+00 : f32
    %div3A_8 = vector.broadcast %div3A : f32 to vector<1000x128xf32>
    %div3A_9 = arith.divf %div3A_8, %add3A_7 : vector<1000x128xf32>
    %get3A_10 = arith.constant 0 : index
    %get3A_11 = arith.constant 0 : index
    %get3A_12 = vector.load %arg2[%get3A_10, %get3A_11] : memref<1000x128xf32, #tpu.memory_space<vmem>>, vector<1000x128xf32>
    %get3A_13 = arith.constant 0 : index
    %get3A_14 = arith.constant 0 : index
    %get3A_15 = vector.load %arg3[%get3A_13, %get3A_14] : memref<1000x128xf32, #tpu.memory_space<vmem>>, vector<1000x128xf32>
    %add3A_16 = arith.addf %get3A_12, %get3A_15 : vector<1000x128xf32>
    %mul3A = arith.mulf %add3A_16, %div3A_9 : vector<1000x128xf32>
    %get3A_17 = arith.constant 0 : index
    %get3A_18 = arith.constant 0 : index
    %get3A_19 = vector.load %arg6[%get3A_17, %get3A_18] : memref<128x128xf32, #tpu.memory_space<vmem>>, vector<128x128xf32>
    %dot_general3A = arith.constant dense<0.000000e+00> : vector<1000x128xf32>
    %dot_general3A_20 = tpu.matmul %mul3A, %get3A_19, %dot_general3A {dimension_numbers = #tpu.dot_dimension_numbers<[1], [0], [0], [1], [0, 0, 1, 1], [], []>, transpose_lhs_hint = false} : vector<1000x128xf32>, vector<128x128xf32>, vector<1000x128xf32> -> vector<1000x128xf32>
    %get3A_21 = arith.constant 0 : index
    %get3A_22 = arith.constant 0 : index
    %get3A_23 = vector.load %arg1[%get3A_21, %get3A_22] : memref<1000x128xf32, #tpu.memory_space<vmem>>, vector<1000x128xf32>
    %add3A_24 = arith.addf %get3A_23, %dot_general3A_20 : vector<1000x128xf32>
    %get3A_25 = arith.constant 0 : index
    %get3A_26 = arith.constant 0 : index
    %get3A_27 = vector.load %arg11[%get3A_25, %get3A_26] : memref<1x128xf32, #tpu.memory_space<vmem>>, vector<1x128xf32>
    %get3A_28 = arith.constant 0 : index
    %get3A_29 = arith.constant 0 : index
    %get3A_30 = vector.load %arg12[%get3A_28, %get3A_29] : memref<1x128xf32, #tpu.memory_space<vmem>>, vector<1x128xf32>
    %reduce_sum3A = arith.constant dense<0.000000e+00> : vector<1000xf32>
    %reduce_sum3A_31 = vector.multi_reduction <add>, %add3A_24, %reduce_sum3A [1] : vector<1000x128xf32> to vector<1000xf32>
    %broadcast_in_dim3A = vector.shape_cast %reduce_sum3A_31 : vector<1000xf32> to vector<1000x1xf32>
    %div3A_32 = arith.constant 1.280000e+02 : f32
    %div3A_33 = vector.broadcast %div3A_32 : f32 to vector<1000x1xf32>
    %div3A_34 = arith.divf %broadcast_in_dim3A, %div3A_33 : vector<1000x1xf32>
    %sub3A = vector.broadcast %div3A_34 : vector<1000x1xf32> to vector<1000x128xf32>
    %sub3A_35 = arith.subf %add3A_24, %sub3A : vector<1000x128xf32>
    %integer_pow3A = arith.mulf %sub3A_35, %sub3A_35 : vector<1000x128xf32>
    %reduce_sum3A_36 = arith.constant dense<0.000000e+00> : vector<1000xf32>
    %reduce_sum3A_37 = vector.multi_reduction <add>, %integer_pow3A, %reduce_sum3A_36 [1] : vector<1000x128xf32> to vector<1000xf32>
    %broadcast_in_dim3A_38 = vector.shape_cast %reduce_sum3A_37 : vector<1000xf32> to vector<1000x1xf32>
    %div3A_39 = arith.constant 1.280000e+02 : f32
    %div3A_40 = vector.broadcast %div3A_39 : f32 to vector<1000x1xf32>
    %div3A_41 = arith.divf %broadcast_in_dim3A_38, %div3A_40 : vector<1000x1xf32>
    %sub3A_42 = vector.broadcast %div3A_34 : vector<1000x1xf32> to vector<1000x128xf32>
    %sub3A_43 = arith.subf %add3A_24, %sub3A_42 : vector<1000x128xf32>
    %add3A_44 = arith.constant 9.99999974E-6 : f32
    %add3A_45 = vector.broadcast %add3A_44 : f32 to vector<1000x1xf32>
    %add3A_46 = arith.addf %div3A_41, %add3A_45 : vector<1000x1xf32>
    %rsqrt3A = math.rsqrt %add3A_46 : vector<1000x1xf32>
    %mul3A_47 = vector.broadcast %rsqrt3A : vector<1000x1xf32> to vector<1000x128xf32>
    %mul3A_48 = arith.mulf %sub3A_43, %mul3A_47 : vector<1000x128xf32>
    %mul3A_49 = vector.broadcast %get3A_27 : vector<1x128xf32> to vector<1000x128xf32>
    %mul3A_50 = arith.mulf %mul3A_48, %mul3A_49 : vector<1000x128xf32>
    %add3A_51 = vector.broadcast %get3A_30 : vector<1x128xf32> to vector<1000x128xf32>
    %add3A_52 = arith.addf %mul3A_50, %add3A_51 : vector<1000x128xf32>
    %get3A_53 = arith.constant 0 : index
    %get3A_54 = arith.constant 0 : index
    %get3A_55 = vector.load %arg7[%get3A_53, %get3A_54] : memref<128x512xf32, #tpu.memory_space<vmem>>, vector<128x512xf32>
    %dot_general3A_56 = arith.constant dense<0.000000e+00> : vector<1000x512xf32>
    %dot_general3A_57 = tpu.matmul %add3A_52, %get3A_55, %dot_general3A_56 {dimension_numbers = #tpu.dot_dimension_numbers<[1], [0], [0], [1], [0, 0, 1, 1], [], []>, transpose_lhs_hint = false} : vector<1000x128xf32>, vector<128x512xf32>, vector<1000x512xf32> -> vector<1000x512xf32>
    %get3A_58 = arith.constant 0 : index
    %get3A_59 = arith.constant 0 : index
    %get3A_60 = vector.load %arg8[%get3A_58, %get3A_59] : memref<1x512xf32, #tpu.memory_space<vmem>>, vector<1x512xf32>
    %add3A_61 = vector.broadcast %get3A_60 : vector<1x512xf32> to vector<1000x512xf32>
    %add3A_62 = arith.addf %dot_general3A_57, %add3A_61 : vector<1000x512xf32>
    %max3A = arith.constant 0.000000e+00 : f32
    %max3A_63 = vector.broadcast %max3A : f32 to vector<1000x512xf32>
    %max3A_64 = arith.maximumf %add3A_62, %max3A_63 : vector<1000x512xf32>
    %get3A_65 = arith.constant 0 : index
    %get3A_66 = arith.constant 0 : index
    %get3A_67 = vector.load %arg9[%get3A_65, %get3A_66] : memref<512x128xf32, #tpu.memory_space<vmem>>, vector<512x128xf32>
    %dot_general3A_68 = arith.constant dense<0.000000e+00> : vector<1000x128xf32>
    %dot_general3A_69 = tpu.matmul %max3A_64, %get3A_67, %dot_general3A_68 {dimension_numbers = #tpu.dot_dimension_numbers<[1], [0], [0], [1], [0, 0, 1, 1], [], []>, transpose_lhs_hint = false} : vector<1000x512xf32>, vector<512x128xf32>, vector<1000x128xf32> -> vector<1000x128xf32>
    %get3A_70 = arith.constant 0 : index
    %get3A_71 = arith.constant 0 : index
    %get3A_72 = vector.load %arg10[%get3A_70, %get3A_71] : memref<1x128xf32, #tpu.memory_space<vmem>>, vector<1x128xf32>
    %add3A_73 = vector.broadcast %get3A_72 : vector<1x128xf32> to vector<1000x128xf32>
    %add3A_74 = arith.addf %dot_general3A_69, %add3A_73 : vector<1000x128xf32>
    %add3A_75 = arith.addf %add3A_52, %add3A_74 : vector<1000x128xf32>
    %get3A_76 = arith.constant 0 : index
    %get3A_77 = arith.constant 0 : index
    %get3A_78 = vector.load %arg13[%get3A_76, %get3A_77] : memref<1x128xf32, #tpu.memory_space<vmem>>, vector<1x128xf32>
    %get3A_79 = arith.constant 0 : index
    %get3A_80 = arith.constant 0 : index
    %get3A_81 = vector.load %arg14[%get3A_79, %get3A_80] : memref<1x128xf32, #tpu.memory_space<vmem>>, vector<1x128xf32>
    %reduce_sum3A_82 = arith.constant dense<0.000000e+00> : vector<1000xf32>
    %reduce_sum3A_83 = vector.multi_reduction <add>, %add3A_75, %reduce_sum3A_82 [1] : vector<1000x128xf32> to vector<1000xf32>
    %broadcast_in_dim3A_84 = vector.shape_cast %reduce_sum3A_83 : vector<1000xf32> to vector<1000x1xf32>
    %div3A_85 = arith.constant 1.280000e+02 : f32
    %div3A_86 = vector.broadcast %div3A_85 : f32 to vector<1000x1xf32>
    %div3A_87 = arith.divf %broadcast_in_dim3A_84, %div3A_86 : vector<1000x1xf32>
    %sub3A_88 = vector.broadcast %div3A_87 : vector<1000x1xf32> to vector<1000x128xf32>
    %sub3A_89 = arith.subf %add3A_75, %sub3A_88 : vector<1000x128xf32>
    %integer_pow3A_90 = arith.mulf %sub3A_89, %sub3A_89 : vector<1000x128xf32>
    %reduce_sum3A_91 = arith.constant dense<0.000000e+00> : vector<1000xf32>
    %reduce_sum3A_92 = vector.multi_reduction <add>, %integer_pow3A_90, %reduce_sum3A_91 [1] : vector<1000x128xf32> to vector<1000xf32>
    %broadcast_in_dim3A_93 = vector.shape_cast %reduce_sum3A_92 : vector<1000xf32> to vector<1000x1xf32>
    %div3A_94 = arith.constant 1.280000e+02 : f32
    %div3A_95 = vector.broadcast %div3A_94 : f32 to vector<1000x1xf32>
    %div3A_96 = arith.divf %broadcast_in_dim3A_93, %div3A_95 : vector<1000x1xf32>
    %sub3A_97 = vector.broadcast %div3A_87 : vector<1000x1xf32> to vector<1000x128xf32>
    %sub3A_98 = arith.subf %add3A_75, %sub3A_97 : vector<1000x128xf32>
    %add3A_99 = arith.constant 9.99999974E-6 : f32
    %add3A_100 = vector.broadcast %add3A_99 : f32 to vector<1000x1xf32>
    %add3A_101 = arith.addf %div3A_96, %add3A_100 : vector<1000x1xf32>
    %rsqrt3A_102 = math.rsqrt %add3A_101 : vector<1000x1xf32>
    %mul3A_103 = vector.broadcast %rsqrt3A_102 : vector<1000x1xf32> to vector<1000x128xf32>
    %mul3A_104 = arith.mulf %sub3A_98, %mul3A_103 : vector<1000x128xf32>
    %mul3A_105 = vector.broadcast %get3A_78 : vector<1x128xf32> to vector<1000x128xf32>
    %mul3A_106 = arith.mulf %mul3A_104, %mul3A_105 : vector<1000x128xf32>
    %add3A_107 = vector.broadcast %get3A_81 : vector<1x128xf32> to vector<1000x128xf32>
    %add3A_108 = arith.addf %mul3A_106, %add3A_107 : vector<1000x128xf32>
    %swap3A = arith.constant 0 : index
    %swap3A_109 = arith.constant 0 : index
    %swap3A_110 = vector.load %arg15[%swap3A, %swap3A_109] : memref<1000x128xf32, #tpu.memory_space<vmem>>, vector<1000x128xf32>
    tpu.vector_store %arg15[%swap3A, %swap3A_109], %add3A_108 {strides = array<i32>} : memref<1000x128xf32, #tpu.memory_space<vmem>>, vector<1000x128xf32>,
    return
  }
  func.func @transform_0(%arg0: i32) -> (i32, i32) {
    %c0_i32 = arith.constant 0 : i32
    %c0_i32_0 = arith.constant 0 : i32
    return %arg0, %c0_i32 : i32, i32
  }
  func.func @transform_1(%arg0: i32) -> (i32, i32) {
    %c0_i32 = arith.constant 0 : i32
    %c0_i32_0 = arith.constant 0 : i32
    return %arg0, %c0_i32 : i32, i32
  }
  func.func @transform_2(%arg0: i32) -> (i32, i32) {
    %c0_i32 = arith.constant 0 : i32
    %c0_i32_0 = arith.constant 0 : i32
    return %arg0, %c0_i32 : i32, i32
  }
  func.func @transform_3(%arg0: i32) -> (i32, i32) {
    %c0_i32 = arith.constant 0 : i32
    %c0_i32_0 = arith.constant 0 : i32
    return %arg0, %c0_i32 : i32, i32
  }
  func.func @transform_4(%arg0: i32) -> (i32, i32) {
    %c0_i32 = arith.constant 0 : i32
    %c0_i32_0 = arith.constant 0 : i32
    return %arg0, %c0_i32 : i32, i32
  }
  func.func @transform_5(%arg0: i32) -> (i32, i32) {
    %c0_i32 = arith.constant 0 : i32
    %c0_i32_0 = arith.constant 0 : i32
    %c0_i32_1 = arith.constant 0 : i32
    return %c0_i32, %c0_i32_0 : i32, i32
  }
  func.func @transform_6(%arg0: i32) -> (i32, i32) {
    %c0_i32 = arith.constant 0 : i32
    %c0_i32_0 = arith.constant 0 : i32
    %c0_i32_1 = arith.constant 0 : i32
    return %c0_i32, %c0_i32_0 : i32, i32
  }
  func.func @transform_7(%arg0: i32) -> (i32, i32) {
    %c0_i32 = arith.constant 0 : i32
    %c0_i32_0 = arith.constant 0 : i32
    %c0_i32_1 = arith.constant 0 : i32
    return %c0_i32, %c0_i32_0 : i32, i32
  }
  func.func @transform_8(%arg0: i32) -> (i32, i32) {
    %c0_i32 = arith.constant 0 : i32
    %c0_i32_0 = arith.constant 0 : i32
    %c0_i32_1 = arith.constant 0 : i32
    return %c0_i32, %c0_i32_0 : i32, i32
  }
  func.func @transform_9(%arg0: i32) -> (i32, i32) {
    %c0_i32 = arith.constant 0 : i32
    %c0_i32_0 = arith.constant 0 : i32
    %c0_i32_1 = arith.constant 0 : i32
    return %c0_i32, %c0_i32_0 : i32, i32
  }
  func.func @transform_10(%arg0: i32) -> (i32, i32) {
    %c0_i32 = arith.constant 0 : i32
    %c0_i32_0 = arith.constant 0 : i32
    %c0_i32_1 = arith.constant 0 : i32
    return %c0_i32, %c0_i32_0 : i32, i32
  }
  func.func @transform_11(%arg0: i32) -> (i32, i32) {
    %c0_i32 = arith.constant 0 : i32
    %c0_i32_0 = arith.constant 0 : i32
    %c0_i32_1 = arith.constant 0 : i32
    return %c0_i32, %c0_i32_0 : i32, i32
  }
  func.func @transform_12(%arg0: i32) -> (i32, i32) {
    %c0_i32 = arith.constant 0 : i32
    %c0_i32_0 = arith.constant 0 : i32
    %c0_i32_1 = arith.constant 0 : i32
    return %c0_i32, %c0_i32_0 : i32, i32
  }
  func.func @transform_13(%arg0: i32) -> (i32, i32) {
    %c0_i32 = arith.constant 0 : i32
    %c0_i32_0 = arith.constant 0 : i32
    %c0_i32_1 = arith.constant 0 : i32
    return %c0_i32, %c0_i32_0 : i32, i32
  }
  func.func @transform_14(%arg0: i32) -> (i32, i32) {
    %c0_i32 = arith.constant 0 : i32
    %c0_i32_0 = arith.constant 0 : i32
    return %arg0, %c0_i32 : i32, i32
  }
}

</mosaic_0001>

<sc_bundles>
// kernel: kernel.11.cloned.1.call-start
scs
__scs_entry_jumppad:
0x0: {  	(pc) =	sbr.rel $0x88, $3  }
0x1: {  	(tag) =	ssettag $0x0;
	lr =	simm.s32 $0x1  }
0x2: {  	[smem:$0x3F88] =	sst lr;
	_ =	strace $0xD0000000  }
0x3: {  	_ = 	snop  }
0x4: {  	_ = 	snop  }
0x5: {  	_ = 	snop  }
0x6: {  	_ = 	snop  }
0x7: {  	_ = 	snop  }
__scs_overlays_trampoline_lowered:
0x8: {  	[smem:$0x3F97] =	sst s0  }
0x9: {  	[smem:$0x3F98] =	sst s1  }
0xa: {  	[smem:$0x3F99] =	sst s2  }
0xb: {  	[smem:$0x3F9A] =	sst s3  }
0xc: {  	[smem:$0x3F9B] =	sst s4  }
0xd: {  	[smem:$0x3F9C] =	sst s5  }
0xe: {  	[smem:$0x3F9D] =	sst s6  }
0xf: {  	[smem:$0x3F9E] =	sst s7  }
0x10: {  	[smem:$0x3F9F] =	sst s8  }
0x11: {  	[smem:$0x3FA0] =	sst s9;
	s0 =	simm.s32 @!p0 $0x0  }
0x12: {  	s1 =	sld [smem:$0x3F86];
	s0 =	simm.s32 @p0 $0x1  }
0x13: {  	[smem:$0x3FA1] =	sst s0;
	s0 =	simm.s32 @!p1 $0x0  }
0x14: {  	s2 =	sld [smem:$0x3F85];
	s0 =	simm.s32 @p1 $0x1  }
0x15: {  	[smem:$0x3FA2] =	sst s0;
	s0 =	simm.s32 @!p2 $0x0  }
0x16: {  	s3 =	sld [smem:$0x3FDB];
	s0 =	simm.s32 @p2 $0x1  }
0x17: {  	s4 =	simm.s32 $0x1BF5;
	[smem:$0x3FA4] =	sst s0  }
0x18: {  	s0 =	sld [smem:$0x3F87];
	_ =	swait.ge [sflag:s4], $0x0  }
0x19: {  	s7 =	sld [smem:$0x3F88]  }
0x1a: {  	s8 =	sadd.s32 $0xFFFFE003, lr  }
0x1b: {  	s9 =	sadd.s32 $0xFFFFFEF7, lr;
	s5 =	simm.s32 $0xFFFFFFFF;
	p2 =	slt.u32 s8, $0xFFFFF086  }
0x1c: {  	p1 =	slt.u32 s9, $0xF7A;
	s5 =	simm.s32 @!p2 $0x0  }
0x1d: {  	s5 =	simm.s32 @p1 $0x1;
	p0 =	seq.s32 s7, s2  }
0x1e: {  	s7 =	smul.u32 @!p0 $0xF7A, s2;
	p2 =	seq.s32 @!p0 s5, $0x0  }
0x1f: {  	s9 =	smul.u32 $0xF7A, s1;
	s8 =	simm.s32 @!p0 $0x1BF5;
	p2 =	por !p2, p0  }
0x20: {  	[sflag:s8] =	ssyncset.s32 @!p0 $0xFFFFF086;
	s6 =	sadd.s32 @!p0 s3, s7;
	s7 =	simm.s32 @!p0 $0x108  }
0x21: {  	s3 =	sadd.s32 s3, s9;
	s6 =	sadd.s32 @!p0 $0x88, s6;
	s7 =	simm.s32 @p2 $0x1082  }
0x22: {  	[simem:s7], [sflag:s8] =	dma.local @!p0 [hbm:s6], $0xF7A  }
0x23: {  	s9 =	sor.u32 $0xD0000000, s2;
	s6 =	simm.s32 $0x108;
	_ =	swait.ge @!p0 [sflag:s8], $0x0  }
0x24: {  	s3 =	sadd.s32 $0x88, s3;
	s6 =	simm.s32 @!p1 $0x1082;
	[sflag:s4] =	ssyncset.s32 $0xFFFFF086  }
0x25: {  	[simem:s6], [sflag:s4] =	dma.local [hbm:s3], $0xF7A  }
0x26: {  	[smem:$0x3F88] =	sst s1;
	(tag) =	ssettag s2;
	_ =	strace s9  }
0x27: {  	s1 =	sld [smem:$0x3F98]  }
0x28: {  	s2 =	sld [smem:$0x3F99]  }
0x29: {  	s4 =	sld [smem:$0x3F9B]  }
0x2a: {  	p0 =	seq.s32 s5, $0x0;
	s5 =	sld [smem:$0x3F9C]  }
0x2b: {  	s6 =	sld [smem:$0x3F9D]  }
0x2c: {  	s7 =	sld [smem:$0x3F9E]  }
0x2d: {  	s3 =	simm.s32 $0x108;
	s8 =	sld [smem:$0x3F9F]  }
0x2e: {  	s3 =	simm.s32 @!p0 $0x1082;
	s9 =	sld [smem:$0x3FA0]  }
0x2f: {  	lr =	sadd.s32 s0, s3;
	s0 =	sld [smem:$0x3F97]  }
0x30: {  	s3 =	sld [smem:$0x3F9A]  }
0x31: {  	[smem:$0x3FA3] =	sst s10  }
0x32: {  	s10 =	sld [smem:$0x3FA1];
	_ =	sdelay $0x3  }
0x33: {  	p0 =	seq.s32 s10, $0x1;
	s10 =	sld [smem:$0x3FA3];
	_ =	sdelay $0x3  }
0x34: {  	[smem:$0x3FA3] =	sst s10  }
0x35: {  	s10 =	sld [smem:$0x3FA2];
	_ =	sdelay $0x3  }
0x36: {  	p1 =	seq.s32 s10, $0x1;
	s10 =	sld [smem:$0x3FA3];
	_ =	sdelay $0x3  }
0x37: {  	[smem:$0x3FA3] =	sst s10  }
0x38: {  	s10 =	sld [smem:$0x3FA4]  }
0x39: {  	_ = 	snop;
	(pc) =	sbr.ind lr, $3  }
0x3a: {  	_ = 	snop  }
0x3b: {  	_ = 	snop  }
0x3c: {  	p2 =	seq.s32 s10, $0x1;
	s10 =	sld [smem:$0x3FA3]  }
0x3d: {  	_ =	shalt  }
0x3e: {  	_ =	shalt  }
0x3f: {  	_ =	shalt  }
0x40: {  	_ =	shalt  }
0x41: {  	_ =	shalt  }
0x42: {  	_ =	shalt  }
0x43: {  	_ =	shalt  }
0x44: {  	_ =	shalt  }
0x45: {  	_ =	shalt  }
0x46: {  	_ =	shalt  }
0x47: {  	_ =	shalt  }
0x48: {  	_ =	shalt  }
0x49: {  	_ =	shalt  }
0x4a: {  	_ =	shalt  }
0x4b: {  	_ =	shalt  }
0x4c: {  	_ =	shalt  }
0x4d: {  	_ =	shalt  }
0x4e: {  	_ =	shalt  }
0x4f: {  	_ =	shalt  }
0x50: {  	_ =	shalt  }
0x51: {  	_ =	shalt  }
0x52: {  	_ =	shalt  }
0x53: {  	_ =	shalt  }
0x54: {  	_ =	shalt  }
0x55: {  	_ =	shalt  }
0x56: {  	_ =	shalt  }
0x57: {  	_ =	shalt  }
0x58: {  	_ =	shalt  }
0x59: {  	_ =	shalt  }
0x5a: {  	_ =	shalt  }
0x5b: {  	_ =	shalt  }
0x5c: {  	_ =	shalt  }
0x5d: {  	_ =	shalt  }
0x5e: {  	_ =	shalt  }
0x5f: {  	_ =	shalt  }
0x60: {  	_ =	shalt  }
0x61: {  	_ =	shalt  }
0x62: {  	_ =	shalt  }
0x63: {  	_ =	shalt  }
0x64: {  	_ =	shalt  }
0x65: {  	_ =	shalt  }
0x66: {  	_ =	shalt  }
0x67: {  	_ =	shalt  }
0x68: {  	_ =	shalt  }
0x69: {  	_ =	shalt  }
0x6a: {  	_ =	shalt  }
0x6b: {  	_ =	shalt  }
0x6c: {  	_ =	shalt  }
0x6d: {  	_ =	shalt  }
0x6e: {  	_ =	shalt  }
0x6f: {  	_ =	shalt  }
0x70: {  	_ =	shalt  }
0x71: {  	_ =	shalt  }
0x72: {  	_ =	shalt  }
0x73: {  	_ =	shalt  }
0x74: {  	_ =	shalt  }
0x75: {  	_ =	shalt  }
0x76: {  	_ =	shalt  }
0x77: {  	_ =	shalt  }
0x78: {  	_ =	shalt  }
0x79: {  	_ =	shalt  }
0x7a: {  	_ =	shalt  }
0x7b: {  	_ =	shalt  }
0x7c: {  	_ =	shalt  }
0x7d: {  	_ =	shalt  }
0x7e: {  	_ =	shalt  }
0x7f: {  	_ =	shalt  }
0x80: {  	_ =	shalt  }
0x81: {  	_ =	shalt  }
0x82: {  	_ =	shalt  }
0x83: {  	_ =	shalt  }
0x84: {  	_ =	shalt  }
0x85: {  	_ =	shalt  }
0x86: {  	_ =	shalt  }
0x87: {  	_ =	shalt  }
.Lfunc_end0:
.L_simem_size_0:
called_computation.1_lowered:
.L_overlay_start_0:
0x88: {  	s2 =	sld [smem:$0x3FD9]  }
0x89: {  	s3 =	sld [smem:$0x3FFE];
	_ =	sdelay $0x1  }
0x8a: {  	s1 =	srdreg.scid  }
0x8b: {  	s0 =	sand.u32 $0x1, s1  }
0x8c: {  	s14 =	sshll.u32 s0, $0xA;
	s2 =	sadd.s32 s3, s2  }
0x8d: {  	s2 =	sadd.s32 s2, s14  }
0x8e: {  	[smem:$0x3FAF] =	sst s2  }
0x8f: {  	_ = 	snop  }
0x90: {  	s2 =	sld [smem:$0x3FD0];
	_ =	sdelay $0x2  }
0x91: {  	s15 =	simm.s32 $0xB;
	s4 =	simm.s32 $0x10  }
0x92: {  	[smem:s4], [sflag:s15] =	dma.local [hbm:s2], $0x1  }
0x93: {  	_ =	swait.eq [sflag:s15], $0x1  }
0x94: {  	[sflag:s15] =	ssyncset.done $0x0  }
0x95: {  	[sflag:s15] =	ssyncadd.s32 $0xFFFFFFFF  }
0x96: {  	s16 =	sld [smem:$0x10];
	(tm) =	ssettm $0x1  }
0x97: {  	s17 =	sld [smem:$0x3FFB];
	_ =	sdelay $0x3  }
0x98: {  	_ =	strace s17  }
0x99: {  	s3 =	sld [smem:$0x3FFC];
	_ =	sdelay $0x3  }
0x9a: {  	_ =	strace s3  }
0x9b: {  	s3 =	sld [smem:$0x3FFD];
	_ =	sdelay $0x3  }
0x9c: {  	_ =	strace s3  }
0x9d: {  	_ =	strace $0x8FFFFFFF  }
0x9e: {  	s18 =	sld [smem:$0x3FDB];
	_ =	sdelay $0x1  }
0x9f: {  	s19 =	simm.s32 $_scs_section_size  }
0xa0: {  	s5 =	simm.s32 $_size__tile_overlayer_lowered;
	s6 =	simm.s32 $_tile_overlayer_lowered  }
0xa1: {  	s22 =	simm.s32 $0x1BFF;
	s21 =	sshll.u32 s6, $0x1;
	s3 =	sadd.s32 s19, s18  }
0xa2: {  	s7 =	simm.s32 $0x0;
	s20 =	sshll.u32 s5, $0x1;
	s5 =	sadd.s32 s21, s3  }
0xa3: {  	[timem:s7], [sflag:s22] =	dma.local [hbm:s5], s20  }
0xa4: {  	_ =	swait.ge [sflag:s22], s20  }
0xa5: {  	s4 =	ssub.s32 $0x0, s20;
	[sflag:s22] =	ssyncset.done $0x0  }
0xa6: {  	[sflag:s22] =	ssyncadd.s32 s4;
	_ =	sdelay $0x1  }
0xa7: {  	s23 =	simm.s32 $0x1B8B  }
0xa8: {  	_ =	swait.ge [sflag:s23], $0x1  }
0xa9: {  	[sflag:s23] =	ssyncset.done $0x0  }
0xaa: {  	s25 =	simm.s32 $0x1B8E;
	s24 =	sld [smem:$0x3FFE];
	[sflag:s23] =	ssyncadd.s32 $0xFFFFFFFF  }
0xab: {  	s26 =	simm.s32 $execute0_lowered;
	[smem:$0x3FD2] =	sst s25  }
0xac: {  	s5 =	sshll.u32 s26, $0x1;
	_ =	strace $0x80000049;
	[dreg:$0x1] =	wrdreg $0xFFFFFFFF  }
0xad: {  	s28 =	simm.s32 $_size_execute0_lowered;
	s3 =	sadd.s32 s3, s5;
	[dreg:$0x0] =	wrdreg $0x0  }
0xae: {  	s5 =	sshll.u32 s28, $0x1;
	[dreg:$0x2] =	wrdreg s3  }
0xaf: {  	[dreg:$0x3] =	wrdreg s5  }
0xb0: {  	[dreg:$0x4] =	wrdreg $0xC0  }
0xb1: {  	_ =	task [dreg:s7], $0x5FFFF  }
0xb2: {  	[dreg:$0x1] =	wrdreg $0xFFFFFFFF  }
0xb3: {  	[dreg:$0x0] =	wrdreg $0x60  }
0xb4: {  	[dreg:$0x2] =	wrdreg s24  }
0xb5: {  	[dreg:$0x3] =	wrdreg s16  }
0xb6: {  	[dreg:$0x4] =	wrdreg $0x91000  }
0xb7: {  	[dreg:$0x5] =	wrdreg $0x9  }
0xb8: {  	_ =	task.clear_ibuf [dreg:s7], $0x6FFFF;
	_ =	strace $0x90000049  }
0xb9: {  	s29 =	simm.s32 $0x9;
	_ =	strace $0x8000004B  }
0xba: {  	_ =	swait.ge [sflag:s29], $0x1  }
0xbb: {  	[sflag:s29] =	ssyncadd.s32 $0xFFFFFFFF  }
0xbc: {  	_ =	strace $0x9000004B  }
0xbd: {  	_ =	sfence  }
0xbe: {  	s30 =	sld [smem:$0x0];
	_ =	sdelay $0x2  }
0xbf: {  	s31 =	sshll.u32 s1, $0xD;
	s1 =	sshrl.u32 s1, $0x2  }
0xc0: {  	s3 =	sand.u32 $0x4000, s31;
	s1 =	sadd.s32 s1, s30  }
0xc1: {  	s0 =	sor.u32 s3, s0;
	s1 =	sshll.u32 s1, $0x11  }
0xc2: {  	s0 =	sor.u32 s1, s0  }
0xc3: {  	s0 =	sadd.s32 $0x8F2B, s0  }
0xc4: {  	[sflag:s0] =	ssyncadd.remote.s32 $0x1  }
0xc5: {  	_ =	sfence.sel $0xFFFF  }
0xc6: {  	[dreg:$0x0] =	wrdreg $0xFFFFFFFF;
	(pc) =	sbr.abs _section_cstart, $3  }
0xc7: {  	[dreg:$0x1] =	wrdreg $0xFFFFFFFF  }
0xc8: {  	_ =	task.clear_ibuf [dreg:s7], $0x2FFFF;
	_ =	strace $0x9FFFFFFF  }
0xc9: {  	(tm) =	ssettm $0x7FFFFFFF  }
tec
execute0_lowered:
.L_overlay_start_1:
0x0: {  	(tag) =	ssettag $0x1  }
0x1: {  	s1 =	rddreg [dreg:$0x0];
	s4 =	srdreg.scid  }
0x2: {  	s0 =	stileid.u32;
	s3 =	rddreg [dreg:$0x2]  }
0x3: {  	s22 =	simm.s32 $0x2900;
	s23 =	simm.s32 $0x50;
	s5 =	smul.u32 $0x2800, s0  }
0x4: {  	s24 =	simm.s32 $0x4;
	s28 =	simm.s32 $0x2;
	s25 =	smul.u32 $0x50000, s0  }
0x5: {  	s29 =	simm.s32 $0x0;
	s14 =	sand.u32 $0x1, s4;
	s16 =	smul.u32 $0x4E200, s0  }
0x6: {  	s4 =	simm.s32 $0x0;
	s15 =	sadd.s32 $0x13A0400, s1;
	s18 =	smul.u32 $0x4E20, s0  }
0x7: {  	s17 =	sadd.s32 $0xE600, s1;
	s26 =	sshll.u32 s0, $0x1;
	s6 =	smul.u32 $0x28000, s14  }
0x8: {  	[smem:$0x7FF] =	sst s4;
	s7 =	ssub.s32 $0x2, s14;
	s30 =	smul.u32 $0x2710, s14  }
0x9: {  	s9 =	sor.u32 s14, s26;
	s21 =	smul.u32 $0x27100, s14;
	s26 =	simm.s32 $0x3  }
0xa: {  	_ =	strace $0x8000004A;
	s8 =	sshrl.u32 s7, $0x1;
	s12 =	smul.u32 $0x2710, s9  }
0xb: {  	s11 =	smul.u32 $0x27100, s9;
	s16 =	sadd.s32 s16, s15;
	s5 =	sadd.s32 s5, s6  }
0xc: {  	s6 =	sshrl.u32 s25, $0x2;
	s13 =	ssub.s32 s7, s8;
	s16 =	sadd.s32 s21, s16  }
0xd: {  	s21 =	simm.s32 $0x2880;
	s25 =	simm.s32 $0x1;
	s1 =	sadd.s32 s5, s1  }
0xe: {  	s5 =	sadd.s32 s6, s3;
	s10 =	sshrl.u32 s12, $0x3;
	s11 =	sadd.s32 s15, s11  }
0xf: {  	s19 =	sadd.s32 $0x50, s12;
	s13 =	smax.u32 s13, $0x1;
	s16 =	sadd.s32 $0xA00, s16  }
0x10: {  	s2 =	sadd.s32 $0x4000, s5;
	s7 =	sadd.s32 $0x8000, s5;
	s8 =	sadd.s32 $0xC000, s5  }
0x11: {  	s9 =	sadd.s32 $0x10000, s5;
	s10 =	sadd.s32 s17, s10;
	s12 =	sadd.s32 $0x18400, s1  }
0x12: {  	s20 =	sshrl.u32 s19, $0x3;
	s1 =	sadd.s32 s30, s18;
	s31 =	sshll.u32 s19, $0x4  }
0x13: {  	s18 =	simm.s32 $0x5100;
	s19 =	simm.s32 $0x5;
	s1 =	sadd.s32 $0xA0, s1  }
0x14: {  	[dreg:$0x4] =	wrdreg s2;
	s14 =	sadd.s32 s17, s20;
	s1 =	sshrl.u32 s1, $0x3  }
0x15: {  	s15 =	sadd.s32 s15, s31;
	s20 =	simm.s32 $0x80;
	s17 =	sadd.s32 s1, s17  }
.LBB2_1:
0x16: {  	s0 =	rddreg [dreg:$0x1]  }
0x17: {  	[tilespmem:s18], [sflag:$0x5] =	stream.linear.gather [hbm4b:s0+s4], $0x4000, $0x38;
	[tilespmem:$0x1D100] =	vst v63  }
0x18: {  	_ =	swait.ge [sflag:s19], $0x4000  }
0x19: {  	[sflag:s19] =	ssyncset.done $0x0  }
0x1a: {  	[sflag:s19] =	ssyncadd.s32 $0xFFFFC000  }
0x1b: {  	[spmem:s5] =	stream.linear.scatter [tilespmem:s18], [sflag:$0x5], $0x4000, $0x38;
	[tilespmem:$0x1D100] =	vst v63  }
0x1c: {  	_ =	swait.ge [sflag:s19], $0x4000  }
0x1d: {  	[sflag:s19] =	ssyncset.done $0x0  }
0x1e: {  	s6 =	rddreg [dreg:$0x4];
	[sflag:s19] =	ssyncadd.s32 $0xFFFFC000  }
0x1f: {  	[spmem:s6] =	stream.linear.scatter [tilespmem:s18], [sflag:$0x5], $0x4000, $0x38;
	[tilespmem:$0x1D100] =	vst v63  }
0x20: {  	_ =	swait.ge [sflag:s19], $0x4000  }
0x21: {  	[sflag:s19] =	ssyncset.done $0x0  }
0x22: {  	[sflag:s19] =	ssyncadd.s32 $0xFFFFC000  }
0x23: {  	[spmem:s7] =	stream.linear.scatter [tilespmem:s18], [sflag:$0x5], $0x4000, $0x38;
	[tilespmem:$0x1D100] =	vst v63  }
0x24: {  	_ =	swait.ge [sflag:s19], $0x4000  }
0x25: {  	[sflag:s19] =	ssyncset.done $0x0  }
0x26: {  	[sflag:s19] =	ssyncadd.s32 $0xFFFFC000  }
0x27: {  	[spmem:s8] =	stream.linear.scatter [tilespmem:s18], [sflag:$0x5], $0x4000, $0x38;
	[tilespmem:$0x1D100] =	vst v63  }
0x28: {  	_ =	swait.ge [sflag:s19], $0x4000  }
0x29: {  	[sflag:s19] =	ssyncset.done $0x0  }
0x2a: {  	[sflag:s19] =	ssyncadd.s32 $0xFFFFC000  }
0x2b: {  	[spmem:s9] =	stream.linear.scatter [tilespmem:s18], [sflag:$0x5], $0x4000, $0x38;
	[tilespmem:$0x1D100] =	vst v63  }
0x2c: {  	_ =	swait.ge [sflag:s19], $0x4000  }
0x2d: {  	[sflag:s19] =	ssyncset.done $0x0  }
0x2e: {  	[sflag:s19] =	ssyncadd.s32 $0xFFFFC000  }
0x2f: {  	[bflag:$0x0] =	sbarrier.arrive $0xFFFF  }
0x30: {  	[tilespmem:s4], [sflag:$0x1] =	stream.linear.gather [hbm4b:s10+s4], $0x50, $0x38;
	[tilespmem:$0x1D100] =	vst v63  }
0x31: {  	_ = 	snop  }
0x32: {  	[tilespmem:s20], [sflag:$0x1] =	stream.linear.gather [hbm4b:s11+s4], $0x2800, $0x38;
	[tilespmem:$0x1D100] =	vst v63  }
0x33: {  	_ = 	snop  }
0x34: {  	[tilespmem:s21], [sflag:$0x2] =	stream.linear.gather [hbm4b:s14+s4], $0x50, $0x38;
	[tilespmem:$0x1D100] =	vst v63  }
0x35: {  	_ = 	snop  }
0x36: {  	[tilespmem:s22], [sflag:$0x2] =	stream.linear.gather [hbm4b:s15+s4], $0x2800, $0x38;
	[tilespmem:$0x1D100] =	vst v63  }
0x37: {  	_ =	swait.ge [sflag:s25], $0x50  }
0x38: {  	[sflag:s25] =	ssyncset.done $0x0  }
0x39: {  	[sflag:s25] =	ssyncadd.s32 $0xFFFFFFB0  }
0x3a: {  	_ =	swait.ge [sflag:s25], $0x2800  }
0x3b: {  	s30 =	smov.u32 s17;
	[sflag:s25] =	ssyncset.done $0x0  }
0x3c: {  	s31 =	smov.u32 s16;
	s1 =	simm.s32 $0x1;
	[sflag:s25] =	ssyncadd.s32 $0xFFFFD800  }
0x3d: {  	[spmem:s3] =	stream.indirect.scatter.add.f32 [tilespmem:s20], [sflag:$0x3], $0x80, s4, s23, $0xb8;
	[tilespmem:$0x1D100] =	vst v63  }
.LBB2_2:
0x3e: {  	s2 =	sand.u32 $0x1, s1  }
0x3f: {  	p0 =	seq.s32 s2, $0x1  }
0x40: {  	s2 =	simm.s32 @!p0 $0x4  }
0x41: {  	_ =	swait.ge @!p0 [sflag:s2], $0x2800  }
0x42: {  	[sflag:s2] =	ssyncset.done @!p0 $0x0  }
0x43: {  	s0 =	simm.s32 @!p0 $0x2880;
	[sflag:s2] =	ssyncadd.s32 @!p0 $0xFFFFD800;
	s2 =	simm.s32 @!p0 $0x0  }
0x44: {  	[tilespmem:s0], [sflag:$0x2] =	stream.linear.gather @!p0 [hbm4b:s30+s2], $0x50, $0x38;
	[tilespmem:$0x1D100] =	vst v63  }
0x45: {  	s0 =	simm.s32 @!p0 $0x2900  }
0x46: {  	[tilespmem:s0], [sflag:$0x2] =	stream.linear.gather @!p0 [hbm4b:s31+s2], $0x2800, $0x38;
	[tilespmem:$0x1D100] =	vst v63  }
0x47: {  	s0 =	simm.s32 @!p0 $0x1  }
0x48: {  	_ =	swait.ge @!p0 [sflag:s0], $0x50  }
0x49: {  	[sflag:s0] =	ssyncset.done @!p0 $0x0  }
0x4a: {  	[sflag:s0] =	ssyncadd.s32 @!p0 $0xFFFFFFB0  }
0x4b: {  	_ =	swait.ge @!p0 [sflag:s0], $0x2800  }
0x4c: {  	[sflag:s0] =	ssyncset.done @!p0 $0x0  }
0x4d: {  	s6 =	simm.s32 @!p0 $0x80;
	[sflag:s0] =	ssyncadd.s32 @!p0 $0xFFFFD800;
	s0 =	simm.s32 @!p0 $0x50  }
0x4e: {  	[spmem:s3] =	stream.indirect.scatter.add.f32 @!p0 [tilespmem:s6], [sflag:$0x3], $0x80, s2, s0, $0xb8;
	[tilespmem:$0x1D100] =	vst v63  }
0x4f: {  	s0 =	sand.u32 @!p0 $0x1, s1  }
0x50: {  	p1 =	seq.s32 @!p0 s0, $0x0  }
0x51: {  	p0 =	por p0, !p1  }
0x52: {  	_ =	swait.ge @p0 [sflag:s26], $0x2800  }
0x53: {  	[sflag:s26] =	ssyncset.done @p0 $0x0  }
0x54: {  	[sflag:s26] =	ssyncadd.s32 @p0 $0xFFFFD800  }
0x55: {  	[tilespmem:s4], [sflag:$0x1] =	stream.linear.gather @p0 [hbm4b:s30+s4], $0x50, $0x38;
	[tilespmem:$0x1D100] =	vst v63  }
0x56: {  	_ = 	snop  }
0x57: {  	[tilespmem:s20], [sflag:$0x1] =	stream.linear.gather @p0 [hbm4b:s31+s4], $0x2800, $0x38;
	[tilespmem:$0x1D100] =	vst v63  }
0x58: {  	_ =	swait.ge @p0 [sflag:s28], $0x50  }
0x59: {  	[sflag:s28] =	ssyncset.done @p0 $0x0  }
0x5a: {  	[sflag:s28] =	ssyncadd.s32 @p0 $0xFFFFFFB0  }
0x5b: {  	_ =	swait.ge @p0 [sflag:s28], $0x2800  }
0x5c: {  	[sflag:s28] =	ssyncset.done @p0 $0x0  }
0x5d: {  	s1 =	sadd.s32 $0x1, s1;
	[sflag:s28] =	ssyncadd.s32 @p0 $0xFFFFD800  }
0x5e: {  	[spmem:s3] =	stream.indirect.scatter.add.f32 @p0 [tilespmem:s22], [sflag:$0x4], $0x80, s21, s23, $0xb8;
	[tilespmem:$0x1D100] =	vst v63  }
0x5f: {  	p0 =	sne.s32 s1, $0x7C  }
.Ltmp0:
0x60: {  	_ = 	snop;
	(pc) =	sbr.rel @p0 .LBB2_2-.Ltmp0, $2  }
0x61: {  	_ =	sdelay $0x2  }
0x62: {  	s30 =	sadd.s32 $0xA, s30;
	s31 =	sadd.s32 $0x500, s31  }
0x63: {  	_ =	swait.ge [sflag:s24], $0x2800  }
0x64: {  	[sflag:s24] =	ssyncset.done $0x0  }
0x65: {  	[sflag:s24] =	ssyncadd.s32 $0xFFFFD800  }
0x66: {  	_ =	swait.ge [sflag:s25], $0x50  }
0x67: {  	[sflag:s25] =	ssyncset.done $0x0  }
0x68: {  	[sflag:s25] =	ssyncadd.s32 $0xFFFFFFB0  }
0x69: {  	_ =	swait.ge [sflag:s25], $0x2800  }
0x6a: {  	[sflag:s25] =	ssyncset.done $0x0  }
0x6b: {  	[sflag:s25] =	ssyncadd.s32 $0xFFFFD800  }
0x6c: {  	[spmem:s3] =	stream.indirect.scatter.add.f32 [tilespmem:s20], [sflag:$0x3], $0x80, s4, s23, $0xb8;
	[tilespmem:$0x1D100] =	vst v63  }
0x6d: {  	s0 =	stileid.u32;
	_ =	swait.ge [sflag:s26], $0x2800  }
0x6e: {  	s1 =	sshrl.u32 s5, $0x3;
	s29 =	sadd.s32 $0x1, s29;
	[sflag:s26] =	ssyncset.done $0x0  }
0x6f: {  	s0 =	sshll.u32 s0, $0x6;
	p0 =	sne.s32 s29, s13;
	[sflag:s26] =	ssyncadd.s32 $0xFFFFD800  }
.Ltmp1:
0x70: {  	s0 =	sor.u32 $0x1C05, s0;
	[bflag:$0x0] =	sbarrier.arrive $0xFFFF;
	(pc) =	sbr.rel @p0 .LBB2_1-.Ltmp1, $4  }
0x71: {  	[hbm:s12], [sflag:s0] =	dma.local [spmem:s1], $0x2800  }
0x72: {  	_ =	swait.ge [sflag:s19], $0x2800  }
0x73: {  	[sflag:s19] =	ssyncset.done $0x0  }
0x74: {  	[sflag:s19] =	ssyncadd.s32 $0xFFFFD800  }
0x75: {  	_ =	sfence.sel $0x180000  }
0x76: {  	[bflag:$0x0] =	sbarrier.arrive $0xFFFF  }
0x77: {  	_ =	strace $0x9000004A  }
0x78: {  	s0 =	stileid.u32;
	[bflag:$0x2] =	sbarrier.arrive $0xFFFF  }
0x79: {  	p0 =	sne.s32 s0, $0x0;
	s0 =	rddreg [dreg:$0x3]  }
0x7a: {  	s0 =	sadd.s32 @!p0 $0x100000, s0  }
0x7b: {  	[sflag:s0] =	ssyncadd.tile.s32 @!p0 $0x1;
	_ =	shalt  }
.Lfunc_end2:
_tile_overlayer_lowered:
.L_overlay_start_2:
0x7c: {  	(tag) =	ssettag $0x2  }
0x7d: {  	s0 =	rddreg [dreg:$0x0];
	s2 =	stileid.u32  }
0x7e: {  	s1 =	rddreg [dreg:$0x1];
	p0 =	sne.s32 s2, $0x0  }
0x7f: {  	s3 =	rddreg [dreg:$0x2];
	[bflag:$0x3] =	sbarrier.arrive $0xFFFF;
	s2 =	simm.s32 @!p0 $0x1C05  }
0x80: {  	[timem:s3], [sflag:s2] =	dma.local @!p0 [hbm:s0], s1  }
0x81: {  	s0 =	simm.s32 @!p0 $0x5  }
0x82: {  	_ =	swait.ge @!p0 [sflag:s0], s1  }
0x83: {  	s1 =	ssub.s32 @!p0 $0x0, s1;
	[sflag:s0] =	ssyncset.done @!p0 $0x0  }
0x84: {  	[sflag:s0] =	ssyncadd.s32 @!p0 s1  }
0x85: {  	[bflag:$0x3] =	sbarrier.arrive $0xFFFF  }
0x86: {  	_ =	shalt  }

// kernel: kernel.14.cloned.1.call-start
scs
__scs_entry_jumppad:
0x0: {  	(pc) =	sbr.rel $0x88, $3  }
0x1: {  	(tag) =	ssettag $0x0;
	lr =	simm.s32 $0x1  }
0x2: {  	[smem:$0x3F88] =	sst lr;
	_ =	strace $0xD0000000  }
0x3: {  	_ = 	snop  }
0x4: {  	_ = 	snop  }
0x5: {  	_ = 	snop  }
0x6: {  	_ = 	snop  }
0x7: {  	_ = 	snop  }
__scs_overlays_trampoline_lowered:
0x8: {  	[smem:$0x3F97] =	sst s0  }
0x9: {  	[smem:$0x3F98] =	sst s1  }
0xa: {  	[smem:$0x3F99] =	sst s2  }
0xb: {  	[smem:$0x3F9A] =	sst s3  }
0xc: {  	[smem:$0x3F9B] =	sst s4  }
0xd: {  	[smem:$0x3F9C] =	sst s5  }
0xe: {  	[smem:$0x3F9D] =	sst s6  }
0xf: {  	[smem:$0x3F9E] =	sst s7  }
0x10: {  	[smem:$0x3F9F] =	sst s8  }
0x11: {  	[smem:$0x3FA0] =	sst s9;
	s0 =	simm.s32 @!p0 $0x0  }
0x12: {  	s1 =	sld [smem:$0x3F86];
	s0 =	simm.s32 @p0 $0x1  }
0x13: {  	[smem:$0x3FA1] =	sst s0;
	s0 =	simm.s32 @!p1 $0x0  }
0x14: {  	s2 =	sld [smem:$0x3F85];
	s0 =	simm.s32 @p1 $0x1  }
0x15: {  	[smem:$0x3FA2] =	sst s0;
	s0 =	simm.s32 @!p2 $0x0  }
0x16: {  	s3 =	sld [smem:$0x3FDB];
	s0 =	simm.s32 @p2 $0x1  }
0x17: {  	s4 =	simm.s32 $0x1BF5;
	[smem:$0x3FA4] =	sst s0  }
0x18: {  	s0 =	sld [smem:$0x3F87];
	_ =	swait.ge [sflag:s4], $0x0  }
0x19: {  	s7 =	sld [smem:$0x3F88]  }
0x1a: {  	s8 =	sadd.s32 $0xFFFFE003, lr  }
0x1b: {  	s9 =	sadd.s32 $0xFFFFFEF7, lr;
	s5 =	simm.s32 $0xFFFFFFFF;
	p2 =	slt.u32 s8, $0xFFFFF086  }
0x1c: {  	p1 =	slt.u32 s9, $0xF7A;
	s5 =	simm.s32 @!p2 $0x0  }
0x1d: {  	s5 =	simm.s32 @p1 $0x1;
	p0 =	seq.s32 s7, s2  }
0x1e: {  	s7 =	smul.u32 @!p0 $0xF7A, s2;
	p2 =	seq.s32 @!p0 s5, $0x0  }
0x1f: {  	s9 =	smul.u32 $0xF7A, s1;
	s8 =	simm.s32 @!p0 $0x1BF5;
	p2 =	por !p2, p0  }
0x20: {  	[sflag:s8] =	ssyncset.s32 @!p0 $0xFFFFF086;
	s6 =	sadd.s32 @!p0 s3, s7;
	s7 =	simm.s32 @!p0 $0x108  }
0x21: {  	s3 =	sadd.s32 s3, s9;
	s6 =	sadd.s32 @!p0 $0x88, s6;
	s7 =	simm.s32 @p2 $0x1082  }
0x22: {  	[simem:s7], [sflag:s8] =	dma.local @!p0 [hbm:s6], $0xF7A  }
0x23: {  	s9 =	sor.u32 $0xD0000000, s2;
	s6 =	simm.s32 $0x108;
	_ =	swait.ge @!p0 [sflag:s8], $0x0  }
0x24: {  	s3 =	sadd.s32 $0x88, s3;
	s6 =	simm.s32 @!p1 $0x1082;
	[sflag:s4] =	ssyncset.s32 $0xFFFFF086  }
0x25: {  	[simem:s6], [sflag:s4] =	dma.local [hbm:s3], $0xF7A  }
0x26: {  	[smem:$0x3F88] =	sst s1;
	(tag) =	ssettag s2;
	_ =	strace s9  }
0x27: {  	s1 =	sld [smem:$0x3F98]  }
0x28: {  	s2 =	sld [smem:$0x3F99]  }
0x29: {  	s4 =	sld [smem:$0x3F9B]  }
0x2a: {  	p0 =	seq.s32 s5, $0x0;
	s5 =	sld [smem:$0x3F9C]  }
0x2b: {  	s6 =	sld [smem:$0x3F9D]  }
0x2c: {  	s7 =	sld [smem:$0x3F9E]  }
0x2d: {  	s3 =	simm.s32 $0x108;
	s8 =	sld [smem:$0x3F9F]  }
0x2e: {  	s3 =	simm.s32 @!p0 $0x1082;
	s9 =	sld [smem:$0x3FA0]  }
0x2f: {  	lr =	sadd.s32 s0, s3;
	s0 =	sld [smem:$0x3F97]  }
0x30: {  	s3 =	sld [smem:$0x3F9A]  }
0x31: {  	[smem:$0x3FA3] =	sst s10  }
0x32: {  	s10 =	sld [smem:$0x3FA1];
	_ =	sdelay $0x3  }
0x33: {  	p0 =	seq.s32 s10, $0x1;
	s10 =	sld [smem:$0x3FA3];
	_ =	sdelay $0x3  }
0x34: {  	[smem:$0x3FA3] =	sst s10  }
0x35: {  	s10 =	sld [smem:$0x3FA2];
	_ =	sdelay $0x3  }
0x36: {  	p1 =	seq.s32 s10, $0x1;
	s10 =	sld [smem:$0x3FA3];
	_ =	sdelay $0x3  }
0x37: {  	[smem:$0x3FA3] =	sst s10  }
0x38: {  	s10 =	sld [smem:$0x3FA4]  }
0x39: {  	_ = 	snop;
	(pc) =	sbr.ind lr, $3  }
0x3a: {  	_ = 	snop  }
0x3b: {  	_ = 	snop  }
0x3c: {  	p2 =	seq.s32 s10, $0x1;
	s10 =	sld [smem:$0x3FA3]  }
0x3d: {  	_ =	shalt  }
0x3e: {  	_ =	shalt  }
0x3f: {  	_ =	shalt  }
0x40: {  	_ =	shalt  }
0x41: {  	_ =	shalt  }
0x42: {  	_ =	shalt  }
0x43: {  	_ =	shalt  }
0x44: {  	_ =	shalt  }
0x45: {  	_ =	shalt  }
0x46: {  	_ =	shalt  }
0x47: {  	_ =	shalt  }
0x48: {  	_ =	shalt  }
0x49: {  	_ =	shalt  }
0x4a: {  	_ =	shalt  }
0x4b: {  	_ =	shalt  }
0x4c: {  	_ =	shalt  }
0x4d: {  	_ =	shalt  }
0x4e: {  	_ =	shalt  }
0x4f: {  	_ =	shalt  }
0x50: {  	_ =	shalt  }
0x51: {  	_ =	shalt  }
0x52: {  	_ =	shalt  }
0x53: {  	_ =	shalt  }
0x54: {  	_ =	shalt  }
0x55: {  	_ =	shalt  }
0x56: {  	_ =	shalt  }
0x57: {  	_ =	shalt  }
0x58: {  	_ =	shalt  }
0x59: {  	_ =	shalt  }
0x5a: {  	_ =	shalt  }
0x5b: {  	_ =	shalt  }
0x5c: {  	_ =	shalt  }
0x5d: {  	_ =	shalt  }
0x5e: {  	_ =	shalt  }
0x5f: {  	_ =	shalt  }
0x60: {  	_ =	shalt  }
0x61: {  	_ =	shalt  }
0x62: {  	_ =	shalt  }
0x63: {  	_ =	shalt  }
0x64: {  	_ =	shalt  }
0x65: {  	_ =	shalt  }
0x66: {  	_ =	shalt  }
0x67: {  	_ =	shalt  }
0x68: {  	_ =	shalt  }
0x69: {  	_ =	shalt  }
0x6a: {  	_ =	shalt  }
0x6b: {  	_ =	shalt  }
0x6c: {  	_ =	shalt  }
0x6d: {  	_ =	shalt  }
0x6e: {  	_ =	shalt  }
0x6f: {  	_ =	shalt  }
0x70: {  	_ =	shalt  }
0x71: {  	_ =	shalt  }
0x72: {  	_ =	shalt  }
0x73: {  	_ =	shalt  }
0x74: {  	_ =	shalt  }
0x75: {  	_ =	shalt  }
0x76: {  	_ =	shalt  }
0x77: {  	_ =	shalt  }
0x78: {  	_ =	shalt  }
0x79: {  	_ =	shalt  }
0x7a: {  	_ =	shalt  }
0x7b: {  	_ =	shalt  }
0x7c: {  	_ =	shalt  }
0x7d: {  	_ =	shalt  }
0x7e: {  	_ =	shalt  }
0x7f: {  	_ =	shalt  }
0x80: {  	_ =	shalt  }
0x81: {  	_ =	shalt  }
0x82: {  	_ =	shalt  }
0x83: {  	_ =	shalt  }
0x84: {  	_ =	shalt  }
0x85: {  	_ =	shalt  }
0x86: {  	_ =	shalt  }
0x87: {  	_ =	shalt  }
.Lfunc_end0:
.L_simem_size_0:
called_computation.2_lowered:
.L_overlay_start_0:
0x88: {  	s2 =	sld [smem:$0x3FD9]  }
0x89: {  	s3 =	sld [smem:$0x3FFE];
	_ =	sdelay $0x1  }
0x8a: {  	s1 =	srdreg.scid  }
0x8b: {  	s0 =	sand.u32 $0x1, s1  }
0x8c: {  	s15 =	sshll.u32 s0, $0xA;
	s2 =	sadd.s32 s3, s2  }
0x8d: {  	s2 =	sadd.s32 s2, s15  }
0x8e: {  	[smem:$0x3FAF] =	sst s2  }
0x8f: {  	_ = 	snop  }
0x90: {  	s2 =	sld [smem:$0x3FD0];
	_ =	sdelay $0x2  }
0x91: {  	s16 =	simm.s32 $0xB;
	s4 =	simm.s32 $0x10  }
0x92: {  	[smem:s4], [sflag:s16] =	dma.local [hbm:s2], $0x1  }
0x93: {  	_ =	swait.eq [sflag:s16], $0x1  }
0x94: {  	[sflag:s16] =	ssyncset.done $0x0  }
0x95: {  	[sflag:s16] =	ssyncadd.s32 $0xFFFFFFFF  }
0x96: {  	s17 =	sld [smem:$0x10];
	(tm) =	ssettm $0x1  }
0x97: {  	s18 =	sld [smem:$0x3FFB];
	_ =	sdelay $0x3  }
0x98: {  	_ =	strace s18  }
0x99: {  	s2 =	sld [smem:$0x3FFC];
	_ =	sdelay $0x3  }
0x9a: {  	_ =	strace s2  }
0x9b: {  	s2 =	sld [smem:$0x3FFD];
	_ =	sdelay $0x3  }
0x9c: {  	_ =	strace s2  }
0x9d: {  	_ =	strace $0x8FFFFFFF  }
0x9e: {  	s19 =	sld [smem:$0x3FDB];
	_ =	sdelay $0x1  }
0x9f: {  	s20 =	simm.s32 $_scs_section_size  }
0xa0: {  	s5 =	simm.s32 $_size__tile_overlayer_lowered;
	s6 =	simm.s32 $_tile_overlayer_lowered  }
0xa1: {  	s7 =	simm.s32 $0x1BFF;
	s21 =	sshll.u32 s6, $0x1;
	s4 =	sadd.s32 s20, s19  }
0xa2: {  	s22 =	simm.s32 $0x0;
	s5 =	sshll.u32 s5, $0x1;
	s6 =	sadd.s32 s21, s4  }
0xa3: {  	[timem:s22], [sflag:s7] =	dma.local [hbm:s6], s5  }
0xa4: {  	_ =	swait.ge [sflag:s7], s5  }
0xa5: {  	s5 =	ssub.s32 $0x0, s5;
	[sflag:s7] =	ssyncset.done $0x0  }
0xa6: {  	[sflag:s7] =	ssyncadd.s32 s5;
	_ =	sdelay $0x1  }
0xa7: {  	s23 =	simm.s32 $0x1B8B  }
0xa8: {  	_ =	swait.ge [sflag:s23], $0x1  }
0xa9: {  	[sflag:s23] =	ssyncset.done $0x0  }
0xaa: {  	[sflag:s23] =	ssyncadd.s32 $0xFFFFFFFF  }
0xab: {  	s5 =	sld [smem:$0x0]  }
0xac: {  	s6 =	sand.u32 $0xFFFFFFFE, s1  }
0xad: {  	p0 =	sne.s32 s1, s6  }
0xae: {  	s6 =	sshll.u32 @p0 s6, $0xE  }
0xaf: {  	s6 =	sadd.s32 @p0 $0x11B8D, s6;
	s7 =	sshll.u32 @p0 s5, $0x11  }
0xb0: {  	s6 =	sor.u32 @p0 s7, s6  }
0xb1: {  	[sflag:s6] =	ssyncadd.remote.s32 @p0 $0x1;
	_ =	sdelay $0x1  }
0xb2: {  	s6 =	simm.s32 @p0 $0x1B8D  }
0xb3: {  	_ =	swait.eq @p0 [sflag:s6], $0x1  }
0xb4: {  	[sflag:s6] =	ssyncadd.s32 @p0 $0xFFFFFFFF  }
0xb5: {  	s7 =	sshll.u32 @!p0 s1, $0xE  }
0xb6: {  	s7 =	sor.u32 @!p0 $0x4000, s7;
	s6 =	simm.s32 @!p0 $0x1B8D  }
0xb7: {  	s5 =	sshll.u32 @!p0 s5, $0x11;
	s7 =	sadd.s32 @!p0 $0x11B8D, s7;
	_ =	swait.eq @!p0 [sflag:s6], $0x1  }
0xb8: {  	s5 =	sor.u32 @!p0 s5, s7;
	[sflag:s6] =	ssyncadd.s32 @!p0 $0xFFFFFFFF  }
0xb9: {  	s25 =	simm.s32 $0x1B8E;
	s24 =	sld [smem:$0x3FFE];
	[sflag:s5] =	ssyncadd.remote.s32 @!p0 $0x1  }
0xba: {  	s26 =	simm.s32 $execute0_lowered;
	[smem:$0x3FD2] =	sst s25  }
0xbb: {  	s6 =	sshll.u32 s26, $0x1;
	_ =	strace $0x8000004C;
	[dreg:$0x1] =	wrdreg $0xFFFFFFFF  }
0xbc: {  	s28 =	simm.s32 $_size_execute0_lowered;
	s4 =	sadd.s32 s4, s6;
	[dreg:$0x0] =	wrdreg $0x0  }
0xbd: {  	s6 =	sshll.u32 s28, $0x1;
	[dreg:$0x2] =	wrdreg s4  }
0xbe: {  	[dreg:$0x3] =	wrdreg s6  }
0xbf: {  	[dreg:$0x4] =	wrdreg $0xC0  }
0xc0: {  	_ =	task [dreg:s22], $0x5FFFF  }
0xc1: {  	[dreg:$0x1] =	wrdreg $0xFFFFFFFF  }
0xc2: {  	[dreg:$0x0] =	wrdreg $0x60  }
0xc3: {  	[dreg:$0x2] =	wrdreg s24  }
0xc4: {  	[dreg:$0x3] =	wrdreg s17  }
0xc5: {  	[dreg:$0x4] =	wrdreg $0x91000  }
0xc6: {  	[dreg:$0x5] =	wrdreg $0xA  }
0xc7: {  	_ =	task.clear_ibuf [dreg:s22], $0x6FFFF;
	_ =	strace $0x9000004C  }
0xc8: {  	s29 =	simm.s32 $0xA;
	_ =	strace $0x8000004E  }
0xc9: {  	_ =	swait.ge [sflag:s29], $0x1  }
0xca: {  	[sflag:s29] =	ssyncadd.s32 $0xFFFFFFFF  }
0xcb: {  	_ =	strace $0x9000004E  }
0xcc: {  	_ =	sfence  }
0xcd: {  	s30 =	sld [smem:$0x0];
	_ =	sdelay $0x2  }
0xce: {  	s31 =	sshll.u32 s1, $0xD;
	s1 =	sshrl.u32 s1, $0x2  }
0xcf: {  	s4 =	sand.u32 $0x4000, s31;
	s1 =	sadd.s32 s1, s30  }
0xd0: {  	s0 =	sor.u32 s4, s0;
	s1 =	sshll.u32 s1, $0x11  }
0xd1: {  	s0 =	sor.u32 s1, s0  }
0xd2: {  	s0 =	sadd.s32 $0x8F2B, s0  }
0xd3: {  	[sflag:s0] =	ssyncadd.remote.s32 $0x1  }
0xd4: {  	_ =	sfence.sel $0xFFFF  }
0xd5: {  	[dreg:$0x0] =	wrdreg $0xFFFFFFFF;
	(pc) =	sbr.abs _section_cstart, $3  }
0xd6: {  	[dreg:$0x1] =	wrdreg $0xFFFFFFFF  }
0xd7: {  	_ =	task.clear_ibuf [dreg:s22], $0x2FFFF;
	_ =	strace $0x9FFFFFFF  }
0xd8: {  	(tm) =	ssettm $0x7FFFFFFF  }
0xd9: {  	_ =	shalt  }
tec
execute0_lowered:
.L_overlay_start_1:
0x0: {  	(tag) =	ssettag $0x1  }
0x1: {  	s1 =	rddreg [dreg:$0x0];
	s4 =	srdreg.scid  }
0x2: {  	s0 =	stileid.u32;
	s3 =	rddreg [dreg:$0x2]  }
0x3: {  	s22 =	simm.s32 $0x2900;
	s23 =	simm.s32 $0x50;
	s5 =	smul.u32 $0x2800, s0  }
0x4: {  	s24 =	simm.s32 $0x4;
	s28 =	simm.s32 $0x2;
	s25 =	smul.u32 $0x50000, s0  }
0x5: {  	s29 =	simm.s32 $0x0;
	s14 =	sand.u32 $0x1, s4;
	s16 =	smul.u32 $0x4E200, s0  }
0x6: {  	s4 =	simm.s32 $0x0;
	s15 =	sadd.s32 $0x1882400, s1;
	s18 =	smul.u32 $0x4E20, s0  }
0x7: {  	s17 =	sadd.s32 $0xE600, s1;
	s26 =	sshll.u32 s0, $0x1;
	s6 =	smul.u32 $0x28000, s14  }
0x8: {  	[smem:$0x7FF] =	sst s4;
	s7 =	ssub.s32 $0x2, s14;
	s30 =	smul.u32 $0x2710, s14  }
0x9: {  	s9 =	sor.u32 s14, s26;
	s21 =	smul.u32 $0x27100, s14;
	s26 =	simm.s32 $0x3  }
0xa: {  	_ =	strace $0x8000004D;
	s8 =	sshrl.u32 s7, $0x1;
	s12 =	smul.u32 $0x2710, s9  }
0xb: {  	s11 =	smul.u32 $0x27100, s9;
	s16 =	sadd.s32 s16, s15;
	s5 =	sadd.s32 s5, s6  }
0xc: {  	s6 =	sshrl.u32 s25, $0x2;
	s13 =	ssub.s32 s7, s8;
	s16 =	sadd.s32 s21, s16  }
0xd: {  	s21 =	simm.s32 $0x2880;
	s25 =	simm.s32 $0x1;
	s1 =	sadd.s32 s5, s1  }
0xe: {  	s5 =	sadd.s32 s6, s3;
	s10 =	sshrl.u32 s12, $0x3;
	s11 =	sadd.s32 s15, s11  }
0xf: {  	s19 =	sadd.s32 $0x50, s12;
	s13 =	smax.u32 s13, $0x1;
	s16 =	sadd.s32 $0xA00, s16  }
0x10: {  	s2 =	sadd.s32 $0x4000, s5;
	s7 =	sadd.s32 $0x8000, s5;
	s8 =	sadd.s32 $0xC000, s5  }
0x11: {  	s9 =	sadd.s32 $0x10000, s5;
	s10 =	sadd.s32 s17, s10;
	s12 =	sadd.s32 $0x68400, s1  }
0x12: {  	s20 =	sshrl.u32 s19, $0x3;
	s1 =	sadd.s32 s30, s18;
	s31 =	sshll.u32 s19, $0x4  }
0x13: {  	s18 =	simm.s32 $0x5100;
	s19 =	simm.s32 $0x5;
	s1 =	sadd.s32 $0xA0, s1  }
0x14: {  	[dreg:$0x4] =	wrdreg s2;
	s14 =	sadd.s32 s17, s20;
	s1 =	sshrl.u32 s1, $0x3  }
0x15: {  	s15 =	sadd.s32 s15, s31;
	s20 =	simm.s32 $0x80;
	s17 =	sadd.s32 s1, s17  }
.LBB2_1:
0x16: {  	s0 =	rddreg [dreg:$0x1]  }
0x17: {  	[tilespmem:s18], [sflag:$0x5] =	stream.linear.gather [hbm4b:s0+s4], $0x4000, $0x38;
	[tilespmem:$0x1D100] =	vst v63  }
0x18: {  	_ =	swait.ge [sflag:s19], $0x4000  }
0x19: {  	[sflag:s19] =	ssyncset.done $0x0  }
0x1a: {  	[sflag:s19] =	ssyncadd.s32 $0xFFFFC000  }
0x1b: {  	[spmem:s5] =	stream.linear.scatter [tilespmem:s18], [sflag:$0x5], $0x4000, $0x38;
	[tilespmem:$0x1D100] =	vst v63  }
0x1c: {  	_ =	swait.ge [sflag:s19], $0x4000  }
0x1d: {  	[sflag:s19] =	ssyncset.done $0x0  }
0x1e: {  	s6 =	rddreg [dreg:$0x4];
	[sflag:s19] =	ssyncadd.s32 $0xFFFFC000  }
0x1f: {  	[spmem:s6] =	stream.linear.scatter [tilespmem:s18], [sflag:$0x5], $0x4000, $0x38;
	[tilespmem:$0x1D100] =	vst v63  }
0x20: {  	_ =	swait.ge [sflag:s19], $0x4000  }
0x21: {  	[sflag:s19] =	ssyncset.done $0x0  }
0x22: {  	[sflag:s19] =	ssyncadd.s32 $0xFFFFC000  }
0x23: {  	[spmem:s7] =	stream.linear.scatter [tilespmem:s18], [sflag:$0x5], $0x4000, $0x38;
	[tilespmem:$0x1D100] =	vst v63  }
0x24: {  	_ =	swait.ge [sflag:s19], $0x4000  }
0x25: {  	[sflag:s19] =	ssyncset.done $0x0  }
0x26: {  	[sflag:s19] =	ssyncadd.s32 $0xFFFFC000  }
0x27: {  	[spmem:s8] =	stream.linear.scatter [tilespmem:s18], [sflag:$0x5], $0x4000, $0x38;
	[tilespmem:$0x1D100] =	vst v63  }
0x28: {  	_ =	swait.ge [sflag:s19], $0x4000  }
0x29: {  	[sflag:s19] =	ssyncset.done $0x0  }
0x2a: {  	[sflag:s19] =	ssyncadd.s32 $0xFFFFC000  }
0x2b: {  	[spmem:s9] =	stream.linear.scatter [tilespmem:s18], [sflag:$0x5], $0x4000, $0x38;
	[tilespmem:$0x1D100] =	vst v63  }
0x2c: {  	_ =	swait.ge [sflag:s19], $0x4000  }
0x2d: {  	[sflag:s19] =	ssyncset.done $0x0  }
0x2e: {  	[sflag:s19] =	ssyncadd.s32 $0xFFFFC000  }
0x2f: {  	[bflag:$0x0] =	sbarrier.arrive $0xFFFF  }
0x30: {  	[tilespmem:s4], [sflag:$0x1] =	stream.linear.gather [hbm4b:s10+s4], $0x50, $0x38;
	[tilespmem:$0x1D100] =	vst v63  }
0x31: {  	_ = 	snop  }
0x32: {  	[tilespmem:s20], [sflag:$0x1] =	stream.linear.gather [hbm4b:s11+s4], $0x2800, $0x38;
	[tilespmem:$0x1D100] =	vst v63  }
0x33: {  	_ = 	snop  }
0x34: {  	[tilespmem:s21], [sflag:$0x2] =	stream.linear.gather [hbm4b:s14+s4], $0x50, $0x38;
	[tilespmem:$0x1D100] =	vst v63  }
0x35: {  	_ = 	snop  }
0x36: {  	[tilespmem:s22], [sflag:$0x2] =	stream.linear.gather [hbm4b:s15+s4], $0x2800, $0x38;
	[tilespmem:$0x1D100] =	vst v63  }
0x37: {  	_ =	swait.ge [sflag:s25], $0x50  }
0x38: {  	[sflag:s25] =	ssyncset.done $0x0  }
0x39: {  	[sflag:s25] =	ssyncadd.s32 $0xFFFFFFB0  }
0x3a: {  	_ =	swait.ge [sflag:s25], $0x2800  }
0x3b: {  	s30 =	smov.u32 s17;
	[sflag:s25] =	ssyncset.done $0x0  }
0x3c: {  	s31 =	smov.u32 s16;
	s1 =	simm.s32 $0x1;
	[sflag:s25] =	ssyncadd.s32 $0xFFFFD800  }
0x3d: {  	[spmem:s3] =	stream.indirect.scatter.add.f32 [tilespmem:s20], [sflag:$0x3], $0x80, s4, s23, $0xb8;
	[tilespmem:$0x1D100] =	vst v63  }
.LBB2_2:
0x3e: {  	s2 =	sand.u32 $0x1, s1  }
0x3f: {  	p0 =	seq.s32 s2, $0x1  }
0x40: {  	s2 =	simm.s32 @!p0 $0x4  }
0x41: {  	_ =	swait.ge @!p0 [sflag:s2], $0x2800  }
0x42: {  	[sflag:s2] =	ssyncset.done @!p0 $0x0  }
0x43: {  	s0 =	simm.s32 @!p0 $0x2880;
	[sflag:s2] =	ssyncadd.s32 @!p0 $0xFFFFD800;
	s2 =	simm.s32 @!p0 $0x0  }
0x44: {  	[tilespmem:s0], [sflag:$0x2] =	stream.linear.gather @!p0 [hbm4b:s30+s2], $0x50, $0x38;
	[tilespmem:$0x1D100] =	vst v63  }
0x45: {  	s0 =	simm.s32 @!p0 $0x2900  }
0x46: {  	[tilespmem:s0], [sflag:$0x2] =	stream.linear.gather @!p0 [hbm4b:s31+s2], $0x2800, $0x38;
	[tilespmem:$0x1D100] =	vst v63  }
0x47: {  	s0 =	simm.s32 @!p0 $0x1  }
0x48: {  	_ =	swait.ge @!p0 [sflag:s0], $0x50  }
0x49: {  	[sflag:s0] =	ssyncset.done @!p0 $0x0  }
0x4a: {  	[sflag:s0] =	ssyncadd.s32 @!p0 $0xFFFFFFB0  }
0x4b: {  	_ =	swait.ge @!p0 [sflag:s0], $0x2800  }
0x4c: {  	[sflag:s0] =	ssyncset.done @!p0 $0x0  }
0x4d: {  	s6 =	simm.s32 @!p0 $0x80;
	[sflag:s0] =	ssyncadd.s32 @!p0 $0xFFFFD800;
	s0 =	simm.s32 @!p0 $0x50  }
0x4e: {  	[spmem:s3] =	stream.indirect.scatter.add.f32 @!p0 [tilespmem:s6], [sflag:$0x3], $0x80, s2, s0, $0xb8;
	[tilespmem:$0x1D100] =	vst v63  }
0x4f: {  	s0 =	sand.u32 @!p0 $0x1, s1  }
0x50: {  	p1 =	seq.s32 @!p0 s0, $0x0  }
0x51: {  	p0 =	por p0, !p1  }
0x52: {  	_ =	swait.ge @p0 [sflag:s26], $0x2800  }
0x53: {  	[sflag:s26] =	ssyncset.done @p0 $0x0  }
0x54: {  	[sflag:s26] =	ssyncadd.s32 @p0 $0xFFFFD800  }
0x55: {  	[tilespmem:s4], [sflag:$0x1] =	stream.linear.gather @p0 [hbm4b:s30+s4], $0x50, $0x38;
	[tilespmem:$0x1D100] =	vst v63  }
0x56: {  	_ = 	snop  }
0x57: {  	[tilespmem:s20], [sflag:$0x1] =	stream.linear.gather @p0 [hbm4b:s31+s4], $0x2800, $0x38;
	[tilespmem:$0x1D100] =	vst v63  }
0x58: {  	_ =	swait.ge @p0 [sflag:s28], $0x50  }
0x59: {  	[sflag:s28] =	ssyncset.done @p0 $0x0  }
0x5a: {  	[sflag:s28] =	ssyncadd.s32 @p0 $0xFFFFFFB0  }
0x5b: {  	_ =	swait.ge @p0 [sflag:s28], $0x2800  }
0x5c: {  	[sflag:s28] =	ssyncset.done @p0 $0x0  }
0x5d: {  	s1 =	sadd.s32 $0x1, s1;
	[sflag:s28] =	ssyncadd.s32 @p0 $0xFFFFD800  }
0x5e: {  	[spmem:s3] =	stream.indirect.scatter.add.f32 @p0 [tilespmem:s22], [sflag:$0x4], $0x80, s21, s23, $0xb8;
	[tilespmem:$0x1D100] =	vst v63  }
0x5f: {  	p0 =	sne.s32 s1, $0x7C  }
.Ltmp0:
0x60: {  	_ = 	snop;
	(pc) =	sbr.rel @p0 .LBB2_2-.Ltmp0, $2  }
0x61: {  	_ =	sdelay $0x2  }
0x62: {  	s30 =	sadd.s32 $0xA, s30;
	s31 =	sadd.s32 $0x500, s31  }
0x63: {  	_ =	swait.ge [sflag:s24], $0x2800  }
0x64: {  	[sflag:s24] =	ssyncset.done $0x0  }
0x65: {  	[sflag:s24] =	ssyncadd.s32 $0xFFFFD800  }
0x66: {  	_ =	swait.ge [sflag:s25], $0x50  }
0x67: {  	[sflag:s25] =	ssyncset.done $0x0  }
0x68: {  	[sflag:s25] =	ssyncadd.s32 $0xFFFFFFB0  }
0x69: {  	_ =	swait.ge [sflag:s25], $0x2800  }
0x6a: {  	[sflag:s25] =	ssyncset.done $0x0  }
0x6b: {  	[sflag:s25] =	ssyncadd.s32 $0xFFFFD800  }
0x6c: {  	[spmem:s3] =	stream.indirect.scatter.add.f32 [tilespmem:s20], [sflag:$0x3], $0x80, s4, s23, $0xb8;
	[tilespmem:$0x1D100] =	vst v63  }
0x6d: {  	s0 =	stileid.u32;
	_ =	swait.ge [sflag:s26], $0x2800  }
0x6e: {  	s1 =	sshrl.u32 s5, $0x3;
	s29 =	sadd.s32 $0x1, s29;
	[sflag:s26] =	ssyncset.done $0x0  }
0x6f: {  	s0 =	sshll.u32 s0, $0x6;
	p0 =	sne.s32 s29, s13;
	[sflag:s26] =	ssyncadd.s32 $0xFFFFD800  }
.Ltmp1:
0x70: {  	s0 =	sor.u32 $0x1C05, s0;
	[bflag:$0x0] =	sbarrier.arrive $0xFFFF;
	(pc) =	sbr.rel @p0 .LBB2_1-.Ltmp1, $4  }
0x71: {  	[hbm:s12], [sflag:s0] =	dma.local [spmem:s1], $0x2800  }
0x72: {  	_ =	swait.ge [sflag:s19], $0x2800  }
0x73: {  	[sflag:s19] =	ssyncset.done $0x0  }
0x74: {  	[sflag:s19] =	ssyncadd.s32 $0xFFFFD800  }
0x75: {  	_ =	sfence.sel $0x180000  }
0x76: {  	[bflag:$0x0] =	sbarrier.arrive $0xFFFF  }
0x77: {  	_ =	strace $0x9000004D  }
0x78: {  	s0 =	stileid.u32;
	[bflag:$0x2] =	sbarrier.arrive $0xFFFF  }
0x79: {  	p0 =	sne.s32 s0, $0x0;
	s0 =	rddreg [dreg:$0x3]  }
0x7a: {  	s0 =	sadd.s32 @!p0 $0x100000, s0  }
0x7b: {  	[sflag:s0] =	ssyncadd.tile.s32 @!p0 $0x1;
	_ =	shalt  }
.Lfunc_end2:
_tile_overlayer_lowered:
.L_overlay_start_2:
0x7c: {  	(tag) =	ssettag $0x2  }
0x7d: {  	s0 =	rddreg [dreg:$0x0];
	s2 =	stileid.u32  }
0x7e: {  	s1 =	rddreg [dreg:$0x1];
	p0 =	sne.s32 s2, $0x0  }
0x7f: {  	s3 =	rddreg [dreg:$0x2];
	[bflag:$0x3] =	sbarrier.arrive $0xFFFF;
	s2 =	simm.s32 @!p0 $0x1C05  }
0x80: {  	[timem:s3], [sflag:s2] =	dma.local @!p0 [hbm:s0], s1  }
0x81: {  	s0 =	simm.s32 @!p0 $0x5  }
0x82: {  	_ =	swait.ge @!p0 [sflag:s0], s1  }
0x83: {  	s1 =	ssub.s32 @!p0 $0x0, s1;
	[sflag:s0] =	ssyncset.done @!p0 $0x0  }
0x84: {  	[sflag:s0] =	ssyncadd.s32 @!p0 s1  }
0x85: {  	[bflag:$0x3] =	sbarrier.arrive $0xFFFF  }
0x86: {  	_ =	shalt  }

// kernel: kernel.8.cloned.1.call-start
scs
__scs_entry_jumppad:
0x0: {  	(pc) =	sbr.rel $0x88, $3  }
0x1: {  	(tag) =	ssettag $0x0;
	lr =	simm.s32 $0x1  }
0x2: {  	[smem:$0x3F88] =	sst lr;
	_ =	strace $0xD0000000  }
0x3: {  	_ = 	snop  }
0x4: {  	_ = 	snop  }
0x5: {  	_ = 	snop  }
0x6: {  	_ = 	snop  }
0x7: {  	_ = 	snop  }
__scs_overlays_trampoline_lowered:
0x8: {  	[smem:$0x3F97] =	sst s0  }
0x9: {  	[smem:$0x3F98] =	sst s1  }
0xa: {  	[smem:$0x3F99] =	sst s2  }
0xb: {  	[smem:$0x3F9A] =	sst s3  }
0xc: {  	[smem:$0x3F9B] =	sst s4  }
0xd: {  	[smem:$0x3F9C] =	sst s5  }
0xe: {  	[smem:$0x3F9D] =	sst s6  }
0xf: {  	[smem:$0x3F9E] =	sst s7  }
0x10: {  	[smem:$0x3F9F] =	sst s8  }
0x11: {  	[smem:$0x3FA0] =	sst s9;
	s0 =	simm.s32 @!p0 $0x0  }
0x12: {  	s1 =	sld [smem:$0x3F86];
	s0 =	simm.s32 @p0 $0x1  }
0x13: {  	[smem:$0x3FA1] =	sst s0;
	s0 =	simm.s32 @!p1 $0x0  }
0x14: {  	s2 =	sld [smem:$0x3F85];
	s0 =	simm.s32 @p1 $0x1  }
0x15: {  	[smem:$0x3FA2] =	sst s0;
	s0 =	simm.s32 @!p2 $0x0  }
0x16: {  	s3 =	sld [smem:$0x3FDB];
	s0 =	simm.s32 @p2 $0x1  }
0x17: {  	s4 =	simm.s32 $0x1BF5;
	[smem:$0x3FA4] =	sst s0  }
0x18: {  	s0 =	sld [smem:$0x3F87];
	_ =	swait.ge [sflag:s4], $0x0  }
0x19: {  	s7 =	sld [smem:$0x3F88]  }
0x1a: {  	s8 =	sadd.s32 $0xFFFFE003, lr  }
0x1b: {  	s9 =	sadd.s32 $0xFFFFFEF7, lr;
	s5 =	simm.s32 $0xFFFFFFFF;
	p2 =	slt.u32 s8, $0xFFFFF086  }
0x1c: {  	p1 =	slt.u32 s9, $0xF7A;
	s5 =	simm.s32 @!p2 $0x0  }
0x1d: {  	s5 =	simm.s32 @p1 $0x1;
	p0 =	seq.s32 s7, s2  }
0x1e: {  	s7 =	smul.u32 @!p0 $0xF7A, s2;
	p2 =	seq.s32 @!p0 s5, $0x0  }
0x1f: {  	s9 =	smul.u32 $0xF7A, s1;
	s8 =	simm.s32 @!p0 $0x1BF5;
	p2 =	por !p2, p0  }
0x20: {  	[sflag:s8] =	ssyncset.s32 @!p0 $0xFFFFF086;
	s6 =	sadd.s32 @!p0 s3, s7;
	s7 =	simm.s32 @!p0 $0x108  }
0x21: {  	s3 =	sadd.s32 s3, s9;
	s6 =	sadd.s32 @!p0 $0x88, s6;
	s7 =	simm.s32 @p2 $0x1082  }
0x22: {  	[simem:s7], [sflag:s8] =	dma.local @!p0 [hbm:s6], $0xF7A  }
0x23: {  	s9 =	sor.u32 $0xD0000000, s2;
	s6 =	simm.s32 $0x108;
	_ =	swait.ge @!p0 [sflag:s8], $0x0  }
0x24: {  	s3 =	sadd.s32 $0x88, s3;
	s6 =	simm.s32 @!p1 $0x1082;
	[sflag:s4] =	ssyncset.s32 $0xFFFFF086  }
0x25: {  	[simem:s6], [sflag:s4] =	dma.local [hbm:s3], $0xF7A  }
0x26: {  	[smem:$0x3F88] =	sst s1;
	(tag) =	ssettag s2;
	_ =	strace s9  }
0x27: {  	s1 =	sld [smem:$0x3F98]  }
0x28: {  	s2 =	sld [smem:$0x3F99]  }
0x29: {  	s4 =	sld [smem:$0x3F9B]  }
0x2a: {  	p0 =	seq.s32 s5, $0x0;
	s5 =	sld [smem:$0x3F9C]  }
0x2b: {  	s6 =	sld [smem:$0x3F9D]  }
0x2c: {  	s7 =	sld [smem:$0x3F9E]  }
0x2d: {  	s3 =	simm.s32 $0x108;
	s8 =	sld [smem:$0x3F9F]  }
0x2e: {  	s3 =	simm.s32 @!p0 $0x1082;
	s9 =	sld [smem:$0x3FA0]  }
0x2f: {  	lr =	sadd.s32 s0, s3;
	s0 =	sld [smem:$0x3F97]  }
0x30: {  	s3 =	sld [smem:$0x3F9A]  }
0x31: {  	[smem:$0x3FA3] =	sst s10  }
0x32: {  	s10 =	sld [smem:$0x3FA1];
	_ =	sdelay $0x3  }
0x33: {  	p0 =	seq.s32 s10, $0x1;
	s10 =	sld [smem:$0x3FA3];
	_ =	sdelay $0x3  }
0x34: {  	[smem:$0x3FA3] =	sst s10  }
0x35: {  	s10 =	sld [smem:$0x3FA2];
	_ =	sdelay $0x3  }
0x36: {  	p1 =	seq.s32 s10, $0x1;
	s10 =	sld [smem:$0x3FA3];
	_ =	sdelay $0x3  }
0x37: {  	[smem:$0x3FA3] =	sst s10  }
0x38: {  	s10 =	sld [smem:$0x3FA4]  }
0x39: {  	_ = 	snop;
	(pc) =	sbr.ind lr, $3  }
0x3a: {  	_ = 	snop  }
0x3b: {  	_ = 	snop  }
0x3c: {  	p2 =	seq.s32 s10, $0x1;
	s10 =	sld [smem:$0x3FA3]  }
0x3d: {  	_ =	shalt  }
0x3e: {  	_ =	shalt  }
0x3f: {  	_ =	shalt  }
0x40: {  	_ =	shalt  }
0x41: {  	_ =	shalt  }
0x42: {  	_ =	shalt  }
0x43: {  	_ =	shalt  }
0x44: {  	_ =	shalt  }
0x45: {  	_ =	shalt  }
0x46: {  	_ =	shalt  }
0x47: {  	_ =	shalt  }
0x48: {  	_ =	shalt  }
0x49: {  	_ =	shalt  }
0x4a: {  	_ =	shalt  }
0x4b: {  	_ =	shalt  }
0x4c: {  	_ =	shalt  }
0x4d: {  	_ =	shalt  }
0x4e: {  	_ =	shalt  }
0x4f: {  	_ =	shalt  }
0x50: {  	_ =	shalt  }
0x51: {  	_ =	shalt  }
0x52: {  	_ =	shalt  }
0x53: {  	_ =	shalt  }
0x54: {  	_ =	shalt  }
0x55: {  	_ =	shalt  }
0x56: {  	_ =	shalt  }
0x57: {  	_ =	shalt  }
0x58: {  	_ =	shalt  }
0x59: {  	_ =	shalt  }
0x5a: {  	_ =	shalt  }
0x5b: {  	_ =	shalt  }
0x5c: {  	_ =	shalt  }
0x5d: {  	_ =	shalt  }
0x5e: {  	_ =	shalt  }
0x5f: {  	_ =	shalt  }
0x60: {  	_ =	shalt  }
0x61: {  	_ =	shalt  }
0x62: {  	_ =	shalt  }
0x63: {  	_ =	shalt  }
0x64: {  	_ =	shalt  }
0x65: {  	_ =	shalt  }
0x66: {  	_ =	shalt  }
0x67: {  	_ =	shalt  }
0x68: {  	_ =	shalt  }
0x69: {  	_ =	shalt  }
0x6a: {  	_ =	shalt  }
0x6b: {  	_ =	shalt  }
0x6c: {  	_ =	shalt  }
0x6d: {  	_ =	shalt  }
0x6e: {  	_ =	shalt  }
0x6f: {  	_ =	shalt  }
0x70: {  	_ =	shalt  }
0x71: {  	_ =	shalt  }
0x72: {  	_ =	shalt  }
0x73: {  	_ =	shalt  }
0x74: {  	_ =	shalt  }
0x75: {  	_ =	shalt  }
0x76: {  	_ =	shalt  }
0x77: {  	_ =	shalt  }
0x78: {  	_ =	shalt  }
0x79: {  	_ =	shalt  }
0x7a: {  	_ =	shalt  }
0x7b: {  	_ =	shalt  }
0x7c: {  	_ =	shalt  }
0x7d: {  	_ =	shalt  }
0x7e: {  	_ =	shalt  }
0x7f: {  	_ =	shalt  }
0x80: {  	_ =	shalt  }
0x81: {  	_ =	shalt  }
0x82: {  	_ =	shalt  }
0x83: {  	_ =	shalt  }
0x84: {  	_ =	shalt  }
0x85: {  	_ =	shalt  }
0x86: {  	_ =	shalt  }
0x87: {  	_ =	shalt  }
.Lfunc_end0:
.L_simem_size_0:
called_computation_lowered:
.L_overlay_start_0:
0x88: {  	s2 =	sld [smem:$0x3FD9]  }
0x89: {  	s3 =	sld [smem:$0x3FFE];
	_ =	sdelay $0x1  }
0x8a: {  	s1 =	srdreg.scid  }
0x8b: {  	s0 =	sand.u32 $0x1, s1  }
0x8c: {  	s14 =	sshll.u32 s0, $0xA;
	s2 =	sadd.s32 s3, s2  }
0x8d: {  	s2 =	sadd.s32 s2, s14  }
0x8e: {  	[smem:$0x3FAF] =	sst s2  }
0x8f: {  	_ = 	snop  }
0x90: {  	s2 =	sld [smem:$0x3FD0];
	_ =	sdelay $0x2  }
0x91: {  	s15 =	simm.s32 $0xB;
	s4 =	simm.s32 $0x10  }
0x92: {  	[smem:s4], [sflag:s15] =	dma.local [hbm:s2], $0x1  }
0x93: {  	_ =	swait.eq [sflag:s15], $0x1  }
0x94: {  	[sflag:s15] =	ssyncset.done $0x0  }
0x95: {  	s16 =	sld [smem:$0x10];
	[sflag:s15] =	ssyncadd.s32 $0xFFFFFFFF  }
0x96: {  	s17 =	sld [smem:$0x11];
	(tm) =	ssettm $0x1  }
0x97: {  	s18 =	sld [smem:$0x3FFB];
	_ =	sdelay $0x3  }
0x98: {  	_ =	strace s18  }
0x99: {  	s4 =	sld [smem:$0x3FFC];
	_ =	sdelay $0x3  }
0x9a: {  	_ =	strace s4  }
0x9b: {  	s4 =	sld [smem:$0x3FFD];
	_ =	sdelay $0x3  }
0x9c: {  	_ =	strace s4  }
0x9d: {  	_ =	strace $0x8FFFFFFF  }
0x9e: {  	s19 =	sld [smem:$0x3FDB];
	_ =	sdelay $0x1  }
0x9f: {  	s5 =	simm.s32 $_scs_section_size  }
0xa0: {  	s6 =	simm.s32 $_size__tile_overlayer_lowered;
	s7 =	simm.s32 $_tile_overlayer_lowered  }
0xa1: {  	s22 =	simm.s32 $0x1BFF;
	s21 =	sshll.u32 s7, $0x1;
	s4 =	sadd.s32 s5, s19  }
0xa2: {  	s8 =	simm.s32 $0x0;
	s20 =	sshll.u32 s6, $0x1;
	s6 =	sadd.s32 s21, s4  }
0xa3: {  	[timem:s8], [sflag:s22] =	dma.local [hbm:s6], s20  }
0xa4: {  	_ =	swait.ge [sflag:s22], s20  }
0xa5: {  	s5 =	ssub.s32 $0x0, s20;
	[sflag:s22] =	ssyncset.done $0x0  }
0xa6: {  	[sflag:s22] =	ssyncadd.s32 s5;
	_ =	sdelay $0x1  }
0xa7: {  	s23 =	simm.s32 $0x1B8B  }
0xa8: {  	_ =	swait.ge [sflag:s23], $0x1  }
0xa9: {  	[sflag:s23] =	ssyncset.done $0x0  }
0xaa: {  	s25 =	simm.s32 $0x1B8E;
	s24 =	sld [smem:$0x3FFE];
	[sflag:s23] =	ssyncadd.s32 $0xFFFFFFFF  }
0xab: {  	s26 =	simm.s32 $execute0_lowered;
	[smem:$0x3FD2] =	sst s25  }
0xac: {  	s6 =	sshll.u32 s26, $0x1;
	_ =	strace $0x80000046;
	[dreg:$0x1] =	wrdreg $0xFFFFFFFF  }
0xad: {  	s28 =	simm.s32 $_size_execute0_lowered;
	s4 =	sadd.s32 s4, s6;
	[dreg:$0x0] =	wrdreg $0x0  }
0xae: {  	s6 =	sshll.u32 s28, $0x1;
	[dreg:$0x2] =	wrdreg s4  }
0xaf: {  	[dreg:$0x3] =	wrdreg s6  }
0xb0: {  	[dreg:$0x4] =	wrdreg $0xC0  }
0xb1: {  	_ =	task [dreg:s8], $0x5FFFF  }
0xb2: {  	[dreg:$0x1] =	wrdreg $0xFFFFFFFF  }
0xb3: {  	[dreg:$0x0] =	wrdreg $0x60  }
0xb4: {  	[dreg:$0x2] =	wrdreg s17  }
0xb5: {  	[dreg:$0x3] =	wrdreg s16  }
0xb6: {  	[dreg:$0x4] =	wrdreg s24  }
0xb7: {  	[dreg:$0x5] =	wrdreg $0x9  }
0xb8: {  	_ =	task.clear_ibuf [dreg:s8], $0x6FFFF;
	_ =	strace $0x90000046  }
0xb9: {  	s29 =	simm.s32 $0x9;
	_ =	strace $0x80000048  }
0xba: {  	_ =	swait.ge [sflag:s29], $0x1  }
0xbb: {  	[sflag:s29] =	ssyncadd.s32 $0xFFFFFFFF  }
0xbc: {  	_ =	strace $0x90000048  }
0xbd: {  	_ =	sfence  }
0xbe: {  	s30 =	sld [smem:$0x0];
	_ =	sdelay $0x2  }
0xbf: {  	s31 =	sshll.u32 s1, $0xD;
	s1 =	sshrl.u32 s1, $0x2  }
0xc0: {  	s3 =	sand.u32 $0x4000, s31;
	s1 =	sadd.s32 s1, s30  }
0xc1: {  	s0 =	sor.u32 s3, s0;
	s1 =	sshll.u32 s1, $0x11  }
0xc2: {  	s0 =	sor.u32 s1, s0  }
0xc3: {  	s0 =	sadd.s32 $0x8F2B, s0  }
0xc4: {  	[sflag:s0] =	ssyncadd.remote.s32 $0x1  }
0xc5: {  	_ =	sfence.sel $0xFFFF  }
0xc6: {  	[dreg:$0x0] =	wrdreg $0xFFFFFFFF;
	(pc) =	sbr.abs _section_cstart, $3  }
0xc7: {  	[dreg:$0x1] =	wrdreg $0xFFFFFFFF  }
0xc8: {  	_ =	task.clear_ibuf [dreg:s8], $0x2FFFF;
	_ =	strace $0x9FFFFFFF  }
0xc9: {  	(tm) =	ssettm $0x7FFFFFFF  }
tec
execute0_lowered:
.L_overlay_start_1:
0x0: {  	(tag) =	ssettag $0x1  }
0x1: {  	s1 =	rddreg [dreg:$0x0]  }
0x2: {  	s0 =	srdreg.scid;
	s3 =	rddreg [dreg:$0x1]  }
0x3: {  	s2 =	stileid.u32;
	s6 =	rddreg [dreg:$0x2]  }
0x4: {  	s5 =	simm.s32 $0x0;
	s12 =	simm.s32 $0x4F00;
	s16 =	simm.s32 $0x6F00  }
0x5: {  	s17 =	simm.s32 $0x7700;
	s18 =	simm.s32 $0x7F00;
	s19 =	simm.s32 $0x8700  }
0x6: {  	s20 =	simm.s32 $0x8F00;
	s21 =	simm.s32 $0x9700;
	s22 =	simm.s32 $0x50  }
0x7: {  	s23 =	simm.s32 $0x9F00;
	s0 =	sand.u32 $0x1, s0;
	s2 =	sshll.u32 s2, $0x1  }
0x8: {  	s24 =	simm.s32 $0x3;
	s25 =	simm.s32 $0x4;
	s2 =	sor.u32 s0, s2  }
0x9: {  	s26 =	simm.s32 $0x5;
	s0 =	ssub.s32 $0x2, s0;
	s4 =	smul.u32 $0x2710, s2  }
0xa: {  	s28 =	simm.s32 $0xC700;
	s29 =	simm.s32 $0x1;
	s7 =	sshrl.u32 s0, $0x1  }
.Ltmp0:
0xb: {  	s0 =	ssub.s32 s0, s7;
	s2 =	sshrl.u32 s4, $0x3;
	(pc) =	sbr.rel .LBB2_1-.Ltmp0, $4  }
0xc: {  	[smem:$0x7FF] =	sst s5;
	s0 =	smax.u32 s0, $0x1;
	s2 =	sadd.s32 s2, s6  }
0xd: {  	v2 =	vlaneseq.u32;
	_ =	strace $0x80000047;
	[dreg:$0x6] =	wrdreg s0;
	s31 =	sadd.s32 $0xE600, s2  }
0xe: {  	s30 =	simm.s32 $0x2;
	vm0 =	vmmov $0xffff;
	v1 =	vshrl.u32 v2, $0x3;
	s2 =	sadd.s32 $0x4800, s2;
	[dreg:$0x4] =	wrdreg s31  }
0xf: {  	v0 =	vand.u32 $0x7, v2;
	v2 =	vor.u32 $0x8, v2;
	v1 =	vmul.u32 $0x8, v1;
	s6 =	sadd.s32 $0x18400, s6;
	s0 =	simm.s32 $0x0;
	[dreg:$0x5] =	wrdreg s2  }
.LBB2_14:
0x10: {  	_ =	swait.ge [sflag:s24], $0x5000  }
0x11: {  	s0 =	sadd.s32 $0x1, s0;
	s2 =	rddreg [dreg:$0x6]  }
0x12: {  	p0 =	sne.s32 s0, s2  }
.Ltmp1:
0x13: {  	_ = 	snop;
	(pc) =	sbr.rel @!p0 .LBB2_15-.Ltmp1, $3  }
0x14: {  	_ =	sdelay $0x1  }
0x15: {  	[sflag:s24] =	ssyncset.done $0x0  }
0x16: {  	[sflag:s24] =	ssyncadd.s32 $0xFFFFB000  }
.LBB2_1:
0x17: {  	s2 =	rddreg [dreg:$0x4];
	s7 =	simm.s32 $0x7  }
0x18: {  	[tilespmem:s5], [sflag:$0x7] =	stream.linear.gather [hbm4b:s2+s5], $0x2710, $0x38;
	[tilespmem:$0x13F00] =	vst v63  }
0x19: {  	_ =	swait.ge [sflag:s7], $0x2710  }
0x1a: {  	[sflag:s7] =	ssyncset.done $0x0  }
0x1b: {  	s8 =	simm.s32 $0x2780;
	s13 =	rddreg [dreg:$0x5];
	[sflag:s7] =	ssyncadd.s32 $0xFFFFD8F0  }
0x1c: {  	[tilespmem:s8], [sflag:$0x7] =	stream.linear.gather [hbm4b:s13+s5], $0x2710, $0x38;
	[tilespmem:$0x13F00] =	vst v63  }
0x1d: {  	_ =	swait.ge [sflag:s7], $0x2710  }
0x1e: {  	[sflag:s7] =	ssyncset.done $0x0  }
0x1f: {  	[sflag:s7] =	ssyncadd.s32 $0xFFFFD8F0  }
0x20: {  	v3 =	vld [tilespmem:$0x0];
	_ =	sdelay $0x4  }
0x21: {  	v4 =	vshll.u32 v3, $0x1  }
0x22: {  	v3 =	vand.u32 $0x7, v3;
	v4 =	vand.u32 $0xFFFFFFF0, v4  }
0x23: {  	v3 =	vor.u32 v3, v4  }
0x24: {  	v4 =	vperm.xlane v3, v0;
	_ =	sdelay $0x1  }
0x25: {  	v3 =	vperm.xlane v3, v2;
	v4 =	vadd.s32 v1, v4;
	_ =	sdelay $0x1  }
0x26: {  	v3 =	vadd.s32 v1, v3;
	_ =	sdelay $0x2  }
0x27: {  	[tilespmem:s12], [sflag:$0x1] =	stream.indirect_vreg.gather [hbm4b:s1+s5], $0x80, v4, vm0, $0xb8;
	[tilespmem:$0x13F00] =	vst v63  }
0x28: {  	s14 =	simm.s32 $0x5700  }
0x29: {  	[tilespmem:s14], [sflag:$0x1] =	stream.indirect_vreg.gather [hbm4b:s1+s5], $0x80, v3, vm0, $0xb8;
	[tilespmem:$0x13F00] =	vst v63  }
0x2a: {  	v3 =	vld [tilespmem:$0x10];
	_ =	sdelay $0x4  }
0x2b: {  	v60 =	vshll.u32 v3, $0x1  }
0x2c: {  	v3 =	vand.u32 $0x7, v3;
	v4 =	vand.u32 $0xFFFFFFF0, v60  }
0x2d: {  	v3 =	vor.u32 v3, v4  }
0x2e: {  	v4 =	vperm.xlane v3, v0;
	_ =	sdelay $0x1  }
0x2f: {  	v3 =	vperm.xlane v3, v2;
	v4 =	vadd.s32 v1, v4;
	_ =	sdelay $0x1  }
0x30: {  	v3 =	vadd.s32 v1, v3;
	_ =	sdelay $0x1  }
0x31: {  	s15 =	simm.s32 $0x5F00  }
0x32: {  	[tilespmem:s15], [sflag:$0x1] =	stream.indirect_vreg.gather [hbm4b:s1+s5], $0x80, v4, vm0, $0xb8;
	[tilespmem:$0x13F00] =	vst v63  }
0x33: {  	s31 =	simm.s32 $0x6700  }
0x34: {  	[tilespmem:s31], [sflag:$0x1] =	stream.indirect_vreg.gather [hbm4b:s1+s5], $0x80, v3, vm0, $0xb8;
	[tilespmem:$0x13F00] =	vst v63  }
0x35: {  	v3 =	vld [tilespmem:$0x20];
	_ =	sdelay $0x4  }
0x36: {  	v61 =	vshll.u32 v3, $0x1  }
0x37: {  	v3 =	vand.u32 $0x7, v3;
	v4 =	vand.u32 $0xFFFFFFF0, v61  }
0x38: {  	v3 =	vor.u32 v3, v4  }
0x39: {  	v4 =	vperm.xlane v3, v0;
	_ =	sdelay $0x1  }
0x3a: {  	v3 =	vperm.xlane v3, v2;
	v4 =	vadd.s32 v1, v4;
	_ =	sdelay $0x1  }
0x3b: {  	v3 =	vadd.s32 v1, v3;
	_ =	sdelay $0x2  }
0x3c: {  	[tilespmem:s16], [sflag:$0x1] =	stream.indirect_vreg.gather [hbm4b:s1+s5], $0x80, v4, vm0, $0xb8;
	[tilespmem:$0x13F00] =	vst v63  }
0x3d: {  	_ = 	snop  }
0x3e: {  	[tilespmem:s17], [sflag:$0x1] =	stream.indirect_vreg.gather [hbm4b:s1+s5], $0x80, v3, vm0, $0xb8;
	[tilespmem:$0x13F00] =	vst v63  }
0x3f: {  	v3 =	vld [tilespmem:$0x30];
	_ =	sdelay $0x4  }
0x40: {  	v62 =	vshll.u32 v3, $0x1  }
0x41: {  	v3 =	vand.u32 $0x7, v3;
	v4 =	vand.u32 $0xFFFFFFF0, v62  }
0x42: {  	v3 =	vor.u32 v3, v4  }
0x43: {  	v4 =	vperm.xlane v3, v0;
	_ =	sdelay $0x1  }
0x44: {  	v3 =	vperm.xlane v3, v2;
	v4 =	vadd.s32 v1, v4;
	_ =	sdelay $0x1  }
0x45: {  	v3 =	vadd.s32 v1, v3;
	_ =	sdelay $0x2  }
0x46: {  	[tilespmem:s18], [sflag:$0x1] =	stream.indirect_vreg.gather [hbm4b:s1+s5], $0x80, v4, vm0, $0xb8;
	[tilespmem:$0x13F00] =	vst v63  }
0x47: {  	_ = 	snop  }
0x48: {  	[tilespmem:s19], [sflag:$0x1] =	stream.indirect_vreg.gather [hbm4b:s1+s5], $0x80, v3, vm0, $0xb8;
	[tilespmem:$0x13F00] =	vst v63  }
0x49: {  	v3 =	vld [tilespmem:$0x40];
	_ =	sdelay $0x4  }
0x4a: {  	v63 =	vshll.u32 v3, $0x1  }
0x4b: {  	v3 =	vand.u32 $0x7, v3;
	v4 =	vand.u32 $0xFFFFFFF0, v63  }
0x4c: {  	v3 =	vor.u32 v3, v4  }
0x4d: {  	v4 =	vperm.xlane v3, v0;
	_ =	sdelay $0x1  }
0x4e: {  	v4 =	vadd.s32 v1, v4  }
0x4f: {  	v3 =	vperm.xlane v3, v2;
	_ =	sdelay $0x1  }
0x50: {  	v3 =	vadd.s32 v1, v3;
	_ =	sdelay $0x1  }
0x51: {  	[tilespmem:s20], [sflag:$0x1] =	stream.indirect_vreg.gather [hbm4b:s1+s5], $0x80, v4, vm0, $0xb8;
	[tilespmem:$0x13F00] =	vst v63  }
.Ltmp2:
0x52: {  	_ = 	snop;
	(pc) =	sbr.rel .LBB2_2-.Ltmp2, $4  }
0x53: {  	_ = 	snop  }
0x54: {  	[tilespmem:s21], [sflag:$0x1] =	stream.indirect_vreg.gather [hbm4b:s1+s5], $0x80, v3, vm0, $0xb8;
	[tilespmem:$0x13F00] =	vst v63  }
0x55: {  	s11 =	simm.s32 $0x0  }
0x56: {  	[tilespmem:s23], [sflag:$0x2] =	stream.indirect.gather [hbm4b:s3+s22], $0x80, s8, s22, $0xb8;
	[tilespmem:$0x13F00] =	vst v63  }
.LBB2_13:
0x57: {  	s11 =	sadd.s32 $0x1, s11  }
0x58: {  	p0 =	sne.s32 s11, $0x7D  }
.Ltmp3:
0x59: {  	_ = 	snop;
	(pc) =	sbr.rel @!p0 .LBB2_14-.Ltmp3, $1  }
0x5a: {  	_ =	sdelay $0x3  }
.LBB2_2:
0x5b: {  	s7 =	sand.u32 $0x1, s11  }
0x5c: {  	p0 =	seq.s32 s7, $0x1  }
.Ltmp4:
0x5d: {  	_ = 	snop;
	(pc) =	sbr.rel @p0 .LBB2_8-.Ltmp4, $1  }
0x5e: {  	_ =	sdelay $0x3  }
0x5f: {  	p0 =	seq.s32 s11, $0x0  }
0x60: {  	p1 =	seq.s32 @!p0 s11, $0x7C  }
0x61: {  	p1 =	por p0, !p1  }
.Ltmp5:
0x62: {  	_ = 	snop;
	(pc) =	sbr.rel @!p1 .LBB2_5-.Ltmp5, $4  }
0x63: {  	s2 =	simm.s32 @!p0 $0x6  }
0x64: {  	_ =	swait.ge @!p0 [sflag:s2], $0x5000  }
0x65: {  	[sflag:s2] =	ssyncset.done @!p0 $0x0  }
0x66: {  	[sflag:s2] =	ssyncadd.s32 @!p0 $0xFFFFB000  }
0x67: {  	s2 =	smul.u32 $0x50, s11;
	_ =	sdelay $0x1  }
0x68: {  	v3 =	vld [tilespmem:s2+$0x50];
	_ =	sdelay $0x4  }
0x69: {  	v4 =	vshll.u32 v3, $0x1  }
0x6a: {  	v3 =	vand.u32 $0x7, v3;
	v4 =	vand.u32 $0xFFFFFFF0, v4  }
0x6b: {  	v3 =	vor.u32 v3, v4  }
0x6c: {  	v4 =	vperm.xlane v3, v0;
	_ =	sdelay $0x1  }
0x6d: {  	v3 =	vperm.xlane v3, v2;
	v4 =	vadd.s32 v1, v4;
	_ =	sdelay $0x1  }
0x6e: {  	v3 =	vadd.s32 v1, v3;
	_ =	sdelay $0x2  }
0x6f: {  	[tilespmem:s28], [sflag:$0x4] =	stream.indirect_vreg.gather [hbm4b:s1+s5], $0x80, v4, vm0, $0xb8;
	[tilespmem:$0x13F00] =	vst v63  }
0x70: {  	s8 =	simm.s32 $0xCF00  }
0x71: {  	[tilespmem:s8], [sflag:$0x4] =	stream.indirect_vreg.gather [hbm4b:s1+s5], $0x80, v3, vm0, $0xb8;
	[tilespmem:$0x13F00] =	vst v63  }
0x72: {  	v3 =	vld [tilespmem:s2+$0x60];
	_ =	sdelay $0x4  }
0x73: {  	v60 =	vshll.u32 v3, $0x1  }
0x74: {  	v3 =	vand.u32 $0x7, v3;
	v4 =	vand.u32 $0xFFFFFFF0, v60  }
0x75: {  	v3 =	vor.u32 v3, v4  }
0x76: {  	v4 =	vperm.xlane v3, v0;
	_ =	sdelay $0x1  }
0x77: {  	v3 =	vperm.xlane v3, v2;
	v4 =	vadd.s32 v1, v4;
	_ =	sdelay $0x1  }
0x78: {  	v3 =	vadd.s32 v1, v3;
	_ =	sdelay $0x1  }
0x79: {  	s14 =	simm.s32 $0xD700  }
0x7a: {  	[tilespmem:s14], [sflag:$0x4] =	stream.indirect_vreg.gather [hbm4b:s1+s5], $0x80, v4, vm0, $0xb8;
	[tilespmem:$0x13F00] =	vst v63  }
0x7b: {  	s15 =	simm.s32 $0xDF00  }
0x7c: {  	[tilespmem:s15], [sflag:$0x4] =	stream.indirect_vreg.gather [hbm4b:s1+s5], $0x80, v3, vm0, $0xb8;
	[tilespmem:$0x13F00] =	vst v63  }
0x7d: {  	v3 =	vld [tilespmem:s2+$0x70];
	_ =	sdelay $0x4  }
0x7e: {  	v61 =	vshll.u32 v3, $0x1  }
0x7f: {  	v3 =	vand.u32 $0x7, v3;
	v4 =	vand.u32 $0xFFFFFFF0, v61  }
0x80: {  	v3 =	vor.u32 v3, v4  }
0x81: {  	v4 =	vperm.xlane v3, v0;
	_ =	sdelay $0x1  }
0x82: {  	v3 =	vperm.xlane v3, v2;
	v4 =	vadd.s32 v1, v4;
	_ =	sdelay $0x1  }
0x83: {  	v3 =	vadd.s32 v1, v3;
	_ =	sdelay $0x1  }
0x84: {  	s31 =	simm.s32 $0xE700  }
0x85: {  	[tilespmem:s31], [sflag:$0x4] =	stream.indirect_vreg.gather [hbm4b:s1+s5], $0x80, v4, vm0, $0xb8;
	[tilespmem:$0x13F00] =	vst v63  }
0x86: {  	s9 =	simm.s32 $0xEF00  }
0x87: {  	[tilespmem:s9], [sflag:$0x4] =	stream.indirect_vreg.gather [hbm4b:s1+s5], $0x80, v3, vm0, $0xb8;
	[tilespmem:$0x13F00] =	vst v63  }
0x88: {  	v3 =	vld [tilespmem:s2+$0x80];
	_ =	sdelay $0x4  }
0x89: {  	v62 =	vshll.u32 v3, $0x1  }
0x8a: {  	v3 =	vand.u32 $0x7, v3;
	v4 =	vand.u32 $0xFFFFFFF0, v62  }
0x8b: {  	v3 =	vor.u32 v3, v4  }
0x8c: {  	v4 =	vperm.xlane v3, v0;
	_ =	sdelay $0x1  }
0x8d: {  	v3 =	vperm.xlane v3, v2;
	v4 =	vadd.s32 v1, v4;
	_ =	sdelay $0x1  }
0x8e: {  	v3 =	vadd.s32 v1, v3;
	_ =	sdelay $0x1  }
0x8f: {  	s10 =	simm.s32 $0xF700  }
0x90: {  	[tilespmem:s10], [sflag:$0x4] =	stream.indirect_vreg.gather [hbm4b:s1+s5], $0x80, v4, vm0, $0xb8;
	[tilespmem:$0x13F00] =	vst v63  }
0x91: {  	s13 =	simm.s32 $0xFF00  }
0x92: {  	[tilespmem:s13], [sflag:$0x4] =	stream.indirect_vreg.gather [hbm4b:s1+s5], $0x80, v3, vm0, $0xb8;
	[tilespmem:$0x13F00] =	vst v63  }
0x93: {  	v3 =	vld [tilespmem:s2+$0x90];
	_ =	sdelay $0x4  }
0x94: {  	v63 =	vshll.u32 v3, $0x1  }
0x95: {  	v3 =	vand.u32 $0x7, v3;
	v4 =	vand.u32 $0xFFFFFFF0, v63  }
0x96: {  	v3 =	vor.u32 v3, v4  }
0x97: {  	v4 =	vperm.xlane v3, v0;
	_ =	sdelay $0x1  }
0x98: {  	v3 =	vperm.xlane v3, v2;
	v4 =	vadd.s32 v1, v4;
	_ =	sdelay $0x1  }
0x99: {  	v3 =	vadd.s32 v1, v3;
	_ =	sdelay $0x1  }
0x9a: {  	s14 =	simm.s32 $0x10700  }
0x9b: {  	[tilespmem:s14], [sflag:$0x4] =	stream.indirect_vreg.gather [hbm4b:s1+s5], $0x80, v4, vm0, $0xb8;
	[tilespmem:$0x13F00] =	vst v63  }
0x9c: {  	s15 =	simm.s32 $0x10F00  }
0x9d: {  	[tilespmem:s15], [sflag:$0x4] =	stream.indirect_vreg.gather [hbm4b:s1+s5], $0x80, v3, vm0, $0xb8;
	[tilespmem:$0x13F00] =	vst v63  }
0x9e: {  	s31 =	simm.s32 $0x11700;
	s2 =	sadd.s32 $0x27D0, s2  }
0x9f: {  	[tilespmem:s31], [sflag:$0x5] =	stream.indirect.gather [hbm4b:s3+s22], $0x80, s2, s22, $0xb8;
	[tilespmem:$0x13F00] =	vst v63  }
.LBB2_5:
0xa0: {  	_ =	swait.ge [sflag:s29], $0x5000  }
0xa1: {  	[sflag:s29] =	ssyncset.done $0x0  }
0xa2: {  	[sflag:s29] =	ssyncadd.s32 $0xFFFFB000  }
0xa3: {  	s2 =	simm.s32 $0x0;
	s9 =	simm.s32 $0x0;
	_ =	swait.ge [sflag:s30], $0x2800  }
0xa4: {  	s8 =	simm.s32 $0x9F80;
	s2 =	sand.u32 $0x7800, s2;
	[sflag:s30] =	ssyncset.done $0x0  }
0xa5: {  	s9 =	sand.u32 $0x300, s9;
	s2 =	sadd.s32 $0x4F00, s2;
	[sflag:s30] =	ssyncadd.s32 $0xFFFFD800  }
0xa6: {  	s9 =	sadd.s32 s9, s2;
	v3 =	vld [tilespmem:s8+$0xFFFFFF80]  }
0xa7: {  	v4 =	vld [tilespmem:s9+$0x0];
	_ =	sdelay $0x4  }
0xa8: {  	v3 =	vadd.f32 v3, v4;
	_ =	sdelay $0x1  }
0xa9: {  	[tilespmem:s9+$0x0] =	vst v3;
	v3 =	vld [tilespmem:s9+$0x10]  }
0xaa: {  	v4 =	vld [tilespmem:s8+$0xFFFFFF90];
	_ =	sdelay $0x4  }
0xab: {  	v3 =	vadd.f32 v4, v3;
	_ =	sdelay $0x1  }
0xac: {  	[tilespmem:s9+$0x10] =	vst v3;
	v3 =	vld [tilespmem:s9+$0x20]  }
0xad: {  	v4 =	vld [tilespmem:s8+$0xFFFFFFA0];
	_ =	sdelay $0x4  }
0xae: {  	v3 =	vadd.f32 v4, v3;
	_ =	sdelay $0x1  }
0xaf: {  	[tilespmem:s9+$0x20] =	vst v3;
	v3 =	vld [tilespmem:s9+$0x30]  }
0xb0: {  	v4 =	vld [tilespmem:s8+$0xFFFFFFB0];
	_ =	sdelay $0x4  }
0xb1: {  	v3 =	vadd.f32 v4, v3;
	_ =	sdelay $0x1  }
0xb2: {  	[tilespmem:s9+$0x30] =	vst v3;
	v3 =	vld [tilespmem:s9+$0x40]  }
0xb3: {  	v4 =	vld [tilespmem:s8+$0xFFFFFFC0];
	_ =	sdelay $0x4  }
0xb4: {  	v3 =	vadd.f32 v4, v3;
	_ =	sdelay $0x1  }
0xb5: {  	[tilespmem:s9+$0x40] =	vst v3;
	v3 =	vld [tilespmem:s9+$0x50]  }
0xb6: {  	v4 =	vld [tilespmem:s8+$0xFFFFFFD0];
	_ =	sdelay $0x4  }
0xb7: {  	v3 =	vadd.f32 v4, v3;
	_ =	sdelay $0x1  }
0xb8: {  	[tilespmem:s9+$0x50] =	vst v3;
	v3 =	vld [tilespmem:s9+$0x60]  }
0xb9: {  	v4 =	vld [tilespmem:s8+$0xFFFFFFE0];
	_ =	sdelay $0x4  }
0xba: {  	v3 =	vadd.f32 v4, v3;
	_ =	sdelay $0x1  }
0xbb: {  	[tilespmem:s9+$0x60] =	vst v3;
	v3 =	vld [tilespmem:s9+$0x70]  }
0xbc: {  	v4 =	vld [tilespmem:s8+$0xFFFFFFF0];
	_ =	sdelay $0x4  }
0xbd: {  	v3 =	vadd.f32 v4, v3  }
0xbe: {  	s10 =	simm.s32 $0x80  }
0xbf: {  	s10 =	sand.u32 $0x380, s10;
	[tilespmem:s9+$0x70] =	vst v3  }
0xc0: {  	s2 =	sadd.s32 s10, s2;
	v3 =	vld [tilespmem:s8+$0x0]  }
0xc1: {  	v4 =	vld [tilespmem:s2+$0x0];
	_ =	sdelay $0x4  }
0xc2: {  	v3 =	vadd.f32 v3, v4;
	_ =	sdelay $0x1  }
0xc3: {  	[tilespmem:s2+$0x0] =	vst v3;
	v3 =	vld [tilespmem:s2+$0x10]  }
0xc4: {  	v6 =	vld [tilespmem:s8+$0x10];
	_ =	sdelay $0x4  }
0xc5: {  	v3 =	vadd.f32 v6, v3;
	_ =	sdelay $0x1  }
0xc6: {  	v4 =	vld [tilespmem:s2+$0x20];
	[tilespmem:s2+$0x10] =	vst v3  }
0xc7: {  	v3 =	vld [tilespmem:s8+$0x20];
	_ =	sdelay $0x4  }
0xc8: {  	v3 =	vadd.f32 v3, v4;
	_ =	sdelay $0x1  }
0xc9: {  	v5 =	vld [tilespmem:s2+$0x30];
	[tilespmem:s2+$0x20] =	vst v3  }
0xca: {  	v3 =	vld [tilespmem:s8+$0x30];
	_ =	sdelay $0x4  }
0xcb: {  	v3 =	vadd.f32 v3, v5;
	_ =	sdelay $0x1  }
0xcc: {  	v62 =	vld [tilespmem:s2+$0x40];
	[tilespmem:s2+$0x30] =	vst v3  }
0xcd: {  	v3 =	vld [tilespmem:s8+$0x40];
	_ =	sdelay $0x4  }
0xce: {  	v3 =	vadd.f32 v3, v62;
	_ =	sdelay $0x1  }
0xcf: {  	v4 =	vld [tilespmem:s2+$0x50];
	[tilespmem:s2+$0x40] =	vst v3  }
0xd0: {  	v3 =	vld [tilespmem:s8+$0x50];
	_ =	sdelay $0x4  }
0xd1: {  	v3 =	vadd.f32 v3, v4;
	_ =	sdelay $0x1  }
0xd2: {  	v5 =	vld [tilespmem:s2+$0x60];
	[tilespmem:s2+$0x50] =	vst v3  }
0xd3: {  	v3 =	vld [tilespmem:s8+$0x60];
	_ =	sdelay $0x4  }
0xd4: {  	v3 =	vadd.f32 v3, v5;
	_ =	sdelay $0x1  }
0xd5: {  	v63 =	vld [tilespmem:s2+$0x70];
	[tilespmem:s2+$0x60] =	vst v3  }
0xd6: {  	v3 =	vld [tilespmem:s8+$0x70];
	_ =	sdelay $0x3  }
0xd7: {  	s31 =	simm.s32 $0x200  }
0xd8: {  	s10 =	simm.s32 $0x2;
	s9 =	simm.s32 $0x180;
	s8 =	simm.s32 $0xA080;
	v3 =	vadd.f32 v3, v63  }
.LBB2_6:
0xd9: {  	s10 =	sadd.s32 $0x2, s10;
	s13 =	sand.u32 $0x7800, s31;
	s14 =	sadd.s32 $0xFFFFFF80, s9  }
0xda: {  	p0 =	slt.u32 s10, $0x4E;
	s15 =	sand.u32 $0x300, s14;
	s14 =	sadd.s32 $0x4F00, s13;
	[tilespmem:s2+$0x70] =	vst v3  }
0xdb: {  	s13 =	sadd.s32 s15, s14;
	v3 =	vld [tilespmem:s8+$0xFFFFFF80]  }
0xdc: {  	v4 =	vld [tilespmem:s13+$0x0];
	_ =	sdelay $0x4  }
0xdd: {  	v3 =	vadd.f32 v3, v4;
	_ =	sdelay $0x1  }
0xde: {  	[tilespmem:s13+$0x0] =	vst v3;
	v3 =	vld [tilespmem:s13+$0x10]  }
0xdf: {  	v4 =	vld [tilespmem:s8+$0xFFFFFF90];
	_ =	sdelay $0x4  }
0xe0: {  	v3 =	vadd.f32 v4, v3;
	_ =	sdelay $0x1  }
0xe1: {  	[tilespmem:s13+$0x10] =	vst v3;
	v3 =	vld [tilespmem:s13+$0x20]  }
0xe2: {  	v4 =	vld [tilespmem:s8+$0xFFFFFFA0];
	_ =	sdelay $0x4  }
0xe3: {  	v3 =	vadd.f32 v4, v3;
	_ =	sdelay $0x1  }
0xe4: {  	[tilespmem:s13+$0x20] =	vst v3;
	v3 =	vld [tilespmem:s13+$0x30]  }
0xe5: {  	v4 =	vld [tilespmem:s8+$0xFFFFFFB0];
	_ =	sdelay $0x4  }
0xe6: {  	v3 =	vadd.f32 v4, v3;
	_ =	sdelay $0x1  }
0xe7: {  	[tilespmem:s13+$0x30] =	vst v3;
	v3 =	vld [tilespmem:s13+$0x40]  }
0xe8: {  	v4 =	vld [tilespmem:s8+$0xFFFFFFC0];
	_ =	sdelay $0x4  }
0xe9: {  	v3 =	vadd.f32 v4, v3;
	_ =	sdelay $0x1  }
0xea: {  	[tilespmem:s13+$0x40] =	vst v3;
	v3 =	vld [tilespmem:s13+$0x50]  }
0xeb: {  	v4 =	vld [tilespmem:s8+$0xFFFFFFD0];
	_ =	sdelay $0x4  }
0xec: {  	v3 =	vadd.f32 v4, v3;
	_ =	sdelay $0x1  }
0xed: {  	[tilespmem:s13+$0x50] =	vst v3;
	v3 =	vld [tilespmem:s13+$0x60]  }
0xee: {  	v4 =	vld [tilespmem:s8+$0xFFFFFFE0];
	_ =	sdelay $0x4  }
0xef: {  	v3 =	vadd.f32 v4, v3;
	_ =	sdelay $0x1  }
0xf0: {  	s2 =	sand.u32 $0x380, s9;
	[tilespmem:s13+$0x60] =	vst v3;
	v3 =	vld [tilespmem:s13+$0x70]  }
0xf1: {  	s2 =	sadd.s32 s2, s14;
	v4 =	vld [tilespmem:s8+$0xFFFFFFF0]  }
0xf2: {  	v5 =	vld [tilespmem:s2+$0x30];
	_ =	sdelay $0x3  }
0xf3: {  	v3 =	vadd.f32 v4, v3;
	_ =	sdelay $0x1  }
0xf4: {  	[tilespmem:s13+$0x70] =	vst v3  }
0xf5: {  	v3 =	vld [tilespmem:s8+$0x0]  }
0xf6: {  	v4 =	vld [tilespmem:s2+$0x0]  }
0xf7: {  	v6 =	vld [tilespmem:s2+$0x40]  }
0xf8: {  	v7 =	vld [tilespmem:s2+$0x50]  }
0xf9: {  	v8 =	vld [tilespmem:s2+$0x60]  }
0xfa: {  	v9 =	vld [tilespmem:s2+$0x70]  }
0xfb: {  	v3 =	vadd.f32 v3, v4;
	v4 =	vld [tilespmem:s2+$0x20];
	_ =	sdelay $0x1  }
0xfc: {  	[tilespmem:s2+$0x0] =	vst v3;
	v3 =	vld [tilespmem:s2+$0x10]  }
0xfd: {  	v10 =	vld [tilespmem:s8+$0x10];
	_ =	sdelay $0x4  }
0xfe: {  	v3 =	vadd.f32 v10, v3;
	_ =	sdelay $0x1  }
0xff: {  	[tilespmem:s2+$0x10] =	vst v3  }
0x100: {  	v3 =	vld [tilespmem:s8+$0x20];
	_ =	sdelay $0x4  }
0x101: {  	v3 =	vadd.f32 v3, v4;
	_ =	sdelay $0x1  }
0x102: {  	[tilespmem:s2+$0x20] =	vst v3  }
0x103: {  	v3 =	vld [tilespmem:s8+$0x30];
	_ =	sdelay $0x4  }
0x104: {  	v3 =	vadd.f32 v3, v5;
	_ =	sdelay $0x1  }
0x105: {  	[tilespmem:s2+$0x30] =	vst v3  }
0x106: {  	v3 =	vld [tilespmem:s8+$0x40];
	_ =	sdelay $0x4  }
0x107: {  	v3 =	vadd.f32 v3, v6;
	_ =	sdelay $0x1  }
0x108: {  	[tilespmem:s2+$0x40] =	vst v3  }
0x109: {  	v3 =	vld [tilespmem:s8+$0x50];
	_ =	sdelay $0x4  }
0x10a: {  	v3 =	vadd.f32 v3, v7;
	_ =	sdelay $0x1  }
0x10b: {  	[tilespmem:s2+$0x50] =	vst v3  }
0x10c: {  	v3 =	vld [tilespmem:s8+$0x60];
	_ =	sdelay $0x4  }
0x10d: {  	v3 =	vadd.f32 v3, v8;
	_ =	sdelay $0x1  }
0x10e: {  	[tilespmem:s2+$0x60] =	vst v3  }
0x10f: {  	v3 =	vld [tilespmem:s8+$0x70]  }
.Ltmp6:
0x110: {  	(pc) =	sbr.rel @p0 .LBB2_6-.Ltmp6, $2  }
0x111: {  	_ =	sdelay $0x2  }
0x112: {  	s31 =	sadd.s32 $0x200, s31;
	s9 =	sadd.s32 $0x100, s9;
	s8 =	sadd.s32 $0x100, s8;
	v3 =	vadd.f32 v3, v9  }
0x113: {  	s10 =	sand.u32 $0x7800, s31;
	s13 =	sadd.s32 $0xFFFFFF80, s9  }
0x114: {  	s13 =	sand.u32 $0x300, s13;
	s10 =	sadd.s32 $0x4F00, s10;
	[tilespmem:s2+$0x70] =	vst v3  }
0x115: {  	s31 =	sadd.s32 s13, s10;
	v3 =	vld [tilespmem:s8+$0xFFFFFF80]  }
0x116: {  	v4 =	vld [tilespmem:s31+$0x0];
	_ =	sdelay $0x4  }
0x117: {  	v3 =	vadd.f32 v3, v4;
	_ =	sdelay $0x1  }
0x118: {  	[tilespmem:s31+$0x0] =	vst v3;
	v3 =	vld [tilespmem:s31+$0x10]  }
0x119: {  	v49 =	vld [tilespmem:s8+$0xFFFFFF90];
	_ =	sdelay $0x4  }
0x11a: {  	v3 =	vadd.f32 v49, v3;
	_ =	sdelay $0x1  }
0x11b: {  	[tilespmem:s31+$0x10] =	vst v3;
	v3 =	vld [tilespmem:s31+$0x20]  }
0x11c: {  	v50 =	vld [tilespmem:s8+$0xFFFFFFA0];
	_ =	sdelay $0x4  }
0x11d: {  	v3 =	vadd.f32 v50, v3;
	_ =	sdelay $0x1  }
0x11e: {  	[tilespmem:s31+$0x20] =	vst v3;
	v3 =	vld [tilespmem:s31+$0x30]  }
0x11f: {  	v51 =	vld [tilespmem:s8+$0xFFFFFFB0];
	_ =	sdelay $0x4  }
0x120: {  	v3 =	vadd.f32 v51, v3;
	_ =	sdelay $0x1  }
0x121: {  	[tilespmem:s31+$0x30] =	vst v3;
	v3 =	vld [tilespmem:s31+$0x40]  }
0x122: {  	v52 =	vld [tilespmem:s8+$0xFFFFFFC0];
	_ =	sdelay $0x4  }
0x123: {  	v3 =	vadd.f32 v52, v3;
	_ =	sdelay $0x1  }
0x124: {  	[tilespmem:s31+$0x40] =	vst v3;
	v3 =	vld [tilespmem:s31+$0x50]  }
0x125: {  	v53 =	vld [tilespmem:s8+$0xFFFFFFD0];
	_ =	sdelay $0x4  }
0x126: {  	v3 =	vadd.f32 v53, v3;
	_ =	sdelay $0x1  }
0x127: {  	[tilespmem:s31+$0x50] =	vst v3;
	v3 =	vld [tilespmem:s31+$0x60]  }
0x128: {  	v54 =	vld [tilespmem:s8+$0xFFFFFFE0];
	_ =	sdelay $0x4  }
0x129: {  	v3 =	vadd.f32 v54, v3;
	_ =	sdelay $0x1  }
0x12a: {  	[tilespmem:s31+$0x60] =	vst v3;
	v3 =	vld [tilespmem:s31+$0x70]  }
0x12b: {  	v55 =	vld [tilespmem:s8+$0xFFFFFFF0];
	_ =	sdelay $0x4  }
0x12c: {  	v3 =	vadd.f32 v55, v3;
	_ =	sdelay $0x1  }
0x12d: {  	s13 =	sand.u32 $0x380, s9;
	[tilespmem:s31+$0x70] =	vst v3  }
0x12e: {  	s14 =	sadd.s32 s13, s10;
	v3 =	vld [tilespmem:s8+$0x0]  }
0x12f: {  	v56 =	vld [tilespmem:s14+$0x0];
	_ =	sdelay $0x4  }
0x130: {  	v3 =	vadd.f32 v3, v56;
	_ =	sdelay $0x1  }
0x131: {  	[tilespmem:s14+$0x0] =	vst v3;
	v3 =	vld [tilespmem:s14+$0x10]  }
0x132: {  	v57 =	vld [tilespmem:s8+$0x10];
	_ =	sdelay $0x4  }
0x133: {  	v3 =	vadd.f32 v57, v3;
	_ =	sdelay $0x1  }
0x134: {  	v58 =	vld [tilespmem:s14+$0x20];
	[tilespmem:s14+$0x10] =	vst v3  }
0x135: {  	v3 =	vld [tilespmem:s8+$0x20];
	_ =	sdelay $0x4  }
0x136: {  	v3 =	vadd.f32 v3, v58;
	_ =	sdelay $0x1  }
0x137: {  	v59 =	vld [tilespmem:s14+$0x30];
	[tilespmem:s14+$0x20] =	vst v3  }
0x138: {  	v3 =	vld [tilespmem:s8+$0x30];
	_ =	sdelay $0x4  }
0x139: {  	v3 =	vadd.f32 v3, v59;
	_ =	sdelay $0x1  }
0x13a: {  	v60 =	vld [tilespmem:s14+$0x40];
	[tilespmem:s14+$0x30] =	vst v3  }
0x13b: {  	v3 =	vld [tilespmem:s8+$0x40];
	_ =	sdelay $0x4  }
0x13c: {  	v3 =	vadd.f32 v3, v60;
	_ =	sdelay $0x1  }
0x13d: {  	v61 =	vld [tilespmem:s14+$0x50];
	[tilespmem:s14+$0x40] =	vst v3  }
0x13e: {  	v3 =	vld [tilespmem:s8+$0x50];
	_ =	sdelay $0x4  }
0x13f: {  	v3 =	vadd.f32 v3, v61;
	_ =	sdelay $0x1  }
0x140: {  	v62 =	vld [tilespmem:s14+$0x60];
	[tilespmem:s14+$0x50] =	vst v3  }
0x141: {  	v3 =	vld [tilespmem:s8+$0x60];
	_ =	sdelay $0x4  }
0x142: {  	v3 =	vadd.f32 v3, v62;
	_ =	sdelay $0x1  }
0x143: {  	v63 =	vld [tilespmem:s14+$0x70];
	[tilespmem:s14+$0x60] =	vst v3  }
0x144: {  	v3 =	vld [tilespmem:s8+$0x70];
	_ =	sdelay $0x2  }
0x145: {  	s15 =	smul.u32 $0x50, s11;
	p0 =	seq.s32 s7, $0x0  }
.Ltmp7:
0x146: {  	_ = 	snop;
	(pc) =	sbr.rel @p0 .LBB2_13-.Ltmp7, $4  }
0x147: {  	s8 =	sadd.s32 s4, s15;
	v3 =	vadd.f32 v3, v63  }
0x148: {  	s8 =	sshll.u32 s8, $0x5  }
0x149: {  	s31 =	sadd.s32 s6, s8;
	[tilespmem:s14+$0x70] =	vst v3  }
0x14a: {  	[hbm4b:s31+s5] =	stream.linear.scatter [tilespmem:s12], [sflag:$0x3], $0x5000, $0x38;
	[tilespmem:$0x13F00] =	vst v63  }
.LBB2_8:
0x14b: {  	p0 =	seq.s32 s11, $0x7C  }
.Ltmp8:
0x14c: {  	_ = 	snop;
	(pc) =	sbr.rel @p0 .LBB2_10-.Ltmp8, $4  }
0x14d: {  	_ = 	snop  }
0x14e: {  	_ =	swait.ge [sflag:s24], $0x5000  }
0x14f: {  	[sflag:s24] =	ssyncset.done $0x0  }
0x150: {  	[sflag:s24] =	ssyncadd.s32 $0xFFFFB000  }
0x151: {  	s2 =	smul.u32 $0x50, s11;
	_ =	sdelay $0x1  }
0x152: {  	v3 =	vld [tilespmem:s2+$0x50];
	_ =	sdelay $0x4  }
0x153: {  	v4 =	vshll.u32 v3, $0x1  }
0x154: {  	v3 =	vand.u32 $0x7, v3;
	v4 =	vand.u32 $0xFFFFFFF0, v4  }
0x155: {  	v3 =	vor.u32 v3, v4  }
0x156: {  	v4 =	vperm.xlane v3, v0;
	_ =	sdelay $0x1  }
0x157: {  	v3 =	vperm.xlane v3, v2;
	v4 =	vadd.s32 v1, v4;
	_ =	sdelay $0x1  }
0x158: {  	v3 =	vadd.s32 v1, v3;
	_ =	sdelay $0x2  }
0x159: {  	[tilespmem:s12], [sflag:$0x1] =	stream.indirect_vreg.gather [hbm4b:s1+s5], $0x80, v4, vm0, $0xb8;
	[tilespmem:$0x13F00] =	vst v63  }
0x15a: {  	s7 =	simm.s32 $0x5700  }
0x15b: {  	[tilespmem:s7], [sflag:$0x1] =	stream.indirect_vreg.gather [hbm4b:s1+s5], $0x80, v3, vm0, $0xb8;
	[tilespmem:$0x13F00] =	vst v63  }
0x15c: {  	v3 =	vld [tilespmem:s2+$0x60];
	_ =	sdelay $0x4  }
0x15d: {  	v60 =	vshll.u32 v3, $0x1  }
0x15e: {  	v3 =	vand.u32 $0x7, v3;
	v4 =	vand.u32 $0xFFFFFFF0, v60  }
0x15f: {  	v3 =	vor.u32 v3, v4  }
0x160: {  	v4 =	vperm.xlane v3, v0;
	_ =	sdelay $0x1  }
0x161: {  	v3 =	vperm.xlane v3, v2;
	v4 =	vadd.s32 v1, v4;
	_ =	sdelay $0x1  }
0x162: {  	v3 =	vadd.s32 v1, v3;
	_ =	sdelay $0x1  }
0x163: {  	s15 =	simm.s32 $0x5F00  }
0x164: {  	[tilespmem:s15], [sflag:$0x1] =	stream.indirect_vreg.gather [hbm4b:s1+s5], $0x80, v4, vm0, $0xb8;
	[tilespmem:$0x13F00] =	vst v63  }
0x165: {  	s31 =	simm.s32 $0x6700  }
0x166: {  	[tilespmem:s31], [sflag:$0x1] =	stream.indirect_vreg.gather [hbm4b:s1+s5], $0x80, v3, vm0, $0xb8;
	[tilespmem:$0x13F00] =	vst v63  }
0x167: {  	v3 =	vld [tilespmem:s2+$0x70];
	_ =	sdelay $0x4  }
0x168: {  	v61 =	vshll.u32 v3, $0x1  }
0x169: {  	v3 =	vand.u32 $0x7, v3;
	v4 =	vand.u32 $0xFFFFFFF0, v61  }
0x16a: {  	v3 =	vor.u32 v3, v4  }
0x16b: {  	v4 =	vperm.xlane v3, v0;
	_ =	sdelay $0x1  }
0x16c: {  	v3 =	vperm.xlane v3, v2;
	v4 =	vadd.s32 v1, v4;
	_ =	sdelay $0x1  }
0x16d: {  	v3 =	vadd.s32 v1, v3;
	_ =	sdelay $0x2  }
0x16e: {  	[tilespmem:s16], [sflag:$0x1] =	stream.indirect_vreg.gather [hbm4b:s1+s5], $0x80, v4, vm0, $0xb8;
	[tilespmem:$0x13F00] =	vst v63  }
0x16f: {  	_ = 	snop  }
0x170: {  	[tilespmem:s17], [sflag:$0x1] =	stream.indirect_vreg.gather [hbm4b:s1+s5], $0x80, v3, vm0, $0xb8;
	[tilespmem:$0x13F00] =	vst v63  }
0x171: {  	v3 =	vld [tilespmem:s2+$0x80];
	_ =	sdelay $0x4  }
0x172: {  	v62 =	vshll.u32 v3, $0x1  }
0x173: {  	v3 =	vand.u32 $0x7, v3;
	v4 =	vand.u32 $0xFFFFFFF0, v62  }
0x174: {  	v3 =	vor.u32 v3, v4  }
0x175: {  	v4 =	vperm.xlane v3, v0;
	_ =	sdelay $0x1  }
0x176: {  	v3 =	vperm.xlane v3, v2;
	v4 =	vadd.s32 v1, v4;
	_ =	sdelay $0x1  }
0x177: {  	v3 =	vadd.s32 v1, v3;
	_ =	sdelay $0x2  }
0x178: {  	[tilespmem:s18], [sflag:$0x1] =	stream.indirect_vreg.gather [hbm4b:s1+s5], $0x80, v4, vm0, $0xb8;
	[tilespmem:$0x13F00] =	vst v63  }
0x179: {  	_ = 	snop  }
0x17a: {  	[tilespmem:s19], [sflag:$0x1] =	stream.indirect_vreg.gather [hbm4b:s1+s5], $0x80, v3, vm0, $0xb8;
	[tilespmem:$0x13F00] =	vst v63  }
0x17b: {  	v3 =	vld [tilespmem:s2+$0x90];
	_ =	sdelay $0x4  }
0x17c: {  	v63 =	vshll.u32 v3, $0x1  }
0x17d: {  	v3 =	vand.u32 $0x7, v3;
	v4 =	vand.u32 $0xFFFFFFF0, v63  }
0x17e: {  	v3 =	vor.u32 v3, v4  }
0x17f: {  	v4 =	vperm.xlane v3, v0;
	_ =	sdelay $0x1  }
0x180: {  	v3 =	vperm.xlane v3, v2;
	v4 =	vadd.s32 v1, v4;
	_ =	sdelay $0x1  }
0x181: {  	v3 =	vadd.s32 v1, v3;
	_ =	sdelay $0x2  }
0x182: {  	[tilespmem:s20], [sflag:$0x1] =	stream.indirect_vreg.gather [hbm4b:s1+s5], $0x80, v4, vm0, $0xb8;
	[tilespmem:$0x13F00] =	vst v63  }
0x183: {  	_ = 	snop  }
0x184: {  	[tilespmem:s21], [sflag:$0x1] =	stream.indirect_vreg.gather [hbm4b:s1+s5], $0x80, v3, vm0, $0xb8;
	[tilespmem:$0x13F00] =	vst v63  }
0x185: {  	s2 =	sadd.s32 $0x27D0, s2  }
0x186: {  	[tilespmem:s23], [sflag:$0x2] =	stream.indirect.gather [hbm4b:s3+s22], $0x80, s2, s22, $0xb8;
	[tilespmem:$0x13F00] =	vst v63  }
.LBB2_10:
0x187: {  	_ =	swait.ge [sflag:s25], $0x5000  }
0x188: {  	[sflag:s25] =	ssyncset.done $0x0  }
0x189: {  	[sflag:s25] =	ssyncadd.s32 $0xFFFFB000  }
0x18a: {  	s2 =	simm.s32 $0x0;
	s8 =	simm.s32 $0x0;
	_ =	swait.ge [sflag:s26], $0x2800  }
0x18b: {  	s7 =	simm.s32 $0x11780;
	s2 =	sand.u32 $0x7800, s2;
	[sflag:s26] =	ssyncset.done $0x0  }
0x18c: {  	s8 =	sand.u32 $0x300, s8;
	s2 =	sadd.s32 $0xC700, s2;
	[sflag:s26] =	ssyncadd.s32 $0xFFFFD800  }
0x18d: {  	s8 =	sadd.s32 s8, s2;
	v3 =	vld [tilespmem:s7+$0xFFFFFF80]  }
0x18e: {  	v4 =	vld [tilespmem:s8+$0x0];
	_ =	sdelay $0x4  }
0x18f: {  	v3 =	vadd.f32 v3, v4;
	_ =	sdelay $0x1  }
0x190: {  	[tilespmem:s8+$0x0] =	vst v3;
	v3 =	vld [tilespmem:s8+$0x10]  }
0x191: {  	v4 =	vld [tilespmem:s7+$0xFFFFFF90];
	_ =	sdelay $0x4  }
0x192: {  	v3 =	vadd.f32 v4, v3;
	_ =	sdelay $0x1  }
0x193: {  	[tilespmem:s8+$0x10] =	vst v3;
	v3 =	vld [tilespmem:s8+$0x20]  }
0x194: {  	v4 =	vld [tilespmem:s7+$0xFFFFFFA0];
	_ =	sdelay $0x4  }
0x195: {  	v3 =	vadd.f32 v4, v3;
	_ =	sdelay $0x1  }
0x196: {  	[tilespmem:s8+$0x20] =	vst v3;
	v3 =	vld [tilespmem:s8+$0x30]  }
0x197: {  	v4 =	vld [tilespmem:s7+$0xFFFFFFB0];
	_ =	sdelay $0x4  }
0x198: {  	v3 =	vadd.f32 v4, v3;
	_ =	sdelay $0x1  }
0x199: {  	[tilespmem:s8+$0x30] =	vst v3;
	v3 =	vld [tilespmem:s8+$0x40]  }
0x19a: {  	v4 =	vld [tilespmem:s7+$0xFFFFFFC0];
	_ =	sdelay $0x4  }
0x19b: {  	v3 =	vadd.f32 v4, v3;
	_ =	sdelay $0x1  }
0x19c: {  	[tilespmem:s8+$0x40] =	vst v3;
	v3 =	vld [tilespmem:s8+$0x50]  }
0x19d: {  	v4 =	vld [tilespmem:s7+$0xFFFFFFD0];
	_ =	sdelay $0x4  }
0x19e: {  	v3 =	vadd.f32 v4, v3;
	_ =	sdelay $0x1  }
0x19f: {  	[tilespmem:s8+$0x50] =	vst v3;
	v3 =	vld [tilespmem:s8+$0x60]  }
0x1a0: {  	v4 =	vld [tilespmem:s7+$0xFFFFFFE0];
	_ =	sdelay $0x4  }
0x1a1: {  	v3 =	vadd.f32 v4, v3;
	_ =	sdelay $0x1  }
0x1a2: {  	[tilespmem:s8+$0x60] =	vst v3;
	v3 =	vld [tilespmem:s8+$0x70]  }
0x1a3: {  	v4 =	vld [tilespmem:s7+$0xFFFFFFF0];
	_ =	sdelay $0x4  }
0x1a4: {  	v3 =	vadd.f32 v4, v3  }
0x1a5: {  	s9 =	simm.s32 $0x80  }
0x1a6: {  	s9 =	sand.u32 $0x380, s9;
	[tilespmem:s8+$0x70] =	vst v3  }
0x1a7: {  	s2 =	sadd.s32 s9, s2;
	v3 =	vld [tilespmem:s7+$0x0]  }
0x1a8: {  	v4 =	vld [tilespmem:s2+$0x0];
	_ =	sdelay $0x4  }
0x1a9: {  	v3 =	vadd.f32 v3, v4;
	_ =	sdelay $0x1  }
0x1aa: {  	[tilespmem:s2+$0x0] =	vst v3;
	v3 =	vld [tilespmem:s2+$0x10]  }
0x1ab: {  	v6 =	vld [tilespmem:s7+$0x10];
	_ =	sdelay $0x4  }
0x1ac: {  	v3 =	vadd.f32 v6, v3;
	_ =	sdelay $0x1  }
0x1ad: {  	v4 =	vld [tilespmem:s2+$0x20];
	[tilespmem:s2+$0x10] =	vst v3  }
0x1ae: {  	v3 =	vld [tilespmem:s7+$0x20];
	_ =	sdelay $0x4  }
0x1af: {  	v3 =	vadd.f32 v3, v4;
	_ =	sdelay $0x1  }
0x1b0: {  	v5 =	vld [tilespmem:s2+$0x30];
	[tilespmem:s2+$0x20] =	vst v3  }
0x1b1: {  	v3 =	vld [tilespmem:s7+$0x30];
	_ =	sdelay $0x4  }
0x1b2: {  	v3 =	vadd.f32 v3, v5;
	_ =	sdelay $0x1  }
0x1b3: {  	v62 =	vld [tilespmem:s2+$0x40];
	[tilespmem:s2+$0x30] =	vst v3  }
0x1b4: {  	v3 =	vld [tilespmem:s7+$0x40];
	_ =	sdelay $0x4  }
0x1b5: {  	v3 =	vadd.f32 v3, v62;
	_ =	sdelay $0x1  }
0x1b6: {  	v4 =	vld [tilespmem:s2+$0x50];
	[tilespmem:s2+$0x40] =	vst v3  }
0x1b7: {  	v3 =	vld [tilespmem:s7+$0x50];
	_ =	sdelay $0x4  }
0x1b8: {  	v3 =	vadd.f32 v3, v4;
	_ =	sdelay $0x1  }
0x1b9: {  	v5 =	vld [tilespmem:s2+$0x60];
	[tilespmem:s2+$0x50] =	vst v3  }
0x1ba: {  	v3 =	vld [tilespmem:s7+$0x60];
	_ =	sdelay $0x4  }
0x1bb: {  	v3 =	vadd.f32 v3, v5;
	_ =	sdelay $0x1  }
0x1bc: {  	v63 =	vld [tilespmem:s2+$0x70];
	[tilespmem:s2+$0x60] =	vst v3  }
0x1bd: {  	v3 =	vld [tilespmem:s7+$0x70];
	_ =	sdelay $0x3  }
0x1be: {  	s10 =	simm.s32 $0x200  }
0x1bf: {  	s9 =	simm.s32 $0x2;
	s8 =	simm.s32 $0x180;
	s7 =	simm.s32 $0x11880;
	v3 =	vadd.f32 v3, v63  }
.LBB2_11:
0x1c0: {  	s9 =	sadd.s32 $0x2, s9;
	s13 =	sand.u32 $0x7800, s10;
	s14 =	sadd.s32 $0xFFFFFF80, s8  }
0x1c1: {  	p0 =	slt.u32 s9, $0x4E;
	s15 =	sand.u32 $0x300, s14;
	s14 =	sadd.s32 $0xC700, s13;
	[tilespmem:s2+$0x70] =	vst v3  }
0x1c2: {  	s13 =	sadd.s32 s15, s14;
	v3 =	vld [tilespmem:s7+$0xFFFFFF80]  }
0x1c3: {  	v4 =	vld [tilespmem:s13+$0x0];
	_ =	sdelay $0x4  }
0x1c4: {  	v3 =	vadd.f32 v3, v4;
	_ =	sdelay $0x1  }
0x1c5: {  	[tilespmem:s13+$0x0] =	vst v3;
	v3 =	vld [tilespmem:s13+$0x10]  }
0x1c6: {  	v4 =	vld [tilespmem:s7+$0xFFFFFF90];
	_ =	sdelay $0x4  }
0x1c7: {  	v3 =	vadd.f32 v4, v3;
	_ =	sdelay $0x1  }
0x1c8: {  	[tilespmem:s13+$0x10] =	vst v3;
	v3 =	vld [tilespmem:s13+$0x20]  }
0x1c9: {  	v4 =	vld [tilespmem:s7+$0xFFFFFFA0];
	_ =	sdelay $0x4  }
0x1ca: {  	v3 =	vadd.f32 v4, v3;
	_ =	sdelay $0x1  }
0x1cb: {  	[tilespmem:s13+$0x20] =	vst v3;
	v3 =	vld [tilespmem:s13+$0x30]  }
0x1cc: {  	v4 =	vld [tilespmem:s7+$0xFFFFFFB0];
	_ =	sdelay $0x4  }
0x1cd: {  	v3 =	vadd.f32 v4, v3;
	_ =	sdelay $0x1  }
0x1ce: {  	[tilespmem:s13+$0x30] =	vst v3;
	v3 =	vld [tilespmem:s13+$0x40]  }
0x1cf: {  	v4 =	vld [tilespmem:s7+$0xFFFFFFC0];
	_ =	sdelay $0x4  }
0x1d0: {  	v3 =	vadd.f32 v4, v3;
	_ =	sdelay $0x1  }
0x1d1: {  	[tilespmem:s13+$0x40] =	vst v3;
	v3 =	vld [tilespmem:s13+$0x50]  }
0x1d2: {  	v4 =	vld [tilespmem:s7+$0xFFFFFFD0];
	_ =	sdelay $0x4  }
0x1d3: {  	v3 =	vadd.f32 v4, v3;
	_ =	sdelay $0x1  }
0x1d4: {  	[tilespmem:s13+$0x50] =	vst v3;
	v3 =	vld [tilespmem:s13+$0x60]  }
0x1d5: {  	v4 =	vld [tilespmem:s7+$0xFFFFFFE0];
	_ =	sdelay $0x4  }
0x1d6: {  	v3 =	vadd.f32 v4, v3;
	_ =	sdelay $0x1  }
0x1d7: {  	s2 =	sand.u32 $0x380, s8;
	[tilespmem:s13+$0x60] =	vst v3;
	v3 =	vld [tilespmem:s13+$0x70]  }
0x1d8: {  	s2 =	sadd.s32 s2, s14;
	v4 =	vld [tilespmem:s7+$0xFFFFFFF0]  }
0x1d9: {  	v5 =	vld [tilespmem:s2+$0x30];
	_ =	sdelay $0x3  }
0x1da: {  	v3 =	vadd.f32 v4, v3;
	_ =	sdelay $0x1  }
0x1db: {  	[tilespmem:s13+$0x70] =	vst v3  }
0x1dc: {  	v3 =	vld [tilespmem:s7+$0x0]  }
0x1dd: {  	v4 =	vld [tilespmem:s2+$0x0]  }
0x1de: {  	v6 =	vld [tilespmem:s2+$0x40]  }
0x1df: {  	v7 =	vld [tilespmem:s2+$0x50]  }
0x1e0: {  	v8 =	vld [tilespmem:s2+$0x60]  }
0x1e1: {  	v9 =	vld [tilespmem:s2+$0x70]  }
0x1e2: {  	v3 =	vadd.f32 v3, v4;
	v4 =	vld [tilespmem:s2+$0x20];
	_ =	sdelay $0x1  }
0x1e3: {  	[tilespmem:s2+$0x0] =	vst v3;
	v3 =	vld [tilespmem:s2+$0x10]  }
0x1e4: {  	v10 =	vld [tilespmem:s7+$0x10];
	_ =	sdelay $0x4  }
0x1e5: {  	v3 =	vadd.f32 v10, v3;
	_ =	sdelay $0x1  }
0x1e6: {  	[tilespmem:s2+$0x10] =	vst v3  }
0x1e7: {  	v3 =	vld [tilespmem:s7+$0x20];
	_ =	sdelay $0x4  }
0x1e8: {  	v3 =	vadd.f32 v3, v4;
	_ =	sdelay $0x1  }
0x1e9: {  	[tilespmem:s2+$0x20] =	vst v3  }
0x1ea: {  	v3 =	vld [tilespmem:s7+$0x30];
	_ =	sdelay $0x4  }
0x1eb: {  	v3 =	vadd.f32 v3, v5;
	_ =	sdelay $0x1  }
0x1ec: {  	[tilespmem:s2+$0x30] =	vst v3  }
0x1ed: {  	v3 =	vld [tilespmem:s7+$0x40];
	_ =	sdelay $0x4  }
0x1ee: {  	v3 =	vadd.f32 v3, v6;
	_ =	sdelay $0x1  }
0x1ef: {  	[tilespmem:s2+$0x40] =	vst v3  }
0x1f0: {  	v3 =	vld [tilespmem:s7+$0x50];
	_ =	sdelay $0x4  }
0x1f1: {  	v3 =	vadd.f32 v3, v7;
	_ =	sdelay $0x1  }
0x1f2: {  	[tilespmem:s2+$0x50] =	vst v3  }
0x1f3: {  	v3 =	vld [tilespmem:s7+$0x60];
	_ =	sdelay $0x4  }
0x1f4: {  	v3 =	vadd.f32 v3, v8;
	_ =	sdelay $0x1  }
0x1f5: {  	[tilespmem:s2+$0x60] =	vst v3  }
0x1f6: {  	v3 =	vld [tilespmem:s7+$0x70]  }
.Ltmp9:
0x1f7: {  	(pc) =	sbr.rel @p0 .LBB2_11-.Ltmp9, $2  }
0x1f8: {  	_ =	sdelay $0x2  }
0x1f9: {  	s10 =	sadd.s32 $0x200, s10;
	s8 =	sadd.s32 $0x100, s8;
	s7 =	sadd.s32 $0x100, s7;
	v3 =	vadd.f32 v3, v9  }
0x1fa: {  	s9 =	sand.u32 $0x7800, s10;
	s31 =	sadd.s32 $0xFFFFFF80, s8  }
0x1fb: {  	s10 =	sand.u32 $0x300, s31;
	s9 =	sadd.s32 $0xC700, s9;
	[tilespmem:s2+$0x70] =	vst v3  }
0x1fc: {  	s10 =	sadd.s32 s10, s9;
	v3 =	vld [tilespmem:s7+$0xFFFFFF80]  }
0x1fd: {  	v4 =	vld [tilespmem:s10+$0x0];
	_ =	sdelay $0x4  }
0x1fe: {  	v3 =	vadd.f32 v3, v4;
	_ =	sdelay $0x1  }
0x1ff: {  	[tilespmem:s10+$0x0] =	vst v3;
	v3 =	vld [tilespmem:s10+$0x10]  }
0x200: {  	v49 =	vld [tilespmem:s7+$0xFFFFFF90];
	_ =	sdelay $0x4  }
0x201: {  	v3 =	vadd.f32 v49, v3;
	_ =	sdelay $0x1  }
0x202: {  	[tilespmem:s10+$0x10] =	vst v3;
	v3 =	vld [tilespmem:s10+$0x20]  }
0x203: {  	v50 =	vld [tilespmem:s7+$0xFFFFFFA0];
	_ =	sdelay $0x4  }
0x204: {  	v3 =	vadd.f32 v50, v3;
	_ =	sdelay $0x1  }
0x205: {  	[tilespmem:s10+$0x20] =	vst v3;
	v3 =	vld [tilespmem:s10+$0x30]  }
0x206: {  	v51 =	vld [tilespmem:s7+$0xFFFFFFB0];
	_ =	sdelay $0x4  }
0x207: {  	v3 =	vadd.f32 v51, v3;
	_ =	sdelay $0x1  }
0x208: {  	[tilespmem:s10+$0x30] =	vst v3;
	v3 =	vld [tilespmem:s10+$0x40]  }
0x209: {  	v52 =	vld [tilespmem:s7+$0xFFFFFFC0];
	_ =	sdelay $0x4  }
0x20a: {  	v3 =	vadd.f32 v52, v3;
	_ =	sdelay $0x1  }
0x20b: {  	[tilespmem:s10+$0x40] =	vst v3;
	v3 =	vld [tilespmem:s10+$0x50]  }
0x20c: {  	v53 =	vld [tilespmem:s7+$0xFFFFFFD0];
	_ =	sdelay $0x4  }
0x20d: {  	v3 =	vadd.f32 v53, v3;
	_ =	sdelay $0x1  }
0x20e: {  	[tilespmem:s10+$0x50] =	vst v3;
	v3 =	vld [tilespmem:s10+$0x60]  }
0x20f: {  	v54 =	vld [tilespmem:s7+$0xFFFFFFE0];
	_ =	sdelay $0x4  }
0x210: {  	v3 =	vadd.f32 v54, v3;
	_ =	sdelay $0x1  }
0x211: {  	[tilespmem:s10+$0x60] =	vst v3;
	v3 =	vld [tilespmem:s10+$0x70]  }
0x212: {  	v55 =	vld [tilespmem:s7+$0xFFFFFFF0];
	_ =	sdelay $0x4  }
0x213: {  	v3 =	vadd.f32 v55, v3;
	_ =	sdelay $0x1  }
0x214: {  	s13 =	sand.u32 $0x380, s8;
	[tilespmem:s10+$0x70] =	vst v3  }
0x215: {  	s14 =	sadd.s32 s13, s9;
	v3 =	vld [tilespmem:s7+$0x0]  }
0x216: {  	v56 =	vld [tilespmem:s14+$0x0];
	_ =	sdelay $0x4  }
0x217: {  	v3 =	vadd.f32 v3, v56;
	_ =	sdelay $0x1  }
0x218: {  	[tilespmem:s14+$0x0] =	vst v3;
	v3 =	vld [tilespmem:s14+$0x10]  }
0x219: {  	v57 =	vld [tilespmem:s7+$0x10];
	_ =	sdelay $0x4  }
0x21a: {  	v3 =	vadd.f32 v57, v3;
	_ =	sdelay $0x1  }
0x21b: {  	v58 =	vld [tilespmem:s14+$0x20];
	[tilespmem:s14+$0x10] =	vst v3  }
0x21c: {  	v3 =	vld [tilespmem:s7+$0x20];
	_ =	sdelay $0x4  }
0x21d: {  	v3 =	vadd.f32 v3, v58;
	_ =	sdelay $0x1  }
0x21e: {  	v59 =	vld [tilespmem:s14+$0x30];
	[tilespmem:s14+$0x20] =	vst v3  }
0x21f: {  	v3 =	vld [tilespmem:s7+$0x30];
	_ =	sdelay $0x4  }
0x220: {  	v3 =	vadd.f32 v3, v59;
	_ =	sdelay $0x1  }
0x221: {  	v60 =	vld [tilespmem:s14+$0x40];
	[tilespmem:s14+$0x30] =	vst v3  }
0x222: {  	v3 =	vld [tilespmem:s7+$0x40];
	_ =	sdelay $0x4  }
0x223: {  	v3 =	vadd.f32 v3, v60;
	_ =	sdelay $0x1  }
0x224: {  	v61 =	vld [tilespmem:s14+$0x50];
	[tilespmem:s14+$0x40] =	vst v3  }
0x225: {  	v3 =	vld [tilespmem:s7+$0x50];
	_ =	sdelay $0x4  }
0x226: {  	v3 =	vadd.f32 v3, v61;
	_ =	sdelay $0x1  }
0x227: {  	v62 =	vld [tilespmem:s14+$0x60];
	[tilespmem:s14+$0x50] =	vst v3  }
0x228: {  	v3 =	vld [tilespmem:s7+$0x60];
	_ =	sdelay $0x4  }
0x229: {  	v3 =	vadd.f32 v3, v62;
	_ =	sdelay $0x1  }
0x22a: {  	v63 =	vld [tilespmem:s14+$0x70];
	[tilespmem:s14+$0x60] =	vst v3  }
0x22b: {  	v3 =	vld [tilespmem:s7+$0x70];
	_ =	sdelay $0x2  }
0x22c: {  	s15 =	smul.u32 $0x50, s11  }
.Ltmp10:
0x22d: {  	_ = 	snop;
	(pc) =	sbr.rel .LBB2_13-.Ltmp10, $4  }
0x22e: {  	s7 =	sadd.s32 s4, s15;
	v3 =	vadd.f32 v3, v63  }
0x22f: {  	s7 =	sshll.u32 s7, $0x5  }
0x230: {  	s31 =	sadd.s32 s6, s7;
	[tilespmem:s14+$0x70] =	vst v3  }
0x231: {  	[hbm4b:s31+s5] =	stream.linear.scatter [tilespmem:s28], [sflag:$0x6], $0x5000, $0x38;
	[tilespmem:$0x13F00] =	vst v63  }
.LBB2_15:
0x232: {  	_ =	sfence.sel $0x180000  }
0x233: {  	[bflag:$0x0] =	sbarrier.arrive $0xFFFF  }
0x234: {  	_ =	strace $0x90000047  }
0x235: {  	s0 =	stileid.u32;
	[bflag:$0x2] =	sbarrier.arrive $0xFFFF  }
0x236: {  	p0 =	sne.s32 s0, $0x0;
	s0 =	rddreg [dreg:$0x3]  }
0x237: {  	s0 =	sadd.s32 @!p0 $0x100000, s0  }
0x238: {  	[sflag:s0] =	ssyncadd.tile.s32 @!p0 $0x1;
	_ =	shalt  }
.Lfunc_end2:
_tile_overlayer_lowered:
.L_overlay_start_2:
0x239: {  	(tag) =	ssettag $0x2  }
0x23a: {  	s0 =	rddreg [dreg:$0x0];
	s2 =	stileid.u32  }
0x23b: {  	s1 =	rddreg [dreg:$0x1];
	p0 =	sne.s32 s2, $0x0  }
0x23c: {  	s3 =	rddreg [dreg:$0x2];
	[bflag:$0x3] =	sbarrier.arrive $0xFFFF;
	s2 =	simm.s32 @!p0 $0x1C07  }
0x23d: {  	[timem:s3], [sflag:s2] =	dma.local @!p0 [hbm:s0], s1  }
0x23e: {  	s0 =	simm.s32 @!p0 $0x7  }
0x23f: {  	_ =	swait.ge @!p0 [sflag:s0], s1  }
0x240: {  	s1 =	ssub.s32 @!p0 $0x0, s1;
	[sflag:s0] =	ssyncset.done @!p0 $0x0  }
0x241: {  	[sflag:s0] =	ssyncadd.s32 @!p0 s1  }
0x242: {  	[bflag:$0x3] =	sbarrier.arrive $0xFFFF  }
0x243: {  	_ =	shalt  }

</sc_bundles>
